<compile_context>
chip_gen: v7x
topology: tpu7x:2x2x1
jax: 0.10.2.dev20260603
libtpu: 0.0.44.dev20260713+nightly
codegen_flags: <defaults>
</compile_context>

<pallas_src>
import functools

import jax
import jax.numpy as jnp
from jax import lax
from jax.experimental import pallas as pl
from jax.experimental.pallas import tpu as pltpu
from jax.experimental.pallas import tpu_sc as plsc

N = 10000
E = 320000
D = 128
H = 128
C = 64

NC = 2
NS = 16
NPAD = 10240
RPT = NPAD // NS

ECH = 128
AECH = 64
ANCH = 158
EP = NC * NS * ANCH * AECH
NPADROWS = NPAD - N

DNCH = EP // NS // ECH

_mesh = plsc.VectorSubcoreMesh(core_axis_name="c", subcore_axis_name="s",
                               num_cores=NC)


@functools.partial(
    pl.kernel,
    out_type=jax.ShapeDtypeStruct((2, NPAD), jnp.float32),
    mesh=_mesh,
    scratch_types=[
        pltpu.VMEM((DNCH, ECH), jnp.int32),
        pltpu.VMEM((ECH,), jnp.float32),
        pltpu.VMEM((RPT,), jnp.float32),
        pltpu.VMEM_SHARED((NPAD,), jnp.float32),
    ],
)
def _deg_kernel(edges_hbm, zeros_hbm, out_hbm, idx_v, ones_v, row_v, acc_sh):
    c = lax.axis_index("c")
    s = lax.axis_index("s")
    pltpu.sync_copy(zeros_hbm.at[pl.ds(s * RPT, RPT)],
                    acc_sh.at[pl.ds(s * RPT, RPT)])
    pltpu.sync_copy(edges_hbm.at[c, s], idx_v)
    ones16 = jnp.ones((16,), jnp.float32)

    def fill_ones(i, _):
        ones_v[pl.ds(i * 16, 16)] = ones16
        return 0

    lax.fori_loop(0, ECH // 16, fill_ones, 0)
    plsc.subcore_barrier()

    def body(j, _):
        pltpu.sync_copy(ones_v, acc_sh.at[idx_v.at[j]], add=True)
        return 0

    lax.fori_loop(0, DNCH, body, 0)
    plsc.subcore_barrier()
    pltpu.sync_copy(acc_sh.at[pl.ds(s * RPT, RPT)], row_v)
    pltpu.sync_copy(row_v, out_hbm.at[c, pl.ds(s * RPT, RPT)])


@functools.partial(
    pl.kernel,
    out_type=jax.ShapeDtypeStruct((NC, NPAD, D), jnp.float32),
    mesh=_mesh,
    scratch_types=[
        pltpu.VMEM((8, AECH), jnp.int32),
        pltpu.VMEM((8, AECH), jnp.int32),
        pltpu.VMEM((4, AECH, D), jnp.float32),
        pltpu.SemaphoreType.DMA((4,)),
        pltpu.SemaphoreType.DMA((8,)),
        pltpu.VMEM_SHARED((NPAD, D), jnp.float32),
    ],
)
def _agg_kernel(x_hbm, edges_hbm, zrows_hbm, out_hbm, src_v, dst_v, buf_v,
                gsem, isem, acc_sh):
    c = lax.axis_index("c")
    s = lax.axis_index("s")
    pltpu.sync_copy(zrows_hbm, acc_sh.at[pl.ds(s * RPT, RPT)])
    plsc.subcore_barrier()

    def fire_idx(q):
        qq = q % 8
        pltpu.async_copy(edges_hbm.at[0, c, s, q], src_v.at[qq], isem.at[qq])
        pltpu.async_copy(edges_hbm.at[1, c, s, q], dst_v.at[qq], isem.at[qq])

    def wait_idx(q):
        qq = lax.rem(q, 8)
        pltpu.make_async_copy(edges_hbm.at[0, c, s, q], src_v.at[qq],
                              isem.at[qq]).wait()
        pltpu.make_async_copy(edges_hbm.at[1, c, s, q], dst_v.at[qq],
                              isem.at[qq]).wait()

    def fire_gather(q):
        pltpu.async_copy(x_hbm.at[src_v.at[lax.rem(q, 8)]],
                         buf_v.at[lax.rem(q, 4)], gsem.at[lax.rem(q, 4)])

    pltpu.sync_copy(edges_hbm.at[0, c, s, 0], src_v.at[0])
    pltpu.sync_copy(edges_hbm.at[1, c, s, 0], dst_v.at[0])
    for q in (1, 2, 3, 4):
        fire_idx(q)
    wait_idx(1)
    wait_idx(2)
    fire_gather(0)
    fire_gather(1)
    fire_gather(2)

    def body(j, _):
        p = lax.rem(j, 4)

        @pl.when(j + 3 < ANCH)
        def _():
            wait_idx(j + 3)
            fire_gather(j + 3)

        @pl.when(j + 5 < ANCH)
        def _():
            fire_idx(j + 5)

        pltpu.make_async_copy(x_hbm.at[src_v.at[lax.rem(j, 8)]], buf_v.at[p],
                              gsem.at[p]).wait()
        pltpu.sync_copy(buf_v.at[p], acc_sh.at[dst_v.at[lax.rem(j, 8)]],
                        add=True)
        return 0

    lax.fori_loop(0, ANCH, body, 0)
    plsc.subcore_barrier()
    pltpu.sync_copy(acc_sh.at[pl.ds(s * RPT, RPT)],
                    out_hbm.at[c, pl.ds(s * RPT, RPT)])


def _scale_body(x_ref, co_ref, out_ref):
    so = lax.rsqrt(jnp.maximum(co_ref[...], 1.0))
    out_ref[:N, :] = x_ref[...] * so
    out_ref[N:, :] = jnp.zeros((NPAD - N, D), jnp.float32)


def _layer_body(m_ref, ci_ref, co_ref, w_ref, b_ref, g_ref, be_ref, out_ref):
    m = m_ref[0, :N, :] + m_ref[1, :N, :]
    m = m * lax.rsqrt(jnp.maximum(ci_ref[...], 1.0))
    z = jnp.dot(m, w_ref[...], preferred_element_type=jnp.float32) + b_ref[...]
    mu = jnp.mean(z, axis=0, keepdims=True)
    zc = z - mu
    var = jnp.mean(zc * zc, axis=0, keepdims=True)
    h = zc * lax.rsqrt(var + 1e-5) * g_ref[...] + be_ref[...]
    h = jnp.maximum(h, 0.0)
    out_ref[:N, :] = h * lax.rsqrt(jnp.maximum(co_ref[...], 1.0))
    out_ref[N:, :] = jnp.zeros((NPAD - N, H), jnp.float32)


def _final_body(m_ref, ci_ref, w_ref, b_ref, g_ref, be_ref, wc_ref, bc_ref,
                out_ref):
    m = m_ref[0, :N, :] + m_ref[1, :N, :]
    m = m * lax.rsqrt(jnp.maximum(ci_ref[...], 1.0))
    z = jnp.dot(m, w_ref[...], preferred_element_type=jnp.float32) + b_ref[...]
    mu = jnp.mean(z, axis=0, keepdims=True)
    zc = z - mu
    var = jnp.mean(zc * zc, axis=0, keepdims=True)
    h = zc * lax.rsqrt(var + 1e-5) * g_ref[...] + be_ref[...]
    h = jnp.maximum(h, 0.0)
    out_ref[...] = (jnp.dot(h, wc_ref[...], preferred_element_type=jnp.float32)
                    + bc_ref[...])


_scale = pl.pallas_call(
    _scale_body, out_shape=jax.ShapeDtypeStruct((NPAD, D), jnp.float32))
_layer = pl.pallas_call(
    _layer_body, out_shape=jax.ShapeDtypeStruct((NPAD, H), jnp.float32))
_final = pl.pallas_call(
    _final_body, out_shape=jax.ShapeDtypeStruct((N, C), jnp.float32))


@jax.jit
def kernel(x, edge_index, W1, b1, g1, be1, W2, b2, g2, be2, Wc, bc):
    pad = (N + (jnp.arange(EP - E, dtype=jnp.int32) % NPADROWS))[None, :]
    e_pad = jnp.concatenate([edge_index, jnp.broadcast_to(pad, (2, EP - E))],
                            axis=1)
    e_deg = e_pad.reshape(2, NS, DNCH, ECH)
    e_agg = e_pad.reshape(2, NC, NS, ANCH, AECH)
    zeros1 = jnp.zeros((NPAD,), jnp.float32)
    zrows = jnp.zeros((RPT, D), jnp.float32)

    cnt = _deg_kernel(e_deg, zeros1)
    co = cnt[0, :N].reshape(N, 1)
    ci = cnt[1, :N].reshape(N, 1)

    xs = _scale(x, co)
    m1 = _agg_kernel(xs, e_agg, zrows)
    h1 = _layer(m1, ci, co, W1, b1.reshape(1, H), g1.reshape(1, H),
                be1.reshape(1, H))
    m2 = _agg_kernel(h1, e_agg, zrows)
    out = _final(m2, ci, W2, b2.reshape(1, H), g2.reshape(1, H),
                 be2.reshape(1, H), Wc, bc.reshape(1, C))
    return out

# --- scband reference (transcript-rebuilt; emitter-appended) ---
"""Pipeline reference for scband-co-pemodel-19997367730788 (READ-ONLY COPY).

The authoritative reference and input builder live on the scoring server;
editing this copy changes nothing except your own understanding.
"""

import jax, jax.numpy as jnp
import numpy as np

N = 10000
E = 320000
D = 128
H = 128
C = 64


def setup_inputs(seed: int = 0):
    key = jax.random.key(seed)
    ks = jax.random.split(key, 6)
    inp = {}
    inp["x"] = jax.random.normal(ks[0], (N, D), dtype=jnp.float32)
    inp["edge_index"] = jax.random.randint(ks[1], (2, E), 0, N, dtype=jnp.int32)
    inp["W1"] = jax.random.normal(ks[2], (D, H), dtype=jnp.float32) * 0.05
    inp["b1"] = jnp.zeros((H,), dtype=jnp.float32)
    inp["g1"] = jnp.ones((H,), dtype=jnp.float32)
    inp["be1"] = jnp.zeros((H,), dtype=jnp.float32)
    inp["W2"] = jax.random.normal(ks[3], (H, H), dtype=jnp.float32) * 0.05
    inp["b2"] = jnp.zeros((H,), dtype=jnp.float32)
    inp["g2"] = jnp.ones((H,), dtype=jnp.float32)
    inp["be2"] = jnp.zeros((H,), dtype=jnp.float32)
    inp["Wc"] = jax.random.normal(ks[4], (H, C), dtype=jnp.float32) * 0.05
    inp["bc"] = jnp.zeros((C,), dtype=jnp.float32)
    return inp


def _graph_conv(x, src, dst, W, b):
    # DGL GraphConv with norm='both', allow_zero_in_degree=True
    ones = jnp.ones((src.shape[0],), dtype=x.dtype)
    deg_out = jnp.maximum(jax.ops.segment_sum(ones, src, num_segments=N), 1.0)
    h = x * (deg_out ** -0.5)[:, None]
    m = jax.ops.segment_sum(h[src], dst, num_segments=N)
    deg_in = jnp.maximum(jax.ops.segment_sum(ones, dst, num_segments=N), 1.0)
    m = m * (deg_in ** -0.5)[:, None]
    return m @ W + b


def _batch_norm(h, gamma, beta, eps=1e-5):
    mu = jnp.mean(h, axis=0)
    var = jnp.var(h, axis=0)
    return (h - mu) / jnp.sqrt(var + eps) * gamma + beta


def reference(x, edge_index, W1, b1, g1, be1, W2, b2, g2, be2, Wc, bc):
    src = edge_index[0]
    dst = edge_index[1]
    h = jax.nn.relu(_batch_norm(_graph_conv(x, src, dst, W1, b1), g1, be1))
    # dropout is identity in deterministic/eval benchmarking mode
    h = jax.nn.relu(_batch_norm(_graph_conv(h, src, dst, W2, b2), g2, be2))
    return h @ Wc + bc

if __name__ == "__main__":
    import jax
    _d = setup_inputs()
    print(jax.jit(kernel)(*tuple(_d.values())))

</pallas_src>

<mosaic_0001>
#map = affine_map<(d0, d1) -> (0, 0)>
#map1 = affine_map<(d0, d1) -> (0, 0, 0, 0, 0)>
#map2 = affine_map<(d0, d1) -> (0, 0, 0)>
module attributes {stable_mosaic.version = 14 : i64} {
  func.func @_agg_kernel(%arg0: i32, %arg1: i32, %arg2: memref<10240x128xf32, #tpu.memory_space<hbm>>, %arg3: memref<2x2x16x158x64xi32, #tpu.memory_space<hbm>>, %arg4: memref<640x128xf32, #tpu.memory_space<hbm>>, %arg5: memref<2x10240x128xf32, #tpu.memory_space<hbm>>, %arg6: memref<8x64xi32, #tpu.memory_space<vmem>>, %arg7: memref<8x64xi32, #tpu.memory_space<vmem>>, %arg8: memref<4x64x128xf32, #tpu.memory_space<vmem>>, %arg9: memref<4x!tpu.dma_semaphore, #tpu.memory_space<semaphore_mem>>, %arg10: memref<8x!tpu.dma_semaphore, #tpu.memory_space<semaphore_mem>>, %arg11: memref<10240x128xf32, #tpu.memory_space<vmem_shared>>) attributes {dimension_semantics = [#tpu.dimension_semantics<core_parallel>, #tpu.dimension_semantics<subcore_parallel>], iteration_bounds = array<i64: 2, 16>, scalar_prefetch = 0 : i64, scratch_operands = 6 : i64, tpu.core_type = #tpu.core_type<sc_vector_subcore>, window_params = [{transform_indices = #map}, {transform_indices = #map1}, {transform_indices = #map}, {transform_indices = #map2}]} {
    %mul3A = arith.constant 640 : i32
    %mul3A_0 = arith.muli %arg1, %mul3A : i32
    "tpu.region"() ({
      %run_scoped3A_291 = tpu.sem_alloc : memref<!tpu.dma_semaphore, #tpu.memory_space<semaphore_mem>>
      %dma_start3A_292 = arith.constant 0 : i32
      %dma_start3A_293 = tpu.memref_slice %arg11[%mul3A_0, %dma_start3A_292] : memref<10240x128xf32, #tpu.memory_space<vmem_shared>> -> memref<640x128xf32, #tpu.memory_space<vmem_shared>>
      tpu.enqueue_dma source(%arg4 : memref<640x128xf32, #tpu.memory_space<hbm>>) target(%dma_start3A_293 : memref<640x128xf32, #tpu.memory_space<vmem_shared>>) target_semaphore(%run_scoped3A_291 : memref<!tpu.dma_semaphore, #tpu.memory_space<semaphore_mem>>)
      %dma_wait3A_294 = arith.constant 0 : i32
      %dma_wait3A_295 = tpu.memref_slice %arg11[%mul3A_0, %dma_wait3A_294] : memref<10240x128xf32, #tpu.memory_space<vmem_shared>> -> memref<640x128xf32, #tpu.memory_space<vmem_shared>>
      tpu.wait_dma2 semaphore(%run_scoped3A_291 : memref<!tpu.dma_semaphore, #tpu.memory_space<semaphore_mem>>) src(%arg4 : memref<640x128xf32, #tpu.memory_space<hbm>>) dst(%dma_wait3A_295 : memref<640x128xf32, #tpu.memory_space<vmem_shared>>)
      tpu.yield
    }) : () -> ()
    %barrier3A = arith.constant 0 : index
    tpu.barrier barrier_id(%barrier3A)
    %run_scoped3A = arith.constant 0 : i32
    %run_scoped3A_1 = arith.constant 0 : i32
    %run_scoped3A_2 = arith.constant 0 : i32
    "tpu.region"() ({
      %run_scoped3A_291 = tpu.sem_alloc : memref<!tpu.dma_semaphore, #tpu.memory_space<semaphore_mem>>
      %dma_start3A_292 = arith.constant 0 : i32
      %dma_start3A_293 = tpu.memref_slice %arg6[%run_scoped3A_2, %dma_start3A_292] : memref<8x64xi32, #tpu.memory_space<vmem>> -> memref<1x64xi32, #tpu.memory_space<vmem>>
      %dma_start3A_294 = tpu.memref_squeeze %dma_start3A_293 : memref<1x64xi32, #tpu.memory_space<vmem>> -> memref<64xi32, #tpu.memory_space<vmem>>
      %dma_start3A_295 = arith.constant 0 : i32
      %dma_start3A_296 = tpu.memref_slice %arg3[%run_scoped3A, %arg0, %arg1, %run_scoped3A_1, %dma_start3A_295] : memref<2x2x16x158x64xi32, #tpu.memory_space<hbm>> -> memref<1x1x1x1x64xi32, #tpu.memory_space<hbm>>
      %dma_start3A_297 = tpu.memref_squeeze %dma_start3A_296 : memref<1x1x1x1x64xi32, #tpu.memory_space<hbm>> -> memref<64xi32, #tpu.memory_space<hbm>>
      %dma_start3A_298 = arith.constant 0 : i32
      %dma_start3A_299 = tpu.memref_slice %arg6[%run_scoped3A_2, %dma_start3A_298] : memref<8x64xi32, #tpu.memory_space<vmem>> -> memref<1x64xi32, #tpu.memory_space<vmem>>
      %dma_start3A_300 = tpu.memref_squeeze %dma_start3A_299 : memref<1x64xi32, #tpu.memory_space<vmem>> -> memref<64xi32, #tpu.memory_space<vmem>>
      %dma_start3A_301 = arith.constant 0 : i32
      %dma_start3A_302 = tpu.memref_slice %arg3[%run_scoped3A, %arg0, %arg1, %run_scoped3A_1, %dma_start3A_301] : memref<2x2x16x158x64xi32, #tpu.memory_space<hbm>> -> memref<1x1x1x1x64xi32, #tpu.memory_space<hbm>>
      %dma_start3A_303 = tpu.memref_squeeze %dma_start3A_302 : memref<1x1x1x1x64xi32, #tpu.memory_space<hbm>> -> memref<64xi32, #tpu.memory_space<hbm>>
      tpu.enqueue_dma source(%dma_start3A_303 : memref<64xi32, #tpu.memory_space<hbm>>) target(%dma_start3A_300 : memref<64xi32, #tpu.memory_space<vmem>>) target_semaphore(%run_scoped3A_291 : memref<!tpu.dma_semaphore, #tpu.memory_space<semaphore_mem>>)
      %dma_wait3A_304 = arith.constant 0 : i32
      %dma_wait3A_305 = tpu.memref_slice %arg6[%run_scoped3A_2, %dma_wait3A_304] : memref<8x64xi32, #tpu.memory_space<vmem>> -> memref<1x64xi32, #tpu.memory_space<vmem>>
      %dma_wait3A_306 = tpu.memref_squeeze %dma_wait3A_305 : memref<1x64xi32, #tpu.memory_space<vmem>> -> memref<64xi32, #tpu.memory_space<vmem>>
      %dma_wait3A_307 = arith.constant 0 : i32
      %dma_wait3A_308 = tpu.memref_slice %arg3[%run_scoped3A, %arg0, %arg1, %run_scoped3A_1, %dma_wait3A_307] : memref<2x2x16x158x64xi32, #tpu.memory_space<hbm>> -> memref<1x1x1x1x64xi32, #tpu.memory_space<hbm>>
      %dma_wait3A_309 = tpu.memref_squeeze %dma_wait3A_308 : memref<1x1x1x1x64xi32, #tpu.memory_space<hbm>> -> memref<64xi32, #tpu.memory_space<hbm>>
      %dma_wait3A_310 = arith.constant 0 : i32
      %dma_wait3A_311 = tpu.memref_slice %arg6[%run_scoped3A_2, %dma_wait3A_310] : memref<8x64xi32, #tpu.memory_space<vmem>> -> memref<1x64xi32, #tpu.memory_space<vmem>>
      %dma_wait3A_312 = tpu.memref_squeeze %dma_wait3A_311 : memref<1x64xi32, #tpu.memory_space<vmem>> -> memref<64xi32, #tpu.memory_space<vmem>>
      %dma_wait3A_313 = arith.constant 0 : i32
      %dma_wait3A_314 = tpu.memref_slice %arg3[%run_scoped3A, %arg0, %arg1, %run_scoped3A_1, %dma_wait3A_313] : memref<2x2x16x158x64xi32, #tpu.memory_space<hbm>> -> memref<1x1x1x1x64xi32, #tpu.memory_space<hbm>>
      %dma_wait3A_315 = tpu.memref_squeeze %dma_wait3A_314 : memref<1x1x1x1x64xi32, #tpu.memory_space<hbm>> -> memref<64xi32, #tpu.memory_space<hbm>>
      tpu.wait_dma2 semaphore(%run_scoped3A_291 : memref<!tpu.dma_semaphore, #tpu.memory_space<semaphore_mem>>) src(%dma_wait3A_315 : memref<64xi32, #tpu.memory_space<hbm>>) dst(%dma_wait3A_312 : memref<64xi32, #tpu.memory_space<vmem>>)
      tpu.yield
    }) : () -> ()
    %run_scoped3A_3 = arith.constant 1 : i32
    %run_scoped3A_4 = arith.constant 0 : i32
    %run_scoped3A_5 = arith.constant 0 : i32
    "tpu.region"() ({
      %run_scoped3A_291 = tpu.sem_alloc : memref<!tpu.dma_semaphore, #tpu.memory_space<semaphore_mem>>
      %dma_start3A_292 = arith.constant 0 : i32
      %dma_start3A_293 = tpu.memref_slice %arg7[%run_scoped3A_5, %dma_start3A_292] : memref<8x64xi32, #tpu.memory_space<vmem>> -> memref<1x64xi32, #tpu.memory_space<vmem>>
      %dma_start3A_294 = tpu.memref_squeeze %dma_start3A_293 : memref<1x64xi32, #tpu.memory_space<vmem>> -> memref<64xi32, #tpu.memory_space<vmem>>
      %dma_start3A_295 = arith.constant 0 : i32
      %dma_start3A_296 = tpu.memref_slice %arg3[%run_scoped3A_3, %arg0, %arg1, %run_scoped3A_4, %dma_start3A_295] : memref<2x2x16x158x64xi32, #tpu.memory_space<hbm>> -> memref<1x1x1x1x64xi32, #tpu.memory_space<hbm>>
      %dma_start3A_297 = tpu.memref_squeeze %dma_start3A_296 : memref<1x1x1x1x64xi32, #tpu.memory_space<hbm>> -> memref<64xi32, #tpu.memory_space<hbm>>
      %dma_start3A_298 = arith.constant 0 : i32
      %dma_start3A_299 = tpu.memref_slice %arg7[%run_scoped3A_5, %dma_start3A_298] : memref<8x64xi32, #tpu.memory_space<vmem>> -> memref<1x64xi32, #tpu.memory_space<vmem>>
      %dma_start3A_300 = tpu.memref_squeeze %dma_start3A_299 : memref<1x64xi32, #tpu.memory_space<vmem>> -> memref<64xi32, #tpu.memory_space<vmem>>
      %dma_start3A_301 = arith.constant 0 : i32
      %dma_start3A_302 = tpu.memref_slice %arg3[%run_scoped3A_3, %arg0, %arg1, %run_scoped3A_4, %dma_start3A_301] : memref<2x2x16x158x64xi32, #tpu.memory_space<hbm>> -> memref<1x1x1x1x64xi32, #tpu.memory_space<hbm>>
      %dma_start3A_303 = tpu.memref_squeeze %dma_start3A_302 : memref<1x1x1x1x64xi32, #tpu.memory_space<hbm>> -> memref<64xi32, #tpu.memory_space<hbm>>
      tpu.enqueue_dma source(%dma_start3A_303 : memref<64xi32, #tpu.memory_space<hbm>>) target(%dma_start3A_300 : memref<64xi32, #tpu.memory_space<vmem>>) target_semaphore(%run_scoped3A_291 : memref<!tpu.dma_semaphore, #tpu.memory_space<semaphore_mem>>)
      %dma_wait3A_304 = arith.constant 0 : i32
      %dma_wait3A_305 = tpu.memref_slice %arg7[%run_scoped3A_5, %dma_wait3A_304] : memref<8x64xi32, #tpu.memory_space<vmem>> -> memref<1x64xi32, #tpu.memory_space<vmem>>
      %dma_wait3A_306 = tpu.memref_squeeze %dma_wait3A_305 : memref<1x64xi32, #tpu.memory_space<vmem>> -> memref<64xi32, #tpu.memory_space<vmem>>
      %dma_wait3A_307 = arith.constant 0 : i32
      %dma_wait3A_308 = tpu.memref_slice %arg3[%run_scoped3A_3, %arg0, %arg1, %run_scoped3A_4, %dma_wait3A_307] : memref<2x2x16x158x64xi32, #tpu.memory_space<hbm>> -> memref<1x1x1x1x64xi32, #tpu.memory_space<hbm>>
      %dma_wait3A_309 = tpu.memref_squeeze %dma_wait3A_308 : memref<1x1x1x1x64xi32, #tpu.memory_space<hbm>> -> memref<64xi32, #tpu.memory_space<hbm>>
      %dma_wait3A_310 = arith.constant 0 : i32
      %dma_wait3A_311 = tpu.memref_slice %arg7[%run_scoped3A_5, %dma_wait3A_310] : memref<8x64xi32, #tpu.memory_space<vmem>> -> memref<1x64xi32, #tpu.memory_space<vmem>>
      %dma_wait3A_312 = tpu.memref_squeeze %dma_wait3A_311 : memref<1x64xi32, #tpu.memory_space<vmem>> -> memref<64xi32, #tpu.memory_space<vmem>>
      %dma_wait3A_313 = arith.constant 0 : i32
      %dma_wait3A_314 = tpu.memref_slice %arg3[%run_scoped3A_3, %arg0, %arg1, %run_scoped3A_4, %dma_wait3A_313] : memref<2x2x16x158x64xi32, #tpu.memory_space<hbm>> -> memref<1x1x1x1x64xi32, #tpu.memory_space<hbm>>
      %dma_wait3A_315 = tpu.memref_squeeze %dma_wait3A_314 : memref<1x1x1x1x64xi32, #tpu.memory_space<hbm>> -> memref<64xi32, #tpu.memory_space<hbm>>
      tpu.wait_dma2 semaphore(%run_scoped3A_291 : memref<!tpu.dma_semaphore, #tpu.memory_space<semaphore_mem>>) src(%dma_wait3A_315 : memref<64xi32, #tpu.memory_space<hbm>>) dst(%dma_wait3A_312 : memref<64xi32, #tpu.memory_space<vmem>>)
      tpu.yield
    }) : () -> ()
    %dma_start3A = arith.constant 0 : i32
    %dma_start3A_6 = arith.constant 1 : i32
    %dma_start3A_7 = arith.constant 1 : i32
    %dma_start3A_8 = arith.constant 1 : i32
    %dma_start3A_9 = arith.constant 0 : i32
    %dma_start3A_10 = tpu.memref_slice %arg6[%dma_start3A_7, %dma_start3A_9] : memref<8x64xi32, #tpu.memory_space<vmem>> -> memref<1x64xi32, #tpu.memory_space<vmem>>
    %dma_start3A_11 = tpu.memref_squeeze %dma_start3A_10 : memref<1x64xi32, #tpu.memory_space<vmem>> -> memref<64xi32, #tpu.memory_space<vmem>>
    %dma_start3A_12 = arith.constant 0 : i32
    %dma_start3A_13 = tpu.memref_slice %arg3[%dma_start3A, %arg0, %arg1, %dma_start3A_6, %dma_start3A_12] : memref<2x2x16x158x64xi32, #tpu.memory_space<hbm>> -> memref<1x1x1x1x64xi32, #tpu.memory_space<hbm>>
    %dma_start3A_14 = tpu.memref_squeeze %dma_start3A_13 : memref<1x1x1x1x64xi32, #tpu.memory_space<hbm>> -> memref<64xi32, #tpu.memory_space<hbm>>
    %dma_start3A_15 = tpu.memref_slice %arg10[%dma_start3A_8] : memref<8x!tpu.dma_semaphore, #tpu.memory_space<semaphore_mem>> -> memref<1x!tpu.dma_semaphore, #tpu.memory_space<semaphore_mem>>
    %dma_start3A_16 = tpu.memref_squeeze %dma_start3A_15 : memref<1x!tpu.dma_semaphore, #tpu.memory_space<semaphore_mem>> -> memref<!tpu.dma_semaphore, #tpu.memory_space<semaphore_mem>>
    %dma_start3A_17 = arith.constant 0 : i32
    %dma_start3A_18 = tpu.memref_slice %arg6[%dma_start3A_7, %dma_start3A_17] : memref<8x64xi32, #tpu.memory_space<vmem>> -> memref<1x64xi32, #tpu.memory_space<vmem>>
    %dma_start3A_19 = tpu.memref_squeeze %dma_start3A_18 : memref<1x64xi32, #tpu.memory_space<vmem>> -> memref<64xi32, #tpu.memory_space<vmem>>
    %dma_start3A_20 = arith.constant 0 : i32
    %dma_start3A_21 = tpu.memref_slice %arg3[%dma_start3A, %arg0, %arg1, %dma_start3A_6, %dma_start3A_20] : memref<2x2x16x158x64xi32, #tpu.memory_space<hbm>> -> memref<1x1x1x1x64xi32, #tpu.memory_space<hbm>>
    %dma_start3A_22 = tpu.memref_squeeze %dma_start3A_21 : memref<1x1x1x1x64xi32, #tpu.memory_space<hbm>> -> memref<64xi32, #tpu.memory_space<hbm>>
    tpu.enqueue_dma source(%dma_start3A_22 : memref<64xi32, #tpu.memory_space<hbm>>) target(%dma_start3A_19 : memref<64xi32, #tpu.memory_space<vmem>>) target_semaphore(%dma_start3A_16 : memref<!tpu.dma_semaphore, #tpu.memory_space<semaphore_mem>>)
    %dma_start3A_23 = arith.constant 1 : i32
    %dma_start3A_24 = arith.constant 1 : i32
    %dma_start3A_25 = arith.constant 1 : i32
    %dma_start3A_26 = arith.constant 1 : i32
    %dma_start3A_27 = arith.constant 0 : i32
    %dma_start3A_28 = tpu.memref_slice %arg7[%dma_start3A_25, %dma_start3A_27] : memref<8x64xi32, #tpu.memory_space<vmem>> -> memref<1x64xi32, #tpu.memory_space<vmem>>
    %dma_start3A_29 = tpu.memref_squeeze %dma_start3A_28 : memref<1x64xi32, #tpu.memory_space<vmem>> -> memref<64xi32, #tpu.memory_space<vmem>>
    %dma_start3A_30 = arith.constant 0 : i32
    %dma_start3A_31 = tpu.memref_slice %arg3[%dma_start3A_23, %arg0, %arg1, %dma_start3A_24, %dma_start3A_30] : memref<2x2x16x158x64xi32, #tpu.memory_space<hbm>> -> memref<1x1x1x1x64xi32, #tpu.memory_space<hbm>>
    %dma_start3A_32 = tpu.memref_squeeze %dma_start3A_31 : memref<1x1x1x1x64xi32, #tpu.memory_space<hbm>> -> memref<64xi32, #tpu.memory_space<hbm>>
    %dma_start3A_33 = tpu.memref_slice %arg10[%dma_start3A_26] : memref<8x!tpu.dma_semaphore, #tpu.memory_space<semaphore_mem>> -> memref<1x!tpu.dma_semaphore, #tpu.memory_space<semaphore_mem>>
    %dma_start3A_34 = tpu.memref_squeeze %dma_start3A_33 : memref<1x!tpu.dma_semaphore, #tpu.memory_space<semaphore_mem>> -> memref<!tpu.dma_semaphore, #tpu.memory_space<semaphore_mem>>
    %dma_start3A_35 = arith.constant 0 : i32
    %dma_start3A_36 = tpu.memref_slice %arg7[%dma_start3A_25, %dma_start3A_35] : memref<8x64xi32, #tpu.memory_space<vmem>> -> memref<1x64xi32, #tpu.memory_space<vmem>>
    %dma_start3A_37 = tpu.memref_squeeze %dma_start3A_36 : memref<1x64xi32, #tpu.memory_space<vmem>> -> memref<64xi32, #tpu.memory_space<vmem>>
    %dma_start3A_38 = arith.constant 0 : i32
    %dma_start3A_39 = tpu.memref_slice %arg3[%dma_start3A_23, %arg0, %arg1, %dma_start3A_24, %dma_start3A_38] : memref<2x2x16x158x64xi32, #tpu.memory_space<hbm>> -> memref<1x1x1x1x64xi32, #tpu.memory_space<hbm>>
    %dma_start3A_40 = tpu.memref_squeeze %dma_start3A_39 : memref<1x1x1x1x64xi32, #tpu.memory_space<hbm>> -> memref<64xi32, #tpu.memory_space<hbm>>
    tpu.enqueue_dma source(%dma_start3A_40 : memref<64xi32, #tpu.memory_space<hbm>>) target(%dma_start3A_37 : memref<64xi32, #tpu.memory_space<vmem>>) target_semaphore(%dma_start3A_34 : memref<!tpu.dma_semaphore, #tpu.memory_space<semaphore_mem>>)
    %dma_start3A_41 = arith.constant 0 : i32
    %dma_start3A_42 = arith.constant 2 : i32
    %dma_start3A_43 = arith.constant 2 : i32
    %dma_start3A_44 = arith.constant 2 : i32
    %dma_start3A_45 = arith.constant 0 : i32
    %dma_start3A_46 = tpu.memref_slice %arg6[%dma_start3A_43, %dma_start3A_45] : memref<8x64xi32, #tpu.memory_space<vmem>> -> memref<1x64xi32, #tpu.memory_space<vmem>>
    %dma_start3A_47 = tpu.memref_squeeze %dma_start3A_46 : memref<1x64xi32, #tpu.memory_space<vmem>> -> memref<64xi32, #tpu.memory_space<vmem>>
    %dma_start3A_48 = arith.constant 0 : i32
    %dma_start3A_49 = tpu.memref_slice %arg3[%dma_start3A_41, %arg0, %arg1, %dma_start3A_42, %dma_start3A_48] : memref<2x2x16x158x64xi32, #tpu.memory_space<hbm>> -> memref<1x1x1x1x64xi32, #tpu.memory_space<hbm>>
    %dma_start3A_50 = tpu.memref_squeeze %dma_start3A_49 : memref<1x1x1x1x64xi32, #tpu.memory_space<hbm>> -> memref<64xi32, #tpu.memory_space<hbm>>
    %dma_start3A_51 = tpu.memref_slice %arg10[%dma_start3A_44] : memref<8x!tpu.dma_semaphore, #tpu.memory_space<semaphore_mem>> -> memref<1x!tpu.dma_semaphore, #tpu.memory_space<semaphore_mem>>
    %dma_start3A_52 = tpu.memref_squeeze %dma_start3A_51 : memref<1x!tpu.dma_semaphore, #tpu.memory_space<semaphore_mem>> -> memref<!tpu.dma_semaphore, #tpu.memory_space<semaphore_mem>>
    %dma_start3A_53 = arith.constant 0 : i32
    %dma_start3A_54 = tpu.memref_slice %arg6[%dma_start3A_43, %dma_start3A_53] : memref<8x64xi32, #tpu.memory_space<vmem>> -> memref<1x64xi32, #tpu.memory_space<vmem>>
    %dma_start3A_55 = tpu.memref_squeeze %dma_start3A_54 : memref<1x64xi32, #tpu.memory_space<vmem>> -> memref<64xi32, #tpu.memory_space<vmem>>
    %dma_start3A_56 = arith.constant 0 : i32
    %dma_start3A_57 = tpu.memref_slice %arg3[%dma_start3A_41, %arg0, %arg1, %dma_start3A_42, %dma_start3A_56] : memref<2x2x16x158x64xi32, #tpu.memory_space<hbm>> -> memref<1x1x1x1x64xi32, #tpu.memory_space<hbm>>
    %dma_start3A_58 = tpu.memref_squeeze %dma_start3A_57 : memref<1x1x1x1x64xi32, #tpu.memory_space<hbm>> -> memref<64xi32, #tpu.memory_space<hbm>>
    tpu.enqueue_dma source(%dma_start3A_58 : memref<64xi32, #tpu.memory_space<hbm>>) target(%dma_start3A_55 : memref<64xi32, #tpu.memory_space<vmem>>) target_semaphore(%dma_start3A_52 : memref<!tpu.dma_semaphore, #tpu.memory_space<semaphore_mem>>)
    %dma_start3A_59 = arith.constant 1 : i32
    %dma_start3A_60 = arith.constant 2 : i32
    %dma_start3A_61 = arith.constant 2 : i32
    %dma_start3A_62 = arith.constant 2 : i32
    %dma_start3A_63 = arith.constant 0 : i32
    %dma_start3A_64 = tpu.memref_slice %arg7[%dma_start3A_61, %dma_start3A_63] : memref<8x64xi32, #tpu.memory_space<vmem>> -> memref<1x64xi32, #tpu.memory_space<vmem>>
    %dma_start3A_65 = tpu.memref_squeeze %dma_start3A_64 : memref<1x64xi32, #tpu.memory_space<vmem>> -> memref<64xi32, #tpu.memory_space<vmem>>
    %dma_start3A_66 = arith.constant 0 : i32
    %dma_start3A_67 = tpu.memref_slice %arg3[%dma_start3A_59, %arg0, %arg1, %dma_start3A_60, %dma_start3A_66] : memref<2x2x16x158x64xi32, #tpu.memory_space<hbm>> -> memref<1x1x1x1x64xi32, #tpu.memory_space<hbm>>
    %dma_start3A_68 = tpu.memref_squeeze %dma_start3A_67 : memref<1x1x1x1x64xi32, #tpu.memory_space<hbm>> -> memref<64xi32, #tpu.memory_space<hbm>>
    %dma_start3A_69 = tpu.memref_slice %arg10[%dma_start3A_62] : memref<8x!tpu.dma_semaphore, #tpu.memory_space<semaphore_mem>> -> memref<1x!tpu.dma_semaphore, #tpu.memory_space<semaphore_mem>>
    %dma_start3A_70 = tpu.memref_squeeze %dma_start3A_69 : memref<1x!tpu.dma_semaphore, #tpu.memory_space<semaphore_mem>> -> memref<!tpu.dma_semaphore, #tpu.memory_space<semaphore_mem>>
    %dma_start3A_71 = arith.constant 0 : i32
    %dma_start3A_72 = tpu.memref_slice %arg7[%dma_start3A_61, %dma_start3A_71] : memref<8x64xi32, #tpu.memory_space<vmem>> -> memref<1x64xi32, #tpu.memory_space<vmem>>
    %dma_start3A_73 = tpu.memref_squeeze %dma_start3A_72 : memref<1x64xi32, #tpu.memory_space<vmem>> -> memref<64xi32, #tpu.memory_space<vmem>>
    %dma_start3A_74 = arith.constant 0 : i32
    %dma_start3A_75 = tpu.memref_slice %arg3[%dma_start3A_59, %arg0, %arg1, %dma_start3A_60, %dma_start3A_74] : memref<2x2x16x158x64xi32, #tpu.memory_space<hbm>> -> memref<1x1x1x1x64xi32, #tpu.memory_space<hbm>>
    %dma_start3A_76 = tpu.memref_squeeze %dma_start3A_75 : memref<1x1x1x1x64xi32, #tpu.memory_space<hbm>> -> memref<64xi32, #tpu.memory_space<hbm>>
    tpu.enqueue_dma source(%dma_start3A_76 : memref<64xi32, #tpu.memory_space<hbm>>) target(%dma_start3A_73 : memref<64xi32, #tpu.memory_space<vmem>>) target_semaphore(%dma_start3A_70 : memref<!tpu.dma_semaphore, #tpu.memory_space<semaphore_mem>>)
    %dma_start3A_77 = arith.constant 0 : i32
    %dma_start3A_78 = arith.constant 3 : i32
    %dma_start3A_79 = arith.constant 3 : i32
    %dma_start3A_80 = arith.constant 3 : i32
    %dma_start3A_81 = arith.constant 0 : i32
    %dma_start3A_82 = tpu.memref_slice %arg6[%dma_start3A_79, %dma_start3A_81] : memref<8x64xi32, #tpu.memory_space<vmem>> -> memref<1x64xi32, #tpu.memory_space<vmem>>
    %dma_start3A_83 = tpu.memref_squeeze %dma_start3A_82 : memref<1x64xi32, #tpu.memory_space<vmem>> -> memref<64xi32, #tpu.memory_space<vmem>>
    %dma_start3A_84 = arith.constant 0 : i32
    %dma_start3A_85 = tpu.memref_slice %arg3[%dma_start3A_77, %arg0, %arg1, %dma_start3A_78, %dma_start3A_84] : memref<2x2x16x158x64xi32, #tpu.memory_space<hbm>> -> memref<1x1x1x1x64xi32, #tpu.memory_space<hbm>>
    %dma_start3A_86 = tpu.memref_squeeze %dma_start3A_85 : memref<1x1x1x1x64xi32, #tpu.memory_space<hbm>> -> memref<64xi32, #tpu.memory_space<hbm>>
    %dma_start3A_87 = tpu.memref_slice %arg10[%dma_start3A_80] : memref<8x!tpu.dma_semaphore, #tpu.memory_space<semaphore_mem>> -> memref<1x!tpu.dma_semaphore, #tpu.memory_space<semaphore_mem>>
    %dma_start3A_88 = tpu.memref_squeeze %dma_start3A_87 : memref<1x!tpu.dma_semaphore, #tpu.memory_space<semaphore_mem>> -> memref<!tpu.dma_semaphore, #tpu.memory_space<semaphore_mem>>
    %dma_start3A_89 = arith.constant 0 : i32
    %dma_start3A_90 = tpu.memref_slice %arg6[%dma_start3A_79, %dma_start3A_89] : memref<8x64xi32, #tpu.memory_space<vmem>> -> memref<1x64xi32, #tpu.memory_space<vmem>>
    %dma_start3A_91 = tpu.memref_squeeze %dma_start3A_90 : memref<1x64xi32, #tpu.memory_space<vmem>> -> memref<64xi32, #tpu.memory_space<vmem>>
    %dma_start3A_92 = arith.constant 0 : i32
    %dma_start3A_93 = tpu.memref_slice %arg3[%dma_start3A_77, %arg0, %arg1, %dma_start3A_78, %dma_start3A_92] : memref<2x2x16x158x64xi32, #tpu.memory_space<hbm>> -> memref<1x1x1x1x64xi32, #tpu.memory_space<hbm>>
    %dma_start3A_94 = tpu.memref_squeeze %dma_start3A_93 : memref<1x1x1x1x64xi32, #tpu.memory_space<hbm>> -> memref<64xi32, #tpu.memory_space<hbm>>
    tpu.enqueue_dma source(%dma_start3A_94 : memref<64xi32, #tpu.memory_space<hbm>>) target(%dma_start3A_91 : memref<64xi32, #tpu.memory_space<vmem>>) target_semaphore(%dma_start3A_88 : memref<!tpu.dma_semaphore, #tpu.memory_space<semaphore_mem>>)
    %dma_start3A_95 = arith.constant 1 : i32
    %dma_start3A_96 = arith.constant 3 : i32
    %dma_start3A_97 = arith.constant 3 : i32
    %dma_start3A_98 = arith.constant 3 : i32
    %dma_start3A_99 = arith.constant 0 : i32
    %dma_start3A_100 = tpu.memref_slice %arg7[%dma_start3A_97, %dma_start3A_99] : memref<8x64xi32, #tpu.memory_space<vmem>> -> memref<1x64xi32, #tpu.memory_space<vmem>>
    %dma_start3A_101 = tpu.memref_squeeze %dma_start3A_100 : memref<1x64xi32, #tpu.memory_space<vmem>> -> memref<64xi32, #tpu.memory_space<vmem>>
    %dma_start3A_102 = arith.constant 0 : i32
    %dma_start3A_103 = tpu.memref_slice %arg3[%dma_start3A_95, %arg0, %arg1, %dma_start3A_96, %dma_start3A_102] : memref<2x2x16x158x64xi32, #tpu.memory_space<hbm>> -> memref<1x1x1x1x64xi32, #tpu.memory_space<hbm>>
    %dma_start3A_104 = tpu.memref_squeeze %dma_start3A_103 : memref<1x1x1x1x64xi32, #tpu.memory_space<hbm>> -> memref<64xi32, #tpu.memory_space<hbm>>
    %dma_start3A_105 = tpu.memref_slice %arg10[%dma_start3A_98] : memref<8x!tpu.dma_semaphore, #tpu.memory_space<semaphore_mem>> -> memref<1x!tpu.dma_semaphore, #tpu.memory_space<semaphore_mem>>
    %dma_start3A_106 = tpu.memref_squeeze %dma_start3A_105 : memref<1x!tpu.dma_semaphore, #tpu.memory_space<semaphore_mem>> -> memref<!tpu.dma_semaphore, #tpu.memory_space<semaphore_mem>>
    %dma_start3A_107 = arith.constant 0 : i32
    %dma_start3A_108 = tpu.memref_slice %arg7[%dma_start3A_97, %dma_start3A_107] : memref<8x64xi32, #tpu.memory_space<vmem>> -> memref<1x64xi32, #tpu.memory_space<vmem>>
    %dma_start3A_109 = tpu.memref_squeeze %dma_start3A_108 : memref<1x64xi32, #tpu.memory_space<vmem>> -> memref<64xi32, #tpu.memory_space<vmem>>
    %dma_start3A_110 = arith.constant 0 : i32
    %dma_start3A_111 = tpu.memref_slice %arg3[%dma_start3A_95, %arg0, %arg1, %dma_start3A_96, %dma_start3A_110] : memref<2x2x16x158x64xi32, #tpu.memory_space<hbm>> -> memref<1x1x1x1x64xi32, #tpu.memory_space<hbm>>
    %dma_start3A_112 = tpu.memref_squeeze %dma_start3A_111 : memref<1x1x1x1x64xi32, #tpu.memory_space<hbm>> -> memref<64xi32, #tpu.memory_space<hbm>>
    tpu.enqueue_dma source(%dma_start3A_112 : memref<64xi32, #tpu.memory_space<hbm>>) target(%dma_start3A_109 : memref<64xi32, #tpu.memory_space<vmem>>) target_semaphore(%dma_start3A_106 : memref<!tpu.dma_semaphore, #tpu.memory_space<semaphore_mem>>)
    %dma_start3A_113 = arith.constant 0 : i32
    %dma_start3A_114 = arith.constant 4 : i32
    %dma_start3A_115 = arith.constant 4 : i32
    %dma_start3A_116 = arith.constant 4 : i32
    %dma_start3A_117 = arith.constant 0 : i32
    %dma_start3A_118 = tpu.memref_slice %arg6[%dma_start3A_115, %dma_start3A_117] : memref<8x64xi32, #tpu.memory_space<vmem>> -> memref<1x64xi32, #tpu.memory_space<vmem>>
    %dma_start3A_119 = tpu.memref_squeeze %dma_start3A_118 : memref<1x64xi32, #tpu.memory_space<vmem>> -> memref<64xi32, #tpu.memory_space<vmem>>
    %dma_start3A_120 = arith.constant 0 : i32
    %dma_start3A_121 = tpu.memref_slice %arg3[%dma_start3A_113, %arg0, %arg1, %dma_start3A_114, %dma_start3A_120] : memref<2x2x16x158x64xi32, #tpu.memory_space<hbm>> -> memref<1x1x1x1x64xi32, #tpu.memory_space<hbm>>
    %dma_start3A_122 = tpu.memref_squeeze %dma_start3A_121 : memref<1x1x1x1x64xi32, #tpu.memory_space<hbm>> -> memref<64xi32, #tpu.memory_space<hbm>>
    %dma_start3A_123 = tpu.memref_slice %arg10[%dma_start3A_116] : memref<8x!tpu.dma_semaphore, #tpu.memory_space<semaphore_mem>> -> memref<1x!tpu.dma_semaphore, #tpu.memory_space<semaphore_mem>>
    %dma_start3A_124 = tpu.memref_squeeze %dma_start3A_123 : memref<1x!tpu.dma_semaphore, #tpu.memory_space<semaphore_mem>> -> memref<!tpu.dma_semaphore, #tpu.memory_space<semaphore_mem>>
    %dma_start3A_125 = arith.constant 0 : i32
    %dma_start3A_126 = tpu.memref_slice %arg6[%dma_start3A_115, %dma_start3A_125] : memref<8x64xi32, #tpu.memory_space<vmem>> -> memref<1x64xi32, #tpu.memory_space<vmem>>
    %dma_start3A_127 = tpu.memref_squeeze %dma_start3A_126 : memref<1x64xi32, #tpu.memory_space<vmem>> -> memref<64xi32, #tpu.memory_space<vmem>>
    %dma_start3A_128 = arith.constant 0 : i32
    %dma_start3A_129 = tpu.memref_slice %arg3[%dma_start3A_113, %arg0, %arg1, %dma_start3A_114, %dma_start3A_128] : memref<2x2x16x158x64xi32, #tpu.memory_space<hbm>> -> memref<1x1x1x1x64xi32, #tpu.memory_space<hbm>>
    %dma_start3A_130 = tpu.memref_squeeze %dma_start3A_129 : memref<1x1x1x1x64xi32, #tpu.memory_space<hbm>> -> memref<64xi32, #tpu.memory_space<hbm>>
    tpu.enqueue_dma source(%dma_start3A_130 : memref<64xi32, #tpu.memory_space<hbm>>) target(%dma_start3A_127 : memref<64xi32, #tpu.memory_space<vmem>>) target_semaphore(%dma_start3A_124 : memref<!tpu.dma_semaphore, #tpu.memory_space<semaphore_mem>>)
    %dma_start3A_131 = arith.constant 1 : i32
    %dma_start3A_132 = arith.constant 4 : i32
    %dma_start3A_133 = arith.constant 4 : i32
    %dma_start3A_134 = arith.constant 4 : i32
    %dma_start3A_135 = arith.constant 0 : i32
    %dma_start3A_136 = tpu.memref_slice %arg7[%dma_start3A_133, %dma_start3A_135] : memref<8x64xi32, #tpu.memory_space<vmem>> -> memref<1x64xi32, #tpu.memory_space<vmem>>
    %dma_start3A_137 = tpu.memref_squeeze %dma_start3A_136 : memref<1x64xi32, #tpu.memory_space<vmem>> -> memref<64xi32, #tpu.memory_space<vmem>>
    %dma_start3A_138 = arith.constant 0 : i32
    %dma_start3A_139 = tpu.memref_slice %arg3[%dma_start3A_131, %arg0, %arg1, %dma_start3A_132, %dma_start3A_138] : memref<2x2x16x158x64xi32, #tpu.memory_space<hbm>> -> memref<1x1x1x1x64xi32, #tpu.memory_space<hbm>>
    %dma_start3A_140 = tpu.memref_squeeze %dma_start3A_139 : memref<1x1x1x1x64xi32, #tpu.memory_space<hbm>> -> memref<64xi32, #tpu.memory_space<hbm>>
    %dma_start3A_141 = tpu.memref_slice %arg10[%dma_start3A_134] : memref<8x!tpu.dma_semaphore, #tpu.memory_space<semaphore_mem>> -> memref<1x!tpu.dma_semaphore, #tpu.memory_space<semaphore_mem>>
    %dma_start3A_142 = tpu.memref_squeeze %dma_start3A_141 : memref<1x!tpu.dma_semaphore, #tpu.memory_space<semaphore_mem>> -> memref<!tpu.dma_semaphore, #tpu.memory_space<semaphore_mem>>
    %dma_start3A_143 = arith.constant 0 : i32
    %dma_start3A_144 = tpu.memref_slice %arg7[%dma_start3A_133, %dma_start3A_143] : memref<8x64xi32, #tpu.memory_space<vmem>> -> memref<1x64xi32, #tpu.memory_space<vmem>>
    %dma_start3A_145 = tpu.memref_squeeze %dma_start3A_144 : memref<1x64xi32, #tpu.memory_space<vmem>> -> memref<64xi32, #tpu.memory_space<vmem>>
    %dma_start3A_146 = arith.constant 0 : i32
    %dma_start3A_147 = tpu.memref_slice %arg3[%dma_start3A_131, %arg0, %arg1, %dma_start3A_132, %dma_start3A_146] : memref<2x2x16x158x64xi32, #tpu.memory_space<hbm>> -> memref<1x1x1x1x64xi32, #tpu.memory_space<hbm>>
    %dma_start3A_148 = tpu.memref_squeeze %dma_start3A_147 : memref<1x1x1x1x64xi32, #tpu.memory_space<hbm>> -> memref<64xi32, #tpu.memory_space<hbm>>
    tpu.enqueue_dma source(%dma_start3A_148 : memref<64xi32, #tpu.memory_space<hbm>>) target(%dma_start3A_145 : memref<64xi32, #tpu.memory_space<vmem>>) target_semaphore(%dma_start3A_142 : memref<!tpu.dma_semaphore, #tpu.memory_space<semaphore_mem>>)
    %rem3A = arith.constant 1 : i32
    %rem3A_149 = arith.constant 8 : i32
    %rem3A_150 = arith.remsi %rem3A, %rem3A_149 : i32
    %dma_wait3A = arith.constant 0 : i32
    %dma_wait3A_151 = arith.constant 1 : i32
    %dma_wait3A_152 = arith.constant 0 : i32
    %dma_wait3A_153 = tpu.memref_slice %arg6[%rem3A_150, %dma_wait3A_152] : memref<8x64xi32, #tpu.memory_space<vmem>> -> memref<1x64xi32, #tpu.memory_space<vmem>>
    %dma_wait3A_154 = tpu.memref_squeeze %dma_wait3A_153 : memref<1x64xi32, #tpu.memory_space<vmem>> -> memref<64xi32, #tpu.memory_space<vmem>>
    %dma_wait3A_155 = arith.constant 0 : i32
    %dma_wait3A_156 = tpu.memref_slice %arg3[%dma_wait3A, %arg0, %arg1, %dma_wait3A_151, %dma_wait3A_155] : memref<2x2x16x158x64xi32, #tpu.memory_space<hbm>> -> memref<1x1x1x1x64xi32, #tpu.memory_space<hbm>>
    %dma_wait3A_157 = tpu.memref_squeeze %dma_wait3A_156 : memref<1x1x1x1x64xi32, #tpu.memory_space<hbm>> -> memref<64xi32, #tpu.memory_space<hbm>>
    %dma_wait3A_158 = tpu.memref_slice %arg10[%rem3A_150] : memref<8x!tpu.dma_semaphore, #tpu.memory_space<semaphore_mem>> -> memref<1x!tpu.dma_semaphore, #tpu.memory_space<semaphore_mem>>
    %dma_wait3A_159 = tpu.memref_squeeze %dma_wait3A_158 : memref<1x!tpu.dma_semaphore, #tpu.memory_space<semaphore_mem>> -> memref<!tpu.dma_semaphore, #tpu.memory_space<semaphore_mem>>
    %dma_wait3A_160 = arith.constant 0 : i32
    %dma_wait3A_161 = tpu.memref_slice %arg6[%rem3A_150, %dma_wait3A_160] : memref<8x64xi32, #tpu.memory_space<vmem>> -> memref<1x64xi32, #tpu.memory_space<vmem>>
    %dma_wait3A_162 = tpu.memref_squeeze %dma_wait3A_161 : memref<1x64xi32, #tpu.memory_space<vmem>> -> memref<64xi32, #tpu.memory_space<vmem>>
    %dma_wait3A_163 = arith.constant 0 : i32
    %dma_wait3A_164 = tpu.memref_slice %arg3[%dma_wait3A, %arg0, %arg1, %dma_wait3A_151, %dma_wait3A_163] : memref<2x2x16x158x64xi32, #tpu.memory_space<hbm>> -> memref<1x1x1x1x64xi32, #tpu.memory_space<hbm>>
    %dma_wait3A_165 = tpu.memref_squeeze %dma_wait3A_164 : memref<1x1x1x1x64xi32, #tpu.memory_space<hbm>> -> memref<64xi32, #tpu.memory_space<hbm>>
    tpu.wait_dma2 semaphore(%dma_wait3A_159 : memref<!tpu.dma_semaphore, #tpu.memory_space<semaphore_mem>>) src(%dma_wait3A_165 : memref<64xi32, #tpu.memory_space<hbm>>) dst(%dma_wait3A_162 : memref<64xi32, #tpu.memory_space<vmem>>)
    %dma_wait3A_166 = arith.constant 1 : i32
    %dma_wait3A_167 = arith.constant 1 : i32
    %dma_wait3A_168 = arith.constant 0 : i32
    %dma_wait3A_169 = tpu.memref_slice %arg7[%rem3A_150, %dma_wait3A_168] : memref<8x64xi32, #tpu.memory_space<vmem>> -> memref<1x64xi32, #tpu.memory_space<vmem>>
    %dma_wait3A_170 = tpu.memref_squeeze %dma_wait3A_169 : memref<1x64xi32, #tpu.memory_space<vmem>> -> memref<64xi32, #tpu.memory_space<vmem>>
    %dma_wait3A_171 = arith.constant 0 : i32
    %dma_wait3A_172 = tpu.memref_slice %arg3[%dma_wait3A_166, %arg0, %arg1, %dma_wait3A_167, %dma_wait3A_171] : memref<2x2x16x158x64xi32, #tpu.memory_space<hbm>> -> memref<1x1x1x1x64xi32, #tpu.memory_space<hbm>>
    %dma_wait3A_173 = tpu.memref_squeeze %dma_wait3A_172 : memref<1x1x1x1x64xi32, #tpu.memory_space<hbm>> -> memref<64xi32, #tpu.memory_space<hbm>>
    %dma_wait3A_174 = tpu.memref_slice %arg10[%rem3A_150] : memref<8x!tpu.dma_semaphore, #tpu.memory_space<semaphore_mem>> -> memref<1x!tpu.dma_semaphore, #tpu.memory_space<semaphore_mem>>
    %dma_wait3A_175 = tpu.memref_squeeze %dma_wait3A_174 : memref<1x!tpu.dma_semaphore, #tpu.memory_space<semaphore_mem>> -> memref<!tpu.dma_semaphore, #tpu.memory_space<semaphore_mem>>
    %dma_wait3A_176 = arith.constant 0 : i32
    %dma_wait3A_177 = tpu.memref_slice %arg7[%rem3A_150, %dma_wait3A_176] : memref<8x64xi32, #tpu.memory_space<vmem>> -> memref<1x64xi32, #tpu.memory_space<vmem>>
    %dma_wait3A_178 = tpu.memref_squeeze %dma_wait3A_177 : memref<1x64xi32, #tpu.memory_space<vmem>> -> memref<64xi32, #tpu.memory_space<vmem>>
    %dma_wait3A_179 = arith.constant 0 : i32
    %dma_wait3A_180 = tpu.memref_slice %arg3[%dma_wait3A_166, %arg0, %arg1, %dma_wait3A_167, %dma_wait3A_179] : memref<2x2x16x158x64xi32, #tpu.memory_space<hbm>> -> memref<1x1x1x1x64xi32, #tpu.memory_space<hbm>>
    %dma_wait3A_181 = tpu.memref_squeeze %dma_wait3A_180 : memref<1x1x1x1x64xi32, #tpu.memory_space<hbm>> -> memref<64xi32, #tpu.memory_space<hbm>>
    tpu.wait_dma2 semaphore(%dma_wait3A_175 : memref<!tpu.dma_semaphore, #tpu.memory_space<semaphore_mem>>) src(%dma_wait3A_181 : memref<64xi32, #tpu.memory_space<hbm>>) dst(%dma_wait3A_178 : memref<64xi32, #tpu.memory_space<vmem>>)
    %rem3A_182 = arith.constant 2 : i32
    %rem3A_183 = arith.constant 8 : i32
    %rem3A_184 = arith.remsi %rem3A_182, %rem3A_183 : i32
    %dma_wait3A_185 = arith.constant 0 : i32
    %dma_wait3A_186 = arith.constant 2 : i32
    %dma_wait3A_187 = arith.constant 0 : i32
    %dma_wait3A_188 = tpu.memref_slice %arg6[%rem3A_184, %dma_wait3A_187] : memref<8x64xi32, #tpu.memory_space<vmem>> -> memref<1x64xi32, #tpu.memory_space<vmem>>
    %dma_wait3A_189 = tpu.memref_squeeze %dma_wait3A_188 : memref<1x64xi32, #tpu.memory_space<vmem>> -> memref<64xi32, #tpu.memory_space<vmem>>
    %dma_wait3A_190 = arith.constant 0 : i32
    %dma_wait3A_191 = tpu.memref_slice %arg3[%dma_wait3A_185, %arg0, %arg1, %dma_wait3A_186, %dma_wait3A_190] : memref<2x2x16x158x64xi32, #tpu.memory_space<hbm>> -> memref<1x1x1x1x64xi32, #tpu.memory_space<hbm>>
    %dma_wait3A_192 = tpu.memref_squeeze %dma_wait3A_191 : memref<1x1x1x1x64xi32, #tpu.memory_space<hbm>> -> memref<64xi32, #tpu.memory_space<hbm>>
    %dma_wait3A_193 = tpu.memref_slice %arg10[%rem3A_184] : memref<8x!tpu.dma_semaphore, #tpu.memory_space<semaphore_mem>> -> memref<1x!tpu.dma_semaphore, #tpu.memory_space<semaphore_mem>>
    %dma_wait3A_194 = tpu.memref_squeeze %dma_wait3A_193 : memref<1x!tpu.dma_semaphore, #tpu.memory_space<semaphore_mem>> -> memref<!tpu.dma_semaphore, #tpu.memory_space<semaphore_mem>>
    %dma_wait3A_195 = arith.constant 0 : i32
    %dma_wait3A_196 = tpu.memref_slice %arg6[%rem3A_184, %dma_wait3A_195] : memref<8x64xi32, #tpu.memory_space<vmem>> -> memref<1x64xi32, #tpu.memory_space<vmem>>
    %dma_wait3A_197 = tpu.memref_squeeze %dma_wait3A_196 : memref<1x64xi32, #tpu.memory_space<vmem>> -> memref<64xi32, #tpu.memory_space<vmem>>
    %dma_wait3A_198 = arith.constant 0 : i32
    %dma_wait3A_199 = tpu.memref_slice %arg3[%dma_wait3A_185, %arg0, %arg1, %dma_wait3A_186, %dma_wait3A_198] : memref<2x2x16x158x64xi32, #tpu.memory_space<hbm>> -> memref<1x1x1x1x64xi32, #tpu.memory_space<hbm>>
    %dma_wait3A_200 = tpu.memref_squeeze %dma_wait3A_199 : memref<1x1x1x1x64xi32, #tpu.memory_space<hbm>> -> memref<64xi32, #tpu.memory_space<hbm>>
    tpu.wait_dma2 semaphore(%dma_wait3A_194 : memref<!tpu.dma_semaphore, #tpu.memory_space<semaphore_mem>>) src(%dma_wait3A_200 : memref<64xi32, #tpu.memory_space<hbm>>) dst(%dma_wait3A_197 : memref<64xi32, #tpu.memory_space<vmem>>)
    %dma_wait3A_201 = arith.constant 1 : i32
    %dma_wait3A_202 = arith.constant 2 : i32
    %dma_wait3A_203 = arith.constant 0 : i32
    %dma_wait3A_204 = tpu.memref_slice %arg7[%rem3A_184, %dma_wait3A_203] : memref<8x64xi32, #tpu.memory_space<vmem>> -> memref<1x64xi32, #tpu.memory_space<vmem>>
    %dma_wait3A_205 = tpu.memref_squeeze %dma_wait3A_204 : memref<1x64xi32, #tpu.memory_space<vmem>> -> memref<64xi32, #tpu.memory_space<vmem>>
    %dma_wait3A_206 = arith.constant 0 : i32
    %dma_wait3A_207 = tpu.memref_slice %arg3[%dma_wait3A_201, %arg0, %arg1, %dma_wait3A_202, %dma_wait3A_206] : memref<2x2x16x158x64xi32, #tpu.memory_space<hbm>> -> memref<1x1x1x1x64xi32, #tpu.memory_space<hbm>>
    %dma_wait3A_208 = tpu.memref_squeeze %dma_wait3A_207 : memref<1x1x1x1x64xi32, #tpu.memory_space<hbm>> -> memref<64xi32, #tpu.memory_space<hbm>>
    %dma_wait3A_209 = tpu.memref_slice %arg10[%rem3A_184] : memref<8x!tpu.dma_semaphore, #tpu.memory_space<semaphore_mem>> -> memref<1x!tpu.dma_semaphore, #tpu.memory_space<semaphore_mem>>
    %dma_wait3A_210 = tpu.memref_squeeze %dma_wait3A_209 : memref<1x!tpu.dma_semaphore, #tpu.memory_space<semaphore_mem>> -> memref<!tpu.dma_semaphore, #tpu.memory_space<semaphore_mem>>
    %dma_wait3A_211 = arith.constant 0 : i32
    %dma_wait3A_212 = tpu.memref_slice %arg7[%rem3A_184, %dma_wait3A_211] : memref<8x64xi32, #tpu.memory_space<vmem>> -> memref<1x64xi32, #tpu.memory_space<vmem>>
    %dma_wait3A_213 = tpu.memref_squeeze %dma_wait3A_212 : memref<1x64xi32, #tpu.memory_space<vmem>> -> memref<64xi32, #tpu.memory_space<vmem>>
    %dma_wait3A_214 = arith.constant 0 : i32
    %dma_wait3A_215 = tpu.memref_slice %arg3[%dma_wait3A_201, %arg0, %arg1, %dma_wait3A_202, %dma_wait3A_214] : memref<2x2x16x158x64xi32, #tpu.memory_space<hbm>> -> memref<1x1x1x1x64xi32, #tpu.memory_space<hbm>>
    %dma_wait3A_216 = tpu.memref_squeeze %dma_wait3A_215 : memref<1x1x1x1x64xi32, #tpu.memory_space<hbm>> -> memref<64xi32, #tpu.memory_space<hbm>>
    tpu.wait_dma2 semaphore(%dma_wait3A_210 : memref<!tpu.dma_semaphore, #tpu.memory_space<semaphore_mem>>) src(%dma_wait3A_216 : memref<64xi32, #tpu.memory_space<hbm>>) dst(%dma_wait3A_213 : memref<64xi32, #tpu.memory_space<vmem>>)
    %rem3A_217 = arith.constant 0 : i32
    %rem3A_218 = arith.constant 8 : i32
    %rem3A_219 = arith.remsi %rem3A_217, %rem3A_218 : i32
    %rem3A_220 = arith.constant 0 : i32
    %rem3A_221 = arith.constant 4 : i32
    %rem3A_222 = arith.remsi %rem3A_220, %rem3A_221 : i32
    %rem3A_223 = arith.constant 0 : i32
    %rem3A_224 = arith.constant 4 : i32
    %rem3A_225 = arith.remsi %rem3A_223, %rem3A_224 : i32
    %dma_start3A_226 = arith.constant 0 : i32
    %dma_start3A_227 = arith.constant 0 : i32
    %dma_start3A_228 = tpu.memref_slice %arg8[%rem3A_222, %dma_start3A_226, %dma_start3A_227] : memref<4x64x128xf32, #tpu.memory_space<vmem>> -> memref<1x64x128xf32, #tpu.memory_space<vmem>>
    %dma_start3A_229 = tpu.memref_squeeze %dma_start3A_228 : memref<1x64x128xf32, #tpu.memory_space<vmem>> -> memref<64x128xf32, #tpu.memory_space<vmem>>
    %dma_start3A_230 = arith.constant 0 : i32
    %dma_start3A_231 = tpu.memref_slice %arg6[%rem3A_219, %dma_start3A_230] : memref<8x64xi32, #tpu.memory_space<vmem>> -> memref<1x64xi32, #tpu.memory_space<vmem>>
    %dma_start3A_232 = tpu.memref_squeeze %dma_start3A_231 : memref<1x64xi32, #tpu.memory_space<vmem>> -> memref<64xi32, #tpu.memory_space<vmem>>
    %dma_start3A_233 = arith.constant 0 : i32
    %dma_start3A_234 = arith.constant 0 : i32
    %dma_start3A_235 = tpu.memref_slice %arg2[%dma_start3A_233, %dma_start3A_234] : memref<10240x128xf32, #tpu.memory_space<hbm>> -> memref<10240x128xf32, #tpu.memory_space<hbm>>
    %dma_start3A_236 = tpu.memref_slice %arg9[%rem3A_225] : memref<4x!tpu.dma_semaphore, #tpu.memory_space<semaphore_mem>> -> memref<1x!tpu.dma_semaphore, #tpu.memory_space<semaphore_mem>>
    %dma_start3A_237 = tpu.memref_squeeze %dma_start3A_236 : memref<1x!tpu.dma_semaphore, #tpu.memory_space<semaphore_mem>> -> memref<!tpu.dma_semaphore, #tpu.memory_space<semaphore_mem>>
    tpu.enqueue_indirect_dma source(%dma_start3A_235 : memref<10240x128xf32, #tpu.memory_space<hbm>>) target(%dma_start3A_229 : memref<64x128xf32, #tpu.memory_space<vmem>>) offsets(%dma_start3A_232 : memref<64xi32, #tpu.memory_space<vmem>>) semaphore(%dma_start3A_237 : memref<!tpu.dma_semaphore, #tpu.memory_space<semaphore_mem>>)
    %rem3A_238 = arith.constant 1 : i32
    %rem3A_239 = arith.constant 8 : i32
    %rem3A_240 = arith.remsi %rem3A_238, %rem3A_239 : i32
    %rem3A_241 = arith.constant 1 : i32
    %rem3A_242 = arith.constant 4 : i32
    %rem3A_243 = arith.remsi %rem3A_241, %rem3A_242 : i32
    %rem3A_244 = arith.constant 1 : i32
    %rem3A_245 = arith.constant 4 : i32
    %rem3A_246 = arith.remsi %rem3A_244, %rem3A_245 : i32
    %dma_start3A_247 = arith.constant 0 : i32
    %dma_start3A_248 = arith.constant 0 : i32
    %dma_start3A_249 = tpu.memref_slice %arg8[%rem3A_243, %dma_start3A_247, %dma_start3A_248] : memref<4x64x128xf32, #tpu.memory_space<vmem>> -> memref<1x64x128xf32, #tpu.memory_space<vmem>>
    %dma_start3A_250 = tpu.memref_squeeze %dma_start3A_249 : memref<1x64x128xf32, #tpu.memory_space<vmem>> -> memref<64x128xf32, #tpu.memory_space<vmem>>
    %dma_start3A_251 = arith.constant 0 : i32
    %dma_start3A_252 = tpu.memref_slice %arg6[%rem3A_240, %dma_start3A_251] : memref<8x64xi32, #tpu.memory_space<vmem>> -> memref<1x64xi32, #tpu.memory_space<vmem>>
    %dma_start3A_253 = tpu.memref_squeeze %dma_start3A_252 : memref<1x64xi32, #tpu.memory_space<vmem>> -> memref<64xi32, #tpu.memory_space<vmem>>
    %dma_start3A_254 = arith.constant 0 : i32
    %dma_start3A_255 = arith.constant 0 : i32
    %dma_start3A_256 = tpu.memref_slice %arg2[%dma_start3A_254, %dma_start3A_255] : memref<10240x128xf32, #tpu.memory_space<hbm>> -> memref<10240x128xf32, #tpu.memory_space<hbm>>
    %dma_start3A_257 = tpu.memref_slice %arg9[%rem3A_246] : memref<4x!tpu.dma_semaphore, #tpu.memory_space<semaphore_mem>> -> memref<1x!tpu.dma_semaphore, #tpu.memory_space<semaphore_mem>>
    %dma_start3A_258 = tpu.memref_squeeze %dma_start3A_257 : memref<1x!tpu.dma_semaphore, #tpu.memory_space<semaphore_mem>> -> memref<!tpu.dma_semaphore, #tpu.memory_space<semaphore_mem>>
    tpu.enqueue_indirect_dma source(%dma_start3A_256 : memref<10240x128xf32, #tpu.memory_space<hbm>>) target(%dma_start3A_250 : memref<64x128xf32, #tpu.memory_space<vmem>>) offsets(%dma_start3A_253 : memref<64xi32, #tpu.memory_space<vmem>>) semaphore(%dma_start3A_258 : memref<!tpu.dma_semaphore, #tpu.memory_space<semaphore_mem>>)
    %rem3A_259 = arith.constant 2 : i32
    %rem3A_260 = arith.constant 8 : i32
    %rem3A_261 = arith.remsi %rem3A_259, %rem3A_260 : i32
    %rem3A_262 = arith.constant 2 : i32
    %rem3A_263 = arith.constant 4 : i32
    %rem3A_264 = arith.remsi %rem3A_262, %rem3A_263 : i32
    %rem3A_265 = arith.constant 2 : i32
    %rem3A_266 = arith.constant 4 : i32
    %rem3A_267 = arith.remsi %rem3A_265, %rem3A_266 : i32
    %dma_start3A_268 = arith.constant 0 : i32
    %dma_start3A_269 = arith.constant 0 : i32
    %dma_start3A_270 = tpu.memref_slice %arg8[%rem3A_264, %dma_start3A_268, %dma_start3A_269] : memref<4x64x128xf32, #tpu.memory_space<vmem>> -> memref<1x64x128xf32, #tpu.memory_space<vmem>>
    %dma_start3A_271 = tpu.memref_squeeze %dma_start3A_270 : memref<1x64x128xf32, #tpu.memory_space<vmem>> -> memref<64x128xf32, #tpu.memory_space<vmem>>
    %dma_start3A_272 = arith.constant 0 : i32
    %dma_start3A_273 = tpu.memref_slice %arg6[%rem3A_261, %dma_start3A_272] : memref<8x64xi32, #tpu.memory_space<vmem>> -> memref<1x64xi32, #tpu.memory_space<vmem>>
    %dma_start3A_274 = tpu.memref_squeeze %dma_start3A_273 : memref<1x64xi32, #tpu.memory_space<vmem>> -> memref<64xi32, #tpu.memory_space<vmem>>
    %dma_start3A_275 = arith.constant 0 : i32
    %dma_start3A_276 = arith.constant 0 : i32
    %dma_start3A_277 = tpu.memref_slice %arg2[%dma_start3A_275, %dma_start3A_276] : memref<10240x128xf32, #tpu.memory_space<hbm>> -> memref<10240x128xf32, #tpu.memory_space<hbm>>
    %dma_start3A_278 = tpu.memref_slice %arg9[%rem3A_267] : memref<4x!tpu.dma_semaphore, #tpu.memory_space<semaphore_mem>> -> memref<1x!tpu.dma_semaphore, #tpu.memory_space<semaphore_mem>>
    %dma_start3A_279 = tpu.memref_squeeze %dma_start3A_278 : memref<1x!tpu.dma_semaphore, #tpu.memory_space<semaphore_mem>> -> memref<!tpu.dma_semaphore, #tpu.memory_space<semaphore_mem>>
    tpu.enqueue_indirect_dma source(%dma_start3A_277 : memref<10240x128xf32, #tpu.memory_space<hbm>>) target(%dma_start3A_271 : memref<64x128xf32, #tpu.memory_space<vmem>>) offsets(%dma_start3A_274 : memref<64xi32, #tpu.memory_space<vmem>>) semaphore(%dma_start3A_279 : memref<!tpu.dma_semaphore, #tpu.memory_space<semaphore_mem>>)
    %scan3A = arith.constant 0 : i32
    %scan3A_280 = arith.constant 0 : i32
    %scan3A_281 = arith.constant 158 : i32
    %scan3A_282 = arith.addi %scan3A_280, %scan3A_281 : i32
    %scan3A_283 = arith.constant 1 : i32
    %scan3A_284 = scf.for %scan3A_291 = %scan3A_280 to %scan3A_282 step %scan3A_283 iter_args(%scan3A_292 = %scan3A) -> (i32)  : i32 {
      %rem3A_293 = arith.constant 4 : i32
      %rem3A_294 = arith.remsi %scan3A_291, %rem3A_293 : i32
      %add3A = arith.constant 3 : i32
      %add3A_295 = arith.addi %scan3A_291, %add3A : i32
      %lt3A = arith.constant 158 : i32
      %lt3A_296 = arith.cmpi slt, %add3A_295, %lt3A : i32
      %convert_element_type3A = arith.extui %lt3A_296 : i1 to i32
      %cond3A = arith.constant 0 : i32
      %cond3A_297 = arith.cmpi ne, %convert_element_type3A, %cond3A : i32
      scf.if %cond3A_297 {
        %add3A_322 = arith.constant 3 : i32
        %add3A_323 = arith.addi %scan3A_291, %add3A_322 : i32
        %rem3A_324 = arith.constant 8 : i32
        %rem3A_325 = arith.remsi %add3A_323, %rem3A_324 : i32
        %dma_wait3A_326 = arith.constant 0 : i32
        %dma_wait3A_327 = arith.constant 0 : i32
        %dma_wait3A_328 = tpu.memref_slice %arg6[%rem3A_325, %dma_wait3A_327] : memref<8x64xi32, #tpu.memory_space<vmem>> -> memref<1x64xi32, #tpu.memory_space<vmem>>
        %dma_wait3A_329 = tpu.memref_squeeze %dma_wait3A_328 : memref<1x64xi32, #tpu.memory_space<vmem>> -> memref<64xi32, #tpu.memory_space<vmem>>
        %dma_wait3A_330 = arith.constant 0 : i32
        %dma_wait3A_331 = tpu.memref_slice %arg3[%dma_wait3A_326, %arg0, %arg1, %add3A_323, %dma_wait3A_330] : memref<2x2x16x158x64xi32, #tpu.memory_space<hbm>> -> memref<1x1x1x1x64xi32, #tpu.memory_space<hbm>>
        %dma_wait3A_332 = tpu.memref_squeeze %dma_wait3A_331 : memref<1x1x1x1x64xi32, #tpu.memory_space<hbm>> -> memref<64xi32, #tpu.memory_space<hbm>>
        %dma_wait3A_333 = tpu.memref_slice %arg10[%rem3A_325] : memref<8x!tpu.dma_semaphore, #tpu.memory_space<semaphore_mem>> -> memref<1x!tpu.dma_semaphore, #tpu.memory_space<semaphore_mem>>
        %dma_wait3A_334 = tpu.memref_squeeze %dma_wait3A_333 : memref<1x!tpu.dma_semaphore, #tpu.memory_space<semaphore_mem>> -> memref<!tpu.dma_semaphore, #tpu.memory_space<semaphore_mem>>
        %dma_wait3A_335 = arith.constant 0 : i32
        %dma_wait3A_336 = tpu.memref_slice %arg6[%rem3A_325, %dma_wait3A_335] : memref<8x64xi32, #tpu.memory_space<vmem>> -> memref<1x64xi32, #tpu.memory_space<vmem>>
        %dma_wait3A_337 = tpu.memref_squeeze %dma_wait3A_336 : memref<1x64xi32, #tpu.memory_space<vmem>> -> memref<64xi32, #tpu.memory_space<vmem>>
        %dma_wait3A_338 = arith.constant 0 : i32
        %dma_wait3A_339 = tpu.memref_slice %arg3[%dma_wait3A_326, %arg0, %arg1, %add3A_323, %dma_wait3A_338] : memref<2x2x16x158x64xi32, #tpu.memory_space<hbm>> -> memref<1x1x1x1x64xi32, #tpu.memory_space<hbm>>
        %dma_wait3A_340 = tpu.memref_squeeze %dma_wait3A_339 : memref<1x1x1x1x64xi32, #tpu.memory_space<hbm>> -> memref<64xi32, #tpu.memory_space<hbm>>
        tpu.wait_dma2 semaphore(%dma_wait3A_334 : memref<!tpu.dma_semaphore, #tpu.memory_space<semaphore_mem>>) src(%dma_wait3A_340 : memref<64xi32, #tpu.memory_space<hbm>>) dst(%dma_wait3A_337 : memref<64xi32, #tpu.memory_space<vmem>>)
        %dma_wait3A_341 = arith.constant 1 : i32
        %dma_wait3A_342 = arith.constant 0 : i32
        %dma_wait3A_343 = tpu.memref_slice %arg7[%rem3A_325, %dma_wait3A_342] : memref<8x64xi32, #tpu.memory_space<vmem>> -> memref<1x64xi32, #tpu.memory_space<vmem>>
        %dma_wait3A_344 = tpu.memref_squeeze %dma_wait3A_343 : memref<1x64xi32, #tpu.memory_space<vmem>> -> memref<64xi32, #tpu.memory_space<vmem>>
        %dma_wait3A_345 = arith.constant 0 : i32
        %dma_wait3A_346 = tpu.memref_slice %arg3[%dma_wait3A_341, %arg0, %arg1, %add3A_323, %dma_wait3A_345] : memref<2x2x16x158x64xi32, #tpu.memory_space<hbm>> -> memref<1x1x1x1x64xi32, #tpu.memory_space<hbm>>
        %dma_wait3A_347 = tpu.memref_squeeze %dma_wait3A_346 : memref<1x1x1x1x64xi32, #tpu.memory_space<hbm>> -> memref<64xi32, #tpu.memory_space<hbm>>
        %dma_wait3A_348 = tpu.memref_slice %arg10[%rem3A_325] : memref<8x!tpu.dma_semaphore, #tpu.memory_space<semaphore_mem>> -> memref<1x!tpu.dma_semaphore, #tpu.memory_space<semaphore_mem>>
        %dma_wait3A_349 = tpu.memref_squeeze %dma_wait3A_348 : memref<1x!tpu.dma_semaphore, #tpu.memory_space<semaphore_mem>> -> memref<!tpu.dma_semaphore, #tpu.memory_space<semaphore_mem>>
        %dma_wait3A_350 = arith.constant 0 : i32
        %dma_wait3A_351 = tpu.memref_slice %arg7[%rem3A_325, %dma_wait3A_350] : memref<8x64xi32, #tpu.memory_space<vmem>> -> memref<1x64xi32, #tpu.memory_space<vmem>>
        %dma_wait3A_352 = tpu.memref_squeeze %dma_wait3A_351 : memref<1x64xi32, #tpu.memory_space<vmem>> -> memref<64xi32, #tpu.memory_space<vmem>>
        %dma_wait3A_353 = arith.constant 0 : i32
        %dma_wait3A_354 = tpu.memref_slice %arg3[%dma_wait3A_341, %arg0, %arg1, %add3A_323, %dma_wait3A_353] : memref<2x2x16x158x64xi32, #tpu.memory_space<hbm>> -> memref<1x1x1x1x64xi32, #tpu.memory_space<hbm>>
        %dma_wait3A_355 = tpu.memref_squeeze %dma_wait3A_354 : memref<1x1x1x1x64xi32, #tpu.memory_space<hbm>> -> memref<64xi32, #tpu.memory_space<hbm>>
        tpu.wait_dma2 semaphore(%dma_wait3A_349 : memref<!tpu.dma_semaphore, #tpu.memory_space<semaphore_mem>>) src(%dma_wait3A_355 : memref<64xi32, #tpu.memory_space<hbm>>) dst(%dma_wait3A_352 : memref<64xi32, #tpu.memory_space<vmem>>)
        %add3A_356 = arith.constant 3 : i32
        %add3A_357 = arith.addi %scan3A_291, %add3A_356 : i32
        %rem3A_358 = arith.constant 8 : i32
        %rem3A_359 = arith.remsi %add3A_357, %rem3A_358 : i32
        %rem3A_360 = arith.constant 4 : i32
        %rem3A_361 = arith.remsi %add3A_357, %rem3A_360 : i32
        %rem3A_362 = arith.constant 4 : i32
        %rem3A_363 = arith.remsi %add3A_357, %rem3A_362 : i32
        %dma_start3A_364 = arith.constant 0 : i32
        %dma_start3A_365 = arith.constant 0 : i32
        %dma_start3A_366 = tpu.memref_slice %arg8[%rem3A_361, %dma_start3A_364, %dma_start3A_365] : memref<4x64x128xf32, #tpu.memory_space<vmem>> -> memref<1x64x128xf32, #tpu.memory_space<vmem>>
        %dma_start3A_367 = tpu.memref_squeeze %dma_start3A_366 : memref<1x64x128xf32, #tpu.memory_space<vmem>> -> memref<64x128xf32, #tpu.memory_space<vmem>>
        %dma_start3A_368 = arith.constant 0 : i32
        %dma_start3A_369 = tpu.memref_slice %arg6[%rem3A_359, %dma_start3A_368] : memref<8x64xi32, #tpu.memory_space<vmem>> -> memref<1x64xi32, #tpu.memory_space<vmem>>
        %dma_start3A_370 = tpu.memref_squeeze %dma_start3A_369 : memref<1x64xi32, #tpu.memory_space<vmem>> -> memref<64xi32, #tpu.memory_space<vmem>>
        %dma_start3A_371 = arith.constant 0 : i32
        %dma_start3A_372 = arith.constant 0 : i32
        %dma_start3A_373 = tpu.memref_slice %arg2[%dma_start3A_371, %dma_start3A_372] : memref<10240x128xf32, #tpu.memory_space<hbm>> -> memref<10240x128xf32, #tpu.memory_space<hbm>>
        %dma_start3A_374 = tpu.memref_slice %arg9[%rem3A_363] : memref<4x!tpu.dma_semaphore, #tpu.memory_space<semaphore_mem>> -> memref<1x!tpu.dma_semaphore, #tpu.memory_space<semaphore_mem>>
        %dma_start3A_375 = tpu.memref_squeeze %dma_start3A_374 : memref<1x!tpu.dma_semaphore, #tpu.memory_space<semaphore_mem>> -> memref<!tpu.dma_semaphore, #tpu.memory_space<semaphore_mem>>
        tpu.enqueue_indirect_dma source(%dma_start3A_373 : memref<10240x128xf32, #tpu.memory_space<hbm>>) target(%dma_start3A_367 : memref<64x128xf32, #tpu.memory_space<vmem>>) offsets(%dma_start3A_370 : memref<64xi32, #tpu.memory_space<vmem>>) semaphore(%dma_start3A_375 : memref<!tpu.dma_semaphore, #tpu.memory_space<semaphore_mem>>)
      } else {
      }
      %add3A_298 = arith.constant 5 : i32
      %add3A_299 = arith.addi %scan3A_291, %add3A_298 : i32
      %lt3A_300 = arith.constant 158 : i32
      %lt3A_301 = arith.cmpi slt, %add3A_299, %lt3A_300 : i32
      %convert_element_type3A_302 = arith.extui %lt3A_301 : i1 to i32
      %cond3A_303 = arith.constant 0 : i32
      %cond3A_304 = arith.cmpi ne, %convert_element_type3A_302, %cond3A_303 : i32
      scf.if %cond3A_304 {
        %add3A_322 = arith.constant 5 : i32
        %add3A_323 = arith.addi %scan3A_291, %add3A_322 : i32
        %jit3A = arith.constant 8 : i32
        %eq3A = arith.constant 0 : i32
        %eq3A_324 = arith.cmpi eq, %jit3A, %eq3A : i32
        %jit3A_325 = arith.constant 1 : i32
        %select_n3A = arith.select %eq3A_324, %jit3A_325, %jit3A : i32
        %rem3A_326 = arith.remsi %add3A_323, %select_n3A : i32
        %ne3A = arith.constant 0 : i32
        %ne3A_327 = arith.cmpi ne, %rem3A_326, %ne3A : i32
        %lt3A_328 = arith.constant 0 : i32
        %lt3A_329 = arith.cmpi slt, %rem3A_326, %lt3A_328 : i32
        %lt3A_330 = arith.constant 0 : i32
        %lt3A_331 = arith.cmpi slt, %select_n3A, %lt3A_330 : i32
        %ne3A_332 = arith.xori %lt3A_329, %lt3A_331 : i1
        %and3A = arith.andi %ne3A_332, %ne3A_327 : i1
        %add3A_333 = arith.addi %rem3A_326, %select_n3A : i32
        %select_n3A_334 = arith.select %and3A, %add3A_333, %rem3A_326 : i32
        %dma_start3A_335 = arith.constant 0 : i32
        %dma_start3A_336 = arith.constant 0 : i32
        %dma_start3A_337 = tpu.memref_slice %arg6[%select_n3A_334, %dma_start3A_336] : memref<8x64xi32, #tpu.memory_space<vmem>> -> memref<1x64xi32, #tpu.memory_space<vmem>>
        %dma_start3A_338 = tpu.memref_squeeze %dma_start3A_337 : memref<1x64xi32, #tpu.memory_space<vmem>> -> memref<64xi32, #tpu.memory_space<vmem>>
        %dma_start3A_339 = arith.constant 0 : i32
        %dma_start3A_340 = tpu.memref_slice %arg3[%dma_start3A_335, %arg0, %arg1, %add3A_323, %dma_start3A_339] : memref<2x2x16x158x64xi32, #tpu.memory_space<hbm>> -> memref<1x1x1x1x64xi32, #tpu.memory_space<hbm>>
        %dma_start3A_341 = tpu.memref_squeeze %dma_start3A_340 : memref<1x1x1x1x64xi32, #tpu.memory_space<hbm>> -> memref<64xi32, #tpu.memory_space<hbm>>
        %dma_start3A_342 = tpu.memref_slice %arg10[%select_n3A_334] : memref<8x!tpu.dma_semaphore, #tpu.memory_space<semaphore_mem>> -> memref<1x!tpu.dma_semaphore, #tpu.memory_space<semaphore_mem>>
        %dma_start3A_343 = tpu.memref_squeeze %dma_start3A_342 : memref<1x!tpu.dma_semaphore, #tpu.memory_space<semaphore_mem>> -> memref<!tpu.dma_semaphore, #tpu.memory_space<semaphore_mem>>
        %dma_start3A_344 = arith.constant 0 : i32
        %dma_start3A_345 = tpu.memref_slice %arg6[%select_n3A_334, %dma_start3A_344] : memref<8x64xi32, #tpu.memory_space<vmem>> -> memref<1x64xi32, #tpu.memory_space<vmem>>
        %dma_start3A_346 = tpu.memref_squeeze %dma_start3A_345 : memref<1x64xi32, #tpu.memory_space<vmem>> -> memref<64xi32, #tpu.memory_space<vmem>>
        %dma_start3A_347 = arith.constant 0 : i32
        %dma_start3A_348 = tpu.memref_slice %arg3[%dma_start3A_335, %arg0, %arg1, %add3A_323, %dma_start3A_347] : memref<2x2x16x158x64xi32, #tpu.memory_space<hbm>> -> memref<1x1x1x1x64xi32, #tpu.memory_space<hbm>>
        %dma_start3A_349 = tpu.memref_squeeze %dma_start3A_348 : memref<1x1x1x1x64xi32, #tpu.memory_space<hbm>> -> memref<64xi32, #tpu.memory_space<hbm>>
        tpu.enqueue_dma source(%dma_start3A_349 : memref<64xi32, #tpu.memory_space<hbm>>) target(%dma_start3A_346 : memref<64xi32, #tpu.memory_space<vmem>>) target_semaphore(%dma_start3A_343 : memref<!tpu.dma_semaphore, #tpu.memory_space<semaphore_mem>>)
        %dma_start3A_350 = arith.constant 1 : i32
        %dma_start3A_351 = arith.constant 0 : i32
        %dma_start3A_352 = tpu.memref_slice %arg7[%select_n3A_334, %dma_start3A_351] : memref<8x64xi32, #tpu.memory_space<vmem>> -> memref<1x64xi32, #tpu.memory_space<vmem>>
        %dma_start3A_353 = tpu.memref_squeeze %dma_start3A_352 : memref<1x64xi32, #tpu.memory_space<vmem>> -> memref<64xi32, #tpu.memory_space<vmem>>
        %dma_start3A_354 = arith.constant 0 : i32
        %dma_start3A_355 = tpu.memref_slice %arg3[%dma_start3A_350, %arg0, %arg1, %add3A_323, %dma_start3A_354] : memref<2x2x16x158x64xi32, #tpu.memory_space<hbm>> -> memref<1x1x1x1x64xi32, #tpu.memory_space<hbm>>
        %dma_start3A_356 = tpu.memref_squeeze %dma_start3A_355 : memref<1x1x1x1x64xi32, #tpu.memory_space<hbm>> -> memref<64xi32, #tpu.memory_space<hbm>>
        %dma_start3A_357 = tpu.memref_slice %arg10[%select_n3A_334] : memref<8x!tpu.dma_semaphore, #tpu.memory_space<semaphore_mem>> -> memref<1x!tpu.dma_semaphore, #tpu.memory_space<semaphore_mem>>
        %dma_start3A_358 = tpu.memref_squeeze %dma_start3A_357 : memref<1x!tpu.dma_semaphore, #tpu.memory_space<semaphore_mem>> -> memref<!tpu.dma_semaphore, #tpu.memory_space<semaphore_mem>>
        %dma_start3A_359 = arith.constant 0 : i32
        %dma_start3A_360 = tpu.memref_slice %arg7[%select_n3A_334, %dma_start3A_359] : memref<8x64xi32, #tpu.memory_space<vmem>> -> memref<1x64xi32, #tpu.memory_space<vmem>>
        %dma_start3A_361 = tpu.memref_squeeze %dma_start3A_360 : memref<1x64xi32, #tpu.memory_space<vmem>> -> memref<64xi32, #tpu.memory_space<vmem>>
        %dma_start3A_362 = arith.constant 0 : i32
        %dma_start3A_363 = tpu.memref_slice %arg3[%dma_start3A_350, %arg0, %arg1, %add3A_323, %dma_start3A_362] : memref<2x2x16x158x64xi32, #tpu.memory_space<hbm>> -> memref<1x1x1x1x64xi32, #tpu.memory_space<hbm>>
        %dma_start3A_364 = tpu.memref_squeeze %dma_start3A_363 : memref<1x1x1x1x64xi32, #tpu.memory_space<hbm>> -> memref<64xi32, #tpu.memory_space<hbm>>
        tpu.enqueue_dma source(%dma_start3A_364 : memref<64xi32, #tpu.memory_space<hbm>>) target(%dma_start3A_361 : memref<64xi32, #tpu.memory_space<vmem>>) target_semaphore(%dma_start3A_358 : memref<!tpu.dma_semaphore, #tpu.memory_space<semaphore_mem>>)
      } else {
      }
      %rem3A_305 = arith.constant 8 : i32
      %rem3A_306 = arith.remsi %scan3A_291, %rem3A_305 : i32
      %dma_wait3A_307 = arith.constant 0 : i32
      %dma_wait3A_308 = arith.constant 0 : i32
      %dma_wait3A_309 = tpu.memref_slice %arg8[%rem3A_294, %dma_wait3A_307, %dma_wait3A_308] : memref<4x64x128xf32, #tpu.memory_space<vmem>> -> memref<1x64x128xf32, #tpu.memory_space<vmem>>
      %dma_wait3A_310 = tpu.memref_squeeze %dma_wait3A_309 : memref<1x64x128xf32, #tpu.memory_space<vmem>> -> memref<64x128xf32, #tpu.memory_space<vmem>>
      %dma_wait3A_311 = arith.constant 0 : i32
      %dma_wait3A_312 = tpu.memref_slice %arg6[%rem3A_306, %dma_wait3A_311] : memref<8x64xi32, #tpu.memory_space<vmem>> -> memref<1x64xi32, #tpu.memory_space<vmem>>
      %dma_wait3A_313 = tpu.memref_squeeze %dma_wait3A_312 : memref<1x64xi32, #tpu.memory_space<vmem>> -> memref<64xi32, #tpu.memory_space<vmem>>
      %dma_wait3A_314 = arith.constant 0 : i32
      %dma_wait3A_315 = arith.constant 0 : i32
      %dma_wait3A_316 = tpu.memref_slice %arg2[%dma_wait3A_314, %dma_wait3A_315] : memref<10240x128xf32, #tpu.memory_space<hbm>> -> memref<10240x128xf32, #tpu.memory_space<hbm>>
      %dma_wait3A_317 = tpu.memref_slice %arg9[%rem3A_294] : memref<4x!tpu.dma_semaphore, #tpu.memory_space<semaphore_mem>> -> memref<1x!tpu.dma_semaphore, #tpu.memory_space<semaphore_mem>>
      %dma_wait3A_318 = tpu.memref_squeeze %dma_wait3A_317 : memref<1x!tpu.dma_semaphore, #tpu.memory_space<semaphore_mem>> -> memref<!tpu.dma_semaphore, #tpu.memory_space<semaphore_mem>>
      tpu.wait_indirect_dma semaphore(%dma_wait3A_318 : memref<!tpu.dma_semaphore, #tpu.memory_space<semaphore_mem>>) src(%dma_wait3A_316 : memref<10240x128xf32, #tpu.memory_space<hbm>>) dst(%dma_wait3A_310 : memref<64x128xf32, #tpu.memory_space<vmem>>)
      %rem3A_319 = arith.constant 8 : i32
      %rem3A_320 = arith.remsi %scan3A_291, %rem3A_319 : i32
      "tpu.region"() ({
        %run_scoped3A_322 = tpu.sem_alloc : memref<!tpu.dma_semaphore, #tpu.memory_space<semaphore_mem>>
        %dma_start3A_323 = arith.constant 0 : i32
        %dma_start3A_324 = arith.constant 0 : i32
        %dma_start3A_325 = tpu.memref_slice %arg8[%rem3A_294, %dma_start3A_323, %dma_start3A_324] : memref<4x64x128xf32, #tpu.memory_space<vmem>> -> memref<1x64x128xf32, #tpu.memory_space<vmem>>
        %dma_start3A_326 = tpu.memref_squeeze %dma_start3A_325 : memref<1x64x128xf32, #tpu.memory_space<vmem>> -> memref<64x128xf32, #tpu.memory_space<vmem>>
        %dma_start3A_327 = arith.constant 0 : i32
        %dma_start3A_328 = tpu.memref_slice %arg7[%rem3A_320, %dma_start3A_327] : memref<8x64xi32, #tpu.memory_space<vmem>> -> memref<1x64xi32, #tpu.memory_space<vmem>>
        %dma_start3A_329 = tpu.memref_squeeze %dma_start3A_328 : memref<1x64xi32, #tpu.memory_space<vmem>> -> memref<64xi32, #tpu.memory_space<vmem>>
        %dma_start3A_330 = arith.constant 0 : i32
        %dma_start3A_331 = arith.constant 0 : i32
        %dma_start3A_332 = tpu.memref_slice %arg11[%dma_start3A_330, %dma_start3A_331] : memref<10240x128xf32, #tpu.memory_space<vmem_shared>> -> memref<10240x128xf32, #tpu.memory_space<vmem_shared>>
        tpu.enqueue_indirect_dma source(%dma_start3A_326 : memref<64x128xf32, #tpu.memory_space<vmem>>) target(%dma_start3A_332 : memref<10240x128xf32, #tpu.memory_space<vmem_shared>>) offsets(%dma_start3A_329 : memref<64xi32, #tpu.memory_space<vmem>>) semaphore(%run_scoped3A_322 : memref<!tpu.dma_semaphore, #tpu.memory_space<semaphore_mem>>) {add = true}
        %dma_wait3A_333 = arith.constant 0 : i32
        %dma_wait3A_334 = arith.constant 0 : i32
        %dma_wait3A_335 = tpu.memref_slice %arg8[%rem3A_294, %dma_wait3A_333, %dma_wait3A_334] : memref<4x64x128xf32, #tpu.memory_space<vmem>> -> memref<1x64x128xf32, #tpu.memory_space<vmem>>
        %dma_wait3A_336 = tpu.memref_squeeze %dma_wait3A_335 : memref<1x64x128xf32, #tpu.memory_space<vmem>> -> memref<64x128xf32, #tpu.memory_space<vmem>>
        %dma_wait3A_337 = arith.constant 0 : i32
        %dma_wait3A_338 = tpu.memref_slice %arg7[%rem3A_320, %dma_wait3A_337] : memref<8x64xi32, #tpu.memory_space<vmem>> -> memref<1x64xi32, #tpu.memory_space<vmem>>
        %dma_wait3A_339 = tpu.memref_squeeze %dma_wait3A_338 : memref<1x64xi32, #tpu.memory_space<vmem>> -> memref<64xi32, #tpu.memory_space<vmem>>
        %dma_wait3A_340 = arith.constant 0 : i32
        %dma_wait3A_341 = arith.constant 0 : i32
        %dma_wait3A_342 = tpu.memref_slice %arg11[%dma_wait3A_340, %dma_wait3A_341] : memref<10240x128xf32, #tpu.memory_space<vmem_shared>> -> memref<10240x128xf32, #tpu.memory_space<vmem_shared>>
        tpu.wait_indirect_dma semaphore(%run_scoped3A_322 : memref<!tpu.dma_semaphore, #tpu.memory_space<semaphore_mem>>) src(%dma_wait3A_336 : memref<64x128xf32, #tpu.memory_space<vmem>>) dst(%dma_wait3A_342 : memref<10240x128xf32, #tpu.memory_space<vmem_shared>>)
        tpu.yield
      }) : () -> ()
      %scan3A_321 = arith.constant 0 : i32
      scf.yield %scan3A_321 : i32
    }
    %scan3A_285 = arith.constant 158 : i32
    %barrier3A_286 = arith.constant 0 : index
    tpu.barrier barrier_id(%barrier3A_286)
    %mul3A_287 = arith.constant 640 : i32
    %mul3A_288 = arith.muli %arg1, %mul3A_287 : i32
    %mul3A_289 = arith.constant 640 : i32
    %mul3A_290 = arith.muli %arg1, %mul3A_289 : i32
    "tpu.region"() ({
      %run_scoped3A_291 = tpu.sem_alloc : memref<!tpu.dma_semaphore, #tpu.memory_space<semaphore_mem>>
      %dma_start3A_292 = arith.constant 0 : i32
      %dma_start3A_293 = tpu.memref_slice %arg5[%arg0, %mul3A_290, %dma_start3A_292] : memref<2x10240x128xf32, #tpu.memory_space<hbm>> -> memref<1x640x128xf32, #tpu.memory_space<hbm>>
      %dma_start3A_294 = tpu.memref_squeeze %dma_start3A_293 : memref<1x640x128xf32, #tpu.memory_space<hbm>> -> memref<640x128xf32, #tpu.memory_space<hbm>>
      %dma_start3A_295 = arith.constant 0 : i32
      %dma_start3A_296 = tpu.memref_slice %arg11[%mul3A_288, %dma_start3A_295] : memref<10240x128xf32, #tpu.memory_space<vmem_shared>> -> memref<640x128xf32, #tpu.memory_space<vmem_shared>>
      tpu.enqueue_dma source(%dma_start3A_296 : memref<640x128xf32, #tpu.memory_space<vmem_shared>>) target(%dma_start3A_294 : memref<640x128xf32, #tpu.memory_space<hbm>>) target_semaphore(%run_scoped3A_291 : memref<!tpu.dma_semaphore, #tpu.memory_space<semaphore_mem>>)
      %dma_wait3A_297 = arith.constant 0 : i32
      %dma_wait3A_298 = tpu.memref_slice %arg5[%arg0, %mul3A_290, %dma_wait3A_297] : memref<2x10240x128xf32, #tpu.memory_space<hbm>> -> memref<1x640x128xf32, #tpu.memory_space<hbm>>
      %dma_wait3A_299 = tpu.memref_squeeze %dma_wait3A_298 : memref<1x640x128xf32, #tpu.memory_space<hbm>> -> memref<640x128xf32, #tpu.memory_space<hbm>>
      %dma_wait3A_300 = arith.constant 0 : i32
      %dma_wait3A_301 = tpu.memref_slice %arg11[%mul3A_288, %dma_wait3A_300] : memref<10240x128xf32, #tpu.memory_space<vmem_shared>> -> memref<640x128xf32, #tpu.memory_space<vmem_shared>>
      tpu.wait_dma2 semaphore(%run_scoped3A_291 : memref<!tpu.dma_semaphore, #tpu.memory_space<semaphore_mem>>) src(%dma_wait3A_301 : memref<640x128xf32, #tpu.memory_space<vmem_shared>>) dst(%dma_wait3A_299 : memref<640x128xf32, #tpu.memory_space<hbm>>)
      tpu.yield
    }) : () -> ()
    return
  }
}

#map = affine_map<(d0, d1) -> (0, 0, 0, 0)>
#map1 = affine_map<(d0, d1) -> (0)>
#map2 = affine_map<(d0, d1) -> (0, 0)>
module attributes {stable_mosaic.version = 14 : i64} {
  func.func @_deg_kernel(%arg0: i32, %arg1: i32, %arg2: memref<2x16x158x128xi32, #tpu.memory_space<hbm>>, %arg3: memref<10240xf32, #tpu.memory_space<hbm>>, %arg4: memref<2x10240xf32, #tpu.memory_space<hbm>>, %arg5: memref<158x128xi32, #tpu.memory_space<vmem>>, %arg6: memref<128xf32, #tpu.memory_space<vmem>>, %arg7: memref<640xf32, #tpu.memory_space<vmem>>, %arg8: memref<10240xf32, #tpu.memory_space<vmem_shared>>) attributes {dimension_semantics = [#tpu.dimension_semantics<core_parallel>, #tpu.dimension_semantics<subcore_parallel>], iteration_bounds = array<i64: 2, 16>, scalar_prefetch = 0 : i64, scratch_operands = 4 : i64, tpu.core_type = #tpu.core_type<sc_vector_subcore>, window_params = [{transform_indices = #map}, {transform_indices = #map1}, {transform_indices = #map2}]} {
    %mul3A = arith.constant 640 : i32
    %mul3A_0 = arith.muli %arg1, %mul3A : i32
    %mul3A_1 = arith.constant 640 : i32
    %mul3A_2 = arith.muli %arg1, %mul3A_1 : i32
    "tpu.region"() ({
      %run_scoped3A = tpu.sem_alloc : memref<!tpu.dma_semaphore, #tpu.memory_space<semaphore_mem>>
      %dma_start3A = tpu.memref_slice %arg8[%mul3A_2] : memref<10240xf32, #tpu.memory_space<vmem_shared>> -> memref<640xf32, #tpu.memory_space<vmem_shared>>
      %dma_start3A_22 = tpu.memref_slice %arg3[%mul3A_0] : memref<10240xf32, #tpu.memory_space<hbm>> -> memref<640xf32, #tpu.memory_space<hbm>>
      tpu.enqueue_dma source(%dma_start3A_22 : memref<640xf32, #tpu.memory_space<hbm>>) target(%dma_start3A : memref<640xf32, #tpu.memory_space<vmem_shared>>) target_semaphore(%run_scoped3A : memref<!tpu.dma_semaphore, #tpu.memory_space<semaphore_mem>>)
      %dma_wait3A = tpu.memref_slice %arg8[%mul3A_2] : memref<10240xf32, #tpu.memory_space<vmem_shared>> -> memref<640xf32, #tpu.memory_space<vmem_shared>>
      %dma_wait3A_23 = tpu.memref_slice %arg3[%mul3A_0] : memref<10240xf32, #tpu.memory_space<hbm>> -> memref<640xf32, #tpu.memory_space<hbm>>
      tpu.wait_dma2 semaphore(%run_scoped3A : memref<!tpu.dma_semaphore, #tpu.memory_space<semaphore_mem>>) src(%dma_wait3A_23 : memref<640xf32, #tpu.memory_space<hbm>>) dst(%dma_wait3A : memref<640xf32, #tpu.memory_space<vmem_shared>>)
      tpu.yield
    }) : () -> ()
    "tpu.region"() ({
      %run_scoped3A = tpu.sem_alloc : memref<!tpu.dma_semaphore, #tpu.memory_space<semaphore_mem>>
      %dma_start3A = arith.constant 0 : i32
      %dma_start3A_22 = arith.constant 0 : i32
      %dma_start3A_23 = tpu.memref_slice %arg2[%arg0, %arg1, %dma_start3A, %dma_start3A_22] : memref<2x16x158x128xi32, #tpu.memory_space<hbm>> -> memref<1x1x158x128xi32, #tpu.memory_space<hbm>>
      %dma_start3A_24 = tpu.memref_squeeze %dma_start3A_23 : memref<1x1x158x128xi32, #tpu.memory_space<hbm>> -> memref<158x128xi32, #tpu.memory_space<hbm>>
      %dma_start3A_25 = arith.constant 0 : i32
      %dma_start3A_26 = arith.constant 0 : i32
      %dma_start3A_27 = tpu.memref_slice %arg2[%arg0, %arg1, %dma_start3A_25, %dma_start3A_26] : memref<2x16x158x128xi32, #tpu.memory_space<hbm>> -> memref<1x1x158x128xi32, #tpu.memory_space<hbm>>
      %dma_start3A_28 = tpu.memref_squeeze %dma_start3A_27 : memref<1x1x158x128xi32, #tpu.memory_space<hbm>> -> memref<158x128xi32, #tpu.memory_space<hbm>>
      tpu.enqueue_dma source(%dma_start3A_28 : memref<158x128xi32, #tpu.memory_space<hbm>>) target(%arg5 : memref<158x128xi32, #tpu.memory_space<vmem>>) target_semaphore(%run_scoped3A : memref<!tpu.dma_semaphore, #tpu.memory_space<semaphore_mem>>)
      %dma_wait3A = arith.constant 0 : i32
      %dma_wait3A_29 = arith.constant 0 : i32
      %dma_wait3A_30 = tpu.memref_slice %arg2[%arg0, %arg1, %dma_wait3A, %dma_wait3A_29] : memref<2x16x158x128xi32, #tpu.memory_space<hbm>> -> memref<1x1x158x128xi32, #tpu.memory_space<hbm>>
      %dma_wait3A_31 = tpu.memref_squeeze %dma_wait3A_30 : memref<1x1x158x128xi32, #tpu.memory_space<hbm>> -> memref<158x128xi32, #tpu.memory_space<hbm>>
      %dma_wait3A_32 = arith.constant 0 : i32
      %dma_wait3A_33 = arith.constant 0 : i32
      %dma_wait3A_34 = tpu.memref_slice %arg2[%arg0, %arg1, %dma_wait3A_32, %dma_wait3A_33] : memref<2x16x158x128xi32, #tpu.memory_space<hbm>> -> memref<1x1x158x128xi32, #tpu.memory_space<hbm>>
      %dma_wait3A_35 = tpu.memref_squeeze %dma_wait3A_34 : memref<1x1x158x128xi32, #tpu.memory_space<hbm>> -> memref<158x128xi32, #tpu.memory_space<hbm>>
      tpu.wait_dma2 semaphore(%run_scoped3A : memref<!tpu.dma_semaphore, #tpu.memory_space<semaphore_mem>>) src(%dma_wait3A_35 : memref<158x128xi32, #tpu.memory_space<hbm>>) dst(%arg5 : memref<158x128xi32, #tpu.memory_space<vmem>>)
      tpu.yield
    }) : () -> ()
    %broadcast_in_dim3A = arith.constant 1.000000e+00 : f32
    %broadcast_in_dim3A_3 = vector.broadcast %broadcast_in_dim3A : f32 to vector<16xf32>
    %scan3A = arith.constant 0 : i32
    %scan3A_4 = arith.constant 0 : i32
    %scan3A_5 = arith.constant 8 : i32
    %scan3A_6 = arith.addi %scan3A_4, %scan3A_5 : i32
    %scan3A_7 = arith.constant 1 : i32
    %scan3A_8 = scf.for %scan3A_22 = %scan3A_4 to %scan3A_6 step %scan3A_7 iter_args(%scan3A_23 = %scan3A) -> (i32)  : i32 {
      %mul3A_24 = arith.constant 16 : i32
      %mul3A_25 = arith.muli %scan3A_22, %mul3A_24 : i32
      %swap3A = arith.index_cast %mul3A_25 : i32 to index
      %swap3A_26 = tpu.vector_load %arg6[%swap3A] {strides = array<i32>} : memref<128xf32, #tpu.memory_space<vmem>>, vector<16xf32>,
      %swap3A_27 = vector.shape_cast %swap3A_26 : vector<16xf32> to vector<16xf32>
      %swap3A_28 = vector.shape_cast %broadcast_in_dim3A_3 : vector<16xf32> to vector<16xf32>
      tpu.vector_store %arg6[%swap3A], %swap3A_28 {strides = array<i32>} : memref<128xf32, #tpu.memory_space<vmem>>, vector<16xf32>,
      %scan3A_29 = arith.constant 0 : i32
      scf.yield %scan3A_29 : i32
    }
    %scan3A_9 = arith.constant 8 : i32
    %barrier3A = arith.constant 0 : index
    tpu.barrier barrier_id(%barrier3A)
    %scan3A_10 = arith.constant 0 : i32
    %scan3A_11 = arith.constant 0 : i32
    %scan3A_12 = arith.constant 158 : i32
    %scan3A_13 = arith.addi %scan3A_11, %scan3A_12 : i32
    %scan3A_14 = arith.constant 1 : i32
    %scan3A_15 = scf.for %scan3A_22 = %scan3A_11 to %scan3A_13 step %scan3A_14 iter_args(%scan3A_23 = %scan3A_10) -> (i32)  : i32 {
      "tpu.region"() ({
        %run_scoped3A = tpu.sem_alloc : memref<!tpu.dma_semaphore, #tpu.memory_space<semaphore_mem>>
        %dma_start3A = arith.constant 0 : i32
        %dma_start3A_25 = tpu.memref_slice %arg5[%scan3A_22, %dma_start3A] : memref<158x128xi32, #tpu.memory_space<vmem>> -> memref<1x128xi32, #tpu.memory_space<vmem>>
        %dma_start3A_26 = tpu.memref_squeeze %dma_start3A_25 : memref<1x128xi32, #tpu.memory_space<vmem>> -> memref<128xi32, #tpu.memory_space<vmem>>
        %dma_start3A_27 = arith.constant 0 : i32
        %dma_start3A_28 = tpu.memref_slice %arg8[%dma_start3A_27] : memref<10240xf32, #tpu.memory_space<vmem_shared>> -> memref<10240xf32, #tpu.memory_space<vmem_shared>>
        tpu.enqueue_indirect_dma source(%arg6 : memref<128xf32, #tpu.memory_space<vmem>>) target(%dma_start3A_28 : memref<10240xf32, #tpu.memory_space<vmem_shared>>) offsets(%dma_start3A_26 : memref<128xi32, #tpu.memory_space<vmem>>) semaphore(%run_scoped3A : memref<!tpu.dma_semaphore, #tpu.memory_space<semaphore_mem>>) {add = true}
        %dma_wait3A = arith.constant 0 : i32
        %dma_wait3A_29 = tpu.memref_slice %arg5[%scan3A_22, %dma_wait3A] : memref<158x128xi32, #tpu.memory_space<vmem>> -> memref<1x128xi32, #tpu.memory_space<vmem>>
        %dma_wait3A_30 = tpu.memref_squeeze %dma_wait3A_29 : memref<1x128xi32, #tpu.memory_space<vmem>> -> memref<128xi32, #tpu.memory_space<vmem>>
        %dma_wait3A_31 = arith.constant 0 : i32
        %dma_wait3A_32 = tpu.memref_slice %arg8[%dma_wait3A_31] : memref<10240xf32, #tpu.memory_space<vmem_shared>> -> memref<10240xf32, #tpu.memory_space<vmem_shared>>
        tpu.wait_indirect_dma semaphore(%run_scoped3A : memref<!tpu.dma_semaphore, #tpu.memory_space<semaphore_mem>>) src(%arg6 : memref<128xf32, #tpu.memory_space<vmem>>) dst(%dma_wait3A_32 : memref<10240xf32, #tpu.memory_space<vmem_shared>>)
        tpu.yield
      }) : () -> ()
      %scan3A_24 = arith.constant 0 : i32
      scf.yield %scan3A_24 : i32
    }
    %scan3A_16 = arith.constant 158 : i32
    %barrier3A_17 = arith.constant 0 : index
    tpu.barrier barrier_id(%barrier3A_17)
    %mul3A_18 = arith.constant 640 : i32
    %mul3A_19 = arith.muli %arg1, %mul3A_18 : i32
    "tpu.region"() ({
      %run_scoped3A = tpu.sem_alloc : memref<!tpu.dma_semaphore, #tpu.memory_space<semaphore_mem>>
      %dma_start3A = tpu.memref_slice %arg8[%mul3A_19] : memref<10240xf32, #tpu.memory_space<vmem_shared>> -> memref<640xf32, #tpu.memory_space<vmem_shared>>
      %dma_start3A_22 = tpu.memref_slice %arg8[%mul3A_19] : memref<10240xf32, #tpu.memory_space<vmem_shared>> -> memref<640xf32, #tpu.memory_space<vmem_shared>>
      tpu.enqueue_dma source(%dma_start3A_22 : memref<640xf32, #tpu.memory_space<vmem_shared>>) target(%arg7 : memref<640xf32, #tpu.memory_space<vmem>>) target_semaphore(%run_scoped3A : memref<!tpu.dma_semaphore, #tpu.memory_space<semaphore_mem>>)
      %dma_wait3A = tpu.memref_slice %arg8[%mul3A_19] : memref<10240xf32, #tpu.memory_space<vmem_shared>> -> memref<640xf32, #tpu.memory_space<vmem_shared>>
      %dma_wait3A_23 = tpu.memref_slice %arg8[%mul3A_19] : memref<10240xf32, #tpu.memory_space<vmem_shared>> -> memref<640xf32, #tpu.memory_space<vmem_shared>>
      tpu.wait_dma2 semaphore(%run_scoped3A : memref<!tpu.dma_semaphore, #tpu.memory_space<semaphore_mem>>) src(%dma_wait3A_23 : memref<640xf32, #tpu.memory_space<vmem_shared>>) dst(%arg7 : memref<640xf32, #tpu.memory_space<vmem>>)
      tpu.yield
    }) : () -> ()
    %mul3A_20 = arith.constant 640 : i32
    %mul3A_21 = arith.muli %arg1, %mul3A_20 : i32
    "tpu.region"() ({
      %run_scoped3A = tpu.sem_alloc : memref<!tpu.dma_semaphore, #tpu.memory_space<semaphore_mem>>
      %dma_start3A = tpu.memref_slice %arg4[%arg0, %mul3A_21] : memref<2x10240xf32, #tpu.memory_space<hbm>> -> memref<1x640xf32, #tpu.memory_space<hbm>>
      %dma_start3A_22 = tpu.memref_squeeze %dma_start3A : memref<1x640xf32, #tpu.memory_space<hbm>> -> memref<640xf32, #tpu.memory_space<hbm>>
      %dma_start3A_23 = tpu.memref_slice %arg4[%arg0, %mul3A_21] : memref<2x10240xf32, #tpu.memory_space<hbm>> -> memref<1x640xf32, #tpu.memory_space<hbm>>
      %dma_start3A_24 = tpu.memref_squeeze %dma_start3A_23 : memref<1x640xf32, #tpu.memory_space<hbm>> -> memref<640xf32, #tpu.memory_space<hbm>>
      tpu.enqueue_dma source(%arg7 : memref<640xf32, #tpu.memory_space<vmem>>) target(%dma_start3A_24 : memref<640xf32, #tpu.memory_space<hbm>>) target_semaphore(%run_scoped3A : memref<!tpu.dma_semaphore, #tpu.memory_space<semaphore_mem>>)
      %dma_wait3A = tpu.memref_slice %arg4[%arg0, %mul3A_21] : memref<2x10240xf32, #tpu.memory_space<hbm>> -> memref<1x640xf32, #tpu.memory_space<hbm>>
      %dma_wait3A_25 = tpu.memref_squeeze %dma_wait3A : memref<1x640xf32, #tpu.memory_space<hbm>> -> memref<640xf32, #tpu.memory_space<hbm>>
      %dma_wait3A_26 = tpu.memref_slice %arg4[%arg0, %mul3A_21] : memref<2x10240xf32, #tpu.memory_space<hbm>> -> memref<1x640xf32, #tpu.memory_space<hbm>>
      %dma_wait3A_27 = tpu.memref_squeeze %dma_wait3A_26 : memref<1x640xf32, #tpu.memory_space<hbm>> -> memref<640xf32, #tpu.memory_space<hbm>>
      tpu.wait_dma2 semaphore(%run_scoped3A : memref<!tpu.dma_semaphore, #tpu.memory_space<semaphore_mem>>) src(%arg7 : memref<640xf32, #tpu.memory_space<vmem>>) dst(%dma_wait3A_27 : memref<640xf32, #tpu.memory_space<hbm>>)
      tpu.yield
    }) : () -> ()
    return
  }
}

#map = affine_map<(d0, d1) -> (0, 0)>
#map1 = affine_map<(d0, d1) -> (0, 0, 0, 0, 0)>
#map2 = affine_map<(d0, d1) -> (0, 0, 0)>
module attributes {stable_mosaic.version = 14 : i64} {
  func.func @_agg_kernel(%arg0: i32, %arg1: i32, %arg2: memref<10240x128xf32, #tpu.memory_space<hbm>>, %arg3: memref<2x2x16x158x64xi32, #tpu.memory_space<hbm>>, %arg4: memref<640x128xf32, #tpu.memory_space<hbm>>, %arg5: memref<2x10240x128xf32, #tpu.memory_space<hbm>>, %arg6: memref<8x64xi32, #tpu.memory_space<vmem>>, %arg7: memref<8x64xi32, #tpu.memory_space<vmem>>, %arg8: memref<4x64x128xf32, #tpu.memory_space<vmem>>, %arg9: memref<4x!tpu.dma_semaphore, #tpu.memory_space<semaphore_mem>>, %arg10: memref<8x!tpu.dma_semaphore, #tpu.memory_space<semaphore_mem>>, %arg11: memref<10240x128xf32, #tpu.memory_space<vmem_shared>>) attributes {dimension_semantics = [#tpu.dimension_semantics<core_parallel>, #tpu.dimension_semantics<subcore_parallel>], iteration_bounds = array<i64: 2, 16>, scalar_prefetch = 0 : i64, scratch_operands = 6 : i64, tpu.core_type = #tpu.core_type<sc_vector_subcore>, window_params = [{transform_indices = #map}, {transform_indices = #map1}, {transform_indices = #map}, {transform_indices = #map2}]} {
    %mul3A = arith.constant 640 : i32
    %mul3A_0 = arith.muli %arg1, %mul3A : i32
    "tpu.region"() ({
      %run_scoped3A_291 = tpu.sem_alloc : memref<!tpu.dma_semaphore, #tpu.memory_space<semaphore_mem>>
      %dma_start3A_292 = arith.constant 0 : i32
      %dma_start3A_293 = tpu.memref_slice %arg11[%mul3A_0, %dma_start3A_292] : memref<10240x128xf32, #tpu.memory_space<vmem_shared>> -> memref<640x128xf32, #tpu.memory_space<vmem_shared>>
      tpu.enqueue_dma source(%arg4 : memref<640x128xf32, #tpu.memory_space<hbm>>) target(%dma_start3A_293 : memref<640x128xf32, #tpu.memory_space<vmem_shared>>) target_semaphore(%run_scoped3A_291 : memref<!tpu.dma_semaphore, #tpu.memory_space<semaphore_mem>>)
      %dma_wait3A_294 = arith.constant 0 : i32
      %dma_wait3A_295 = tpu.memref_slice %arg11[%mul3A_0, %dma_wait3A_294] : memref<10240x128xf32, #tpu.memory_space<vmem_shared>> -> memref<640x128xf32, #tpu.memory_space<vmem_shared>>
      tpu.wait_dma2 semaphore(%run_scoped3A_291 : memref<!tpu.dma_semaphore, #tpu.memory_space<semaphore_mem>>) src(%arg4 : memref<640x128xf32, #tpu.memory_space<hbm>>) dst(%dma_wait3A_295 : memref<640x128xf32, #tpu.memory_space<vmem_shared>>)
      tpu.yield
    }) : () -> ()
    %barrier3A = arith.constant 0 : index
    tpu.barrier barrier_id(%barrier3A)
    %run_scoped3A = arith.constant 0 : i32
    %run_scoped3A_1 = arith.constant 0 : i32
    %run_scoped3A_2 = arith.constant 0 : i32
    "tpu.region"() ({
      %run_scoped3A_291 = tpu.sem_alloc : memref<!tpu.dma_semaphore, #tpu.memory_space<semaphore_mem>>
      %dma_start3A_292 = arith.constant 0 : i32
      %dma_start3A_293 = tpu.memref_slice %arg6[%run_scoped3A_2, %dma_start3A_292] : memref<8x64xi32, #tpu.memory_space<vmem>> -> memref<1x64xi32, #tpu.memory_space<vmem>>
      %dma_start3A_294 = tpu.memref_squeeze %dma_start3A_293 : memref<1x64xi32, #tpu.memory_space<vmem>> -> memref<64xi32, #tpu.memory_space<vmem>>
      %dma_start3A_295 = arith.constant 0 : i32
      %dma_start3A_296 = tpu.memref_slice %arg3[%run_scoped3A, %arg0, %arg1, %run_scoped3A_1, %dma_start3A_295] : memref<2x2x16x158x64xi32, #tpu.memory_space<hbm>> -> memref<1x1x1x1x64xi32, #tpu.memory_space<hbm>>
      %dma_start3A_297 = tpu.memref_squeeze %dma_start3A_296 : memref<1x1x1x1x64xi32, #tpu.memory_space<hbm>> -> memref<64xi32, #tpu.memory_space<hbm>>
      %dma_start3A_298 = arith.constant 0 : i32
      %dma_start3A_299 = tpu.memref_slice %arg6[%run_scoped3A_2, %dma_start3A_298] : memref<8x64xi32, #tpu.memory_space<vmem>> -> memref<1x64xi32, #tpu.memory_space<vmem>>
      %dma_start3A_300 = tpu.memref_squeeze %dma_start3A_299 : memref<1x64xi32, #tpu.memory_space<vmem>> -> memref<64xi32, #tpu.memory_space<vmem>>
      %dma_start3A_301 = arith.constant 0 : i32
      %dma_start3A_302 = tpu.memref_slice %arg3[%run_scoped3A, %arg0, %arg1, %run_scoped3A_1, %dma_start3A_301] : memref<2x2x16x158x64xi32, #tpu.memory_space<hbm>> -> memref<1x1x1x1x64xi32, #tpu.memory_space<hbm>>
      %dma_start3A_303 = tpu.memref_squeeze %dma_start3A_302 : memref<1x1x1x1x64xi32, #tpu.memory_space<hbm>> -> memref<64xi32, #tpu.memory_space<hbm>>
      tpu.enqueue_dma source(%dma_start3A_303 : memref<64xi32, #tpu.memory_space<hbm>>) target(%dma_start3A_300 : memref<64xi32, #tpu.memory_space<vmem>>) target_semaphore(%run_scoped3A_291 : memref<!tpu.dma_semaphore, #tpu.memory_space<semaphore_mem>>)
      %dma_wait3A_304 = arith.constant 0 : i32
      %dma_wait3A_305 = tpu.memref_slice %arg6[%run_scoped3A_2, %dma_wait3A_304] : memref<8x64xi32, #tpu.memory_space<vmem>> -> memref<1x64xi32, #tpu.memory_space<vmem>>
      %dma_wait3A_306 = tpu.memref_squeeze %dma_wait3A_305 : memref<1x64xi32, #tpu.memory_space<vmem>> -> memref<64xi32, #tpu.memory_space<vmem>>
      %dma_wait3A_307 = arith.constant 0 : i32
      %dma_wait3A_308 = tpu.memref_slice %arg3[%run_scoped3A, %arg0, %arg1, %run_scoped3A_1, %dma_wait3A_307] : memref<2x2x16x158x64xi32, #tpu.memory_space<hbm>> -> memref<1x1x1x1x64xi32, #tpu.memory_space<hbm>>
      %dma_wait3A_309 = tpu.memref_squeeze %dma_wait3A_308 : memref<1x1x1x1x64xi32, #tpu.memory_space<hbm>> -> memref<64xi32, #tpu.memory_space<hbm>>
      %dma_wait3A_310 = arith.constant 0 : i32
      %dma_wait3A_311 = tpu.memref_slice %arg6[%run_scoped3A_2, %dma_wait3A_310] : memref<8x64xi32, #tpu.memory_space<vmem>> -> memref<1x64xi32, #tpu.memory_space<vmem>>
      %dma_wait3A_312 = tpu.memref_squeeze %dma_wait3A_311 : memref<1x64xi32, #tpu.memory_space<vmem>> -> memref<64xi32, #tpu.memory_space<vmem>>
      %dma_wait3A_313 = arith.constant 0 : i32
      %dma_wait3A_314 = tpu.memref_slice %arg3[%run_scoped3A, %arg0, %arg1, %run_scoped3A_1, %dma_wait3A_313] : memref<2x2x16x158x64xi32, #tpu.memory_space<hbm>> -> memref<1x1x1x1x64xi32, #tpu.memory_space<hbm>>
      %dma_wait3A_315 = tpu.memref_squeeze %dma_wait3A_314 : memref<1x1x1x1x64xi32, #tpu.memory_space<hbm>> -> memref<64xi32, #tpu.memory_space<hbm>>
      tpu.wait_dma2 semaphore(%run_scoped3A_291 : memref<!tpu.dma_semaphore, #tpu.memory_space<semaphore_mem>>) src(%dma_wait3A_315 : memref<64xi32, #tpu.memory_space<hbm>>) dst(%dma_wait3A_312 : memref<64xi32, #tpu.memory_space<vmem>>)
      tpu.yield
    }) : () -> ()
    %run_scoped3A_3 = arith.constant 1 : i32
    %run_scoped3A_4 = arith.constant 0 : i32
    %run_scoped3A_5 = arith.constant 0 : i32
    "tpu.region"() ({
      %run_scoped3A_291 = tpu.sem_alloc : memref<!tpu.dma_semaphore, #tpu.memory_space<semaphore_mem>>
      %dma_start3A_292 = arith.constant 0 : i32
      %dma_start3A_293 = tpu.memref_slice %arg7[%run_scoped3A_5, %dma_start3A_292] : memref<8x64xi32, #tpu.memory_space<vmem>> -> memref<1x64xi32, #tpu.memory_space<vmem>>
      %dma_start3A_294 = tpu.memref_squeeze %dma_start3A_293 : memref<1x64xi32, #tpu.memory_space<vmem>> -> memref<64xi32, #tpu.memory_space<vmem>>
      %dma_start3A_295 = arith.constant 0 : i32
      %dma_start3A_296 = tpu.memref_slice %arg3[%run_scoped3A_3, %arg0, %arg1, %run_scoped3A_4, %dma_start3A_295] : memref<2x2x16x158x64xi32, #tpu.memory_space<hbm>> -> memref<1x1x1x1x64xi32, #tpu.memory_space<hbm>>
      %dma_start3A_297 = tpu.memref_squeeze %dma_start3A_296 : memref<1x1x1x1x64xi32, #tpu.memory_space<hbm>> -> memref<64xi32, #tpu.memory_space<hbm>>
      %dma_start3A_298 = arith.constant 0 : i32
      %dma_start3A_299 = tpu.memref_slice %arg7[%run_scoped3A_5, %dma_start3A_298] : memref<8x64xi32, #tpu.memory_space<vmem>> -> memref<1x64xi32, #tpu.memory_space<vmem>>
      %dma_start3A_300 = tpu.memref_squeeze %dma_start3A_299 : memref<1x64xi32, #tpu.memory_space<vmem>> -> memref<64xi32, #tpu.memory_space<vmem>>
      %dma_start3A_301 = arith.constant 0 : i32
      %dma_start3A_302 = tpu.memref_slice %arg3[%run_scoped3A_3, %arg0, %arg1, %run_scoped3A_4, %dma_start3A_301] : memref<2x2x16x158x64xi32, #tpu.memory_space<hbm>> -> memref<1x1x1x1x64xi32, #tpu.memory_space<hbm>>
      %dma_start3A_303 = tpu.memref_squeeze %dma_start3A_302 : memref<1x1x1x1x64xi32, #tpu.memory_space<hbm>> -> memref<64xi32, #tpu.memory_space<hbm>>
      tpu.enqueue_dma source(%dma_start3A_303 : memref<64xi32, #tpu.memory_space<hbm>>) target(%dma_start3A_300 : memref<64xi32, #tpu.memory_space<vmem>>) target_semaphore(%run_scoped3A_291 : memref<!tpu.dma_semaphore, #tpu.memory_space<semaphore_mem>>)
      %dma_wait3A_304 = arith.constant 0 : i32
      %dma_wait3A_305 = tpu.memref_slice %arg7[%run_scoped3A_5, %dma_wait3A_304] : memref<8x64xi32, #tpu.memory_space<vmem>> -> memref<1x64xi32, #tpu.memory_space<vmem>>
      %dma_wait3A_306 = tpu.memref_squeeze %dma_wait3A_305 : memref<1x64xi32, #tpu.memory_space<vmem>> -> memref<64xi32, #tpu.memory_space<vmem>>
      %dma_wait3A_307 = arith.constant 0 : i32
      %dma_wait3A_308 = tpu.memref_slice %arg3[%run_scoped3A_3, %arg0, %arg1, %run_scoped3A_4, %dma_wait3A_307] : memref<2x2x16x158x64xi32, #tpu.memory_space<hbm>> -> memref<1x1x1x1x64xi32, #tpu.memory_space<hbm>>
      %dma_wait3A_309 = tpu.memref_squeeze %dma_wait3A_308 : memref<1x1x1x1x64xi32, #tpu.memory_space<hbm>> -> memref<64xi32, #tpu.memory_space<hbm>>
      %dma_wait3A_310 = arith.constant 0 : i32
      %dma_wait3A_311 = tpu.memref_slice %arg7[%run_scoped3A_5, %dma_wait3A_310] : memref<8x64xi32, #tpu.memory_space<vmem>> -> memref<1x64xi32, #tpu.memory_space<vmem>>
      %dma_wait3A_312 = tpu.memref_squeeze %dma_wait3A_311 : memref<1x64xi32, #tpu.memory_space<vmem>> -> memref<64xi32, #tpu.memory_space<vmem>>
      %dma_wait3A_313 = arith.constant 0 : i32
      %dma_wait3A_314 = tpu.memref_slice %arg3[%run_scoped3A_3, %arg0, %arg1, %run_scoped3A_4, %dma_wait3A_313] : memref<2x2x16x158x64xi32, #tpu.memory_space<hbm>> -> memref<1x1x1x1x64xi32, #tpu.memory_space<hbm>>
      %dma_wait3A_315 = tpu.memref_squeeze %dma_wait3A_314 : memref<1x1x1x1x64xi32, #tpu.memory_space<hbm>> -> memref<64xi32, #tpu.memory_space<hbm>>
      tpu.wait_dma2 semaphore(%run_scoped3A_291 : memref<!tpu.dma_semaphore, #tpu.memory_space<semaphore_mem>>) src(%dma_wait3A_315 : memref<64xi32, #tpu.memory_space<hbm>>) dst(%dma_wait3A_312 : memref<64xi32, #tpu.memory_space<vmem>>)
      tpu.yield
    }) : () -> ()
    %dma_start3A = arith.constant 0 : i32
    %dma_start3A_6 = arith.constant 1 : i32
    %dma_start3A_7 = arith.constant 1 : i32
    %dma_start3A_8 = arith.constant 1 : i32
    %dma_start3A_9 = arith.constant 0 : i32
    %dma_start3A_10 = tpu.memref_slice %arg6[%dma_start3A_7, %dma_start3A_9] : memref<8x64xi32, #tpu.memory_space<vmem>> -> memref<1x64xi32, #tpu.memory_space<vmem>>
    %dma_start3A_11 = tpu.memref_squeeze %dma_start3A_10 : memref<1x64xi32, #tpu.memory_space<vmem>> -> memref<64xi32, #tpu.memory_space<vmem>>
    %dma_start3A_12 = arith.constant 0 : i32
    %dma_start3A_13 = tpu.memref_slice %arg3[%dma_start3A, %arg0, %arg1, %dma_start3A_6, %dma_start3A_12] : memref<2x2x16x158x64xi32, #tpu.memory_space<hbm>> -> memref<1x1x1x1x64xi32, #tpu.memory_space<hbm>>
    %dma_start3A_14 = tpu.memref_squeeze %dma_start3A_13 : memref<1x1x1x1x64xi32, #tpu.memory_space<hbm>> -> memref<64xi32, #tpu.memory_space<hbm>>
    %dma_start3A_15 = tpu.memref_slice %arg10[%dma_start3A_8] : memref<8x!tpu.dma_semaphore, #tpu.memory_space<semaphore_mem>> -> memref<1x!tpu.dma_semaphore, #tpu.memory_space<semaphore_mem>>
    %dma_start3A_16 = tpu.memref_squeeze %dma_start3A_15 : memref<1x!tpu.dma_semaphore, #tpu.memory_space<semaphore_mem>> -> memref<!tpu.dma_semaphore, #tpu.memory_space<semaphore_mem>>
    %dma_start3A_17 = arith.constant 0 : i32
    %dma_start3A_18 = tpu.memref_slice %arg6[%dma_start3A_7, %dma_start3A_17] : memref<8x64xi32, #tpu.memory_space<vmem>> -> memref<1x64xi32, #tpu.memory_space<vmem>>
    %dma_start3A_19 = tpu.memref_squeeze %dma_start3A_18 : memref<1x64xi32, #tpu.memory_space<vmem>> -> memref<64xi32, #tpu.memory_space<vmem>>
    %dma_start3A_20 = arith.constant 0 : i32
    %dma_start3A_21 = tpu.memref_slice %arg3[%dma_start3A, %arg0, %arg1, %dma_start3A_6, %dma_start3A_20] : memref<2x2x16x158x64xi32, #tpu.memory_space<hbm>> -> memref<1x1x1x1x64xi32, #tpu.memory_space<hbm>>
    %dma_start3A_22 = tpu.memref_squeeze %dma_start3A_21 : memref<1x1x1x1x64xi32, #tpu.memory_space<hbm>> -> memref<64xi32, #tpu.memory_space<hbm>>
    tpu.enqueue_dma source(%dma_start3A_22 : memref<64xi32, #tpu.memory_space<hbm>>) target(%dma_start3A_19 : memref<64xi32, #tpu.memory_space<vmem>>) target_semaphore(%dma_start3A_16 : memref<!tpu.dma_semaphore, #tpu.memory_space<semaphore_mem>>)
    %dma_start3A_23 = arith.constant 1 : i32
    %dma_start3A_24 = arith.constant 1 : i32
    %dma_start3A_25 = arith.constant 1 : i32
    %dma_start3A_26 = arith.constant 1 : i32
    %dma_start3A_27 = arith.constant 0 : i32
    %dma_start3A_28 = tpu.memref_slice %arg7[%dma_start3A_25, %dma_start3A_27] : memref<8x64xi32, #tpu.memory_space<vmem>> -> memref<1x64xi32, #tpu.memory_space<vmem>>
    %dma_start3A_29 = tpu.memref_squeeze %dma_start3A_28 : memref<1x64xi32, #tpu.memory_space<vmem>> -> memref<64xi32, #tpu.memory_space<vmem>>
    %dma_start3A_30 = arith.constant 0 : i32
    %dma_start3A_31 = tpu.memref_slice %arg3[%dma_start3A_23, %arg0, %arg1, %dma_start3A_24, %dma_start3A_30] : memref<2x2x16x158x64xi32, #tpu.memory_space<hbm>> -> memref<1x1x1x1x64xi32, #tpu.memory_space<hbm>>
    %dma_start3A_32 = tpu.memref_squeeze %dma_start3A_31 : memref<1x1x1x1x64xi32, #tpu.memory_space<hbm>> -> memref<64xi32, #tpu.memory_space<hbm>>
    %dma_start3A_33 = tpu.memref_slice %arg10[%dma_start3A_26] : memref<8x!tpu.dma_semaphore, #tpu.memory_space<semaphore_mem>> -> memref<1x!tpu.dma_semaphore, #tpu.memory_space<semaphore_mem>>
    %dma_start3A_34 = tpu.memref_squeeze %dma_start3A_33 : memref<1x!tpu.dma_semaphore, #tpu.memory_space<semaphore_mem>> -> memref<!tpu.dma_semaphore, #tpu.memory_space<semaphore_mem>>
    %dma_start3A_35 = arith.constant 0 : i32
    %dma_start3A_36 = tpu.memref_slice %arg7[%dma_start3A_25, %dma_start3A_35] : memref<8x64xi32, #tpu.memory_space<vmem>> -> memref<1x64xi32, #tpu.memory_space<vmem>>
    %dma_start3A_37 = tpu.memref_squeeze %dma_start3A_36 : memref<1x64xi32, #tpu.memory_space<vmem>> -> memref<64xi32, #tpu.memory_space<vmem>>
    %dma_start3A_38 = arith.constant 0 : i32
    %dma_start3A_39 = tpu.memref_slice %arg3[%dma_start3A_23, %arg0, %arg1, %dma_start3A_24, %dma_start3A_38] : memref<2x2x16x158x64xi32, #tpu.memory_space<hbm>> -> memref<1x1x1x1x64xi32, #tpu.memory_space<hbm>>
    %dma_start3A_40 = tpu.memref_squeeze %dma_start3A_39 : memref<1x1x1x1x64xi32, #tpu.memory_space<hbm>> -> memref<64xi32, #tpu.memory_space<hbm>>
    tpu.enqueue_dma source(%dma_start3A_40 : memref<64xi32, #tpu.memory_space<hbm>>) target(%dma_start3A_37 : memref<64xi32, #tpu.memory_space<vmem>>) target_semaphore(%dma_start3A_34 : memref<!tpu.dma_semaphore, #tpu.memory_space<semaphore_mem>>)
    %dma_start3A_41 = arith.constant 0 : i32
    %dma_start3A_42 = arith.constant 2 : i32
    %dma_start3A_43 = arith.constant 2 : i32
    %dma_start3A_44 = arith.constant 2 : i32
    %dma_start3A_45 = arith.constant 0 : i32
    %dma_start3A_46 = tpu.memref_slice %arg6[%dma_start3A_43, %dma_start3A_45] : memref<8x64xi32, #tpu.memory_space<vmem>> -> memref<1x64xi32, #tpu.memory_space<vmem>>
    %dma_start3A_47 = tpu.memref_squeeze %dma_start3A_46 : memref<1x64xi32, #tpu.memory_space<vmem>> -> memref<64xi32, #tpu.memory_space<vmem>>
    %dma_start3A_48 = arith.constant 0 : i32
    %dma_start3A_49 = tpu.memref_slice %arg3[%dma_start3A_41, %arg0, %arg1, %dma_start3A_42, %dma_start3A_48] : memref<2x2x16x158x64xi32, #tpu.memory_space<hbm>> -> memref<1x1x1x1x64xi32, #tpu.memory_space<hbm>>
    %dma_start3A_50 = tpu.memref_squeeze %dma_start3A_49 : memref<1x1x1x1x64xi32, #tpu.memory_space<hbm>> -> memref<64xi32, #tpu.memory_space<hbm>>
    %dma_start3A_51 = tpu.memref_slice %arg10[%dma_start3A_44] : memref<8x!tpu.dma_semaphore, #tpu.memory_space<semaphore_mem>> -> memref<1x!tpu.dma_semaphore, #tpu.memory_space<semaphore_mem>>
    %dma_start3A_52 = tpu.memref_squeeze %dma_start3A_51 : memref<1x!tpu.dma_semaphore, #tpu.memory_space<semaphore_mem>> -> memref<!tpu.dma_semaphore, #tpu.memory_space<semaphore_mem>>
    %dma_start3A_53 = arith.constant 0 : i32
    %dma_start3A_54 = tpu.memref_slice %arg6[%dma_start3A_43, %dma_start3A_53] : memref<8x64xi32, #tpu.memory_space<vmem>> -> memref<1x64xi32, #tpu.memory_space<vmem>>
    %dma_start3A_55 = tpu.memref_squeeze %dma_start3A_54 : memref<1x64xi32, #tpu.memory_space<vmem>> -> memref<64xi32, #tpu.memory_space<vmem>>
    %dma_start3A_56 = arith.constant 0 : i32
    %dma_start3A_57 = tpu.memref_slice %arg3[%dma_start3A_41, %arg0, %arg1, %dma_start3A_42, %dma_start3A_56] : memref<2x2x16x158x64xi32, #tpu.memory_space<hbm>> -> memref<1x1x1x1x64xi32, #tpu.memory_space<hbm>>
    %dma_start3A_58 = tpu.memref_squeeze %dma_start3A_57 : memref<1x1x1x1x64xi32, #tpu.memory_space<hbm>> -> memref<64xi32, #tpu.memory_space<hbm>>
    tpu.enqueue_dma source(%dma_start3A_58 : memref<64xi32, #tpu.memory_space<hbm>>) target(%dma_start3A_55 : memref<64xi32, #tpu.memory_space<vmem>>) target_semaphore(%dma_start3A_52 : memref<!tpu.dma_semaphore, #tpu.memory_space<semaphore_mem>>)
    %dma_start3A_59 = arith.constant 1 : i32
    %dma_start3A_60 = arith.constant 2 : i32
    %dma_start3A_61 = arith.constant 2 : i32
    %dma_start3A_62 = arith.constant 2 : i32
    %dma_start3A_63 = arith.constant 0 : i32
    %dma_start3A_64 = tpu.memref_slice %arg7[%dma_start3A_61, %dma_start3A_63] : memref<8x64xi32, #tpu.memory_space<vmem>> -> memref<1x64xi32, #tpu.memory_space<vmem>>
    %dma_start3A_65 = tpu.memref_squeeze %dma_start3A_64 : memref<1x64xi32, #tpu.memory_space<vmem>> -> memref<64xi32, #tpu.memory_space<vmem>>
    %dma_start3A_66 = arith.constant 0 : i32
    %dma_start3A_67 = tpu.memref_slice %arg3[%dma_start3A_59, %arg0, %arg1, %dma_start3A_60, %dma_start3A_66] : memref<2x2x16x158x64xi32, #tpu.memory_space<hbm>> -> memref<1x1x1x1x64xi32, #tpu.memory_space<hbm>>
    %dma_start3A_68 = tpu.memref_squeeze %dma_start3A_67 : memref<1x1x1x1x64xi32, #tpu.memory_space<hbm>> -> memref<64xi32, #tpu.memory_space<hbm>>
    %dma_start3A_69 = tpu.memref_slice %arg10[%dma_start3A_62] : memref<8x!tpu.dma_semaphore, #tpu.memory_space<semaphore_mem>> -> memref<1x!tpu.dma_semaphore, #tpu.memory_space<semaphore_mem>>
    %dma_start3A_70 = tpu.memref_squeeze %dma_start3A_69 : memref<1x!tpu.dma_semaphore, #tpu.memory_space<semaphore_mem>> -> memref<!tpu.dma_semaphore, #tpu.memory_space<semaphore_mem>>
    %dma_start3A_71 = arith.constant 0 : i32
    %dma_start3A_72 = tpu.memref_slice %arg7[%dma_start3A_61, %dma_start3A_71] : memref<8x64xi32, #tpu.memory_space<vmem>> -> memref<1x64xi32, #tpu.memory_space<vmem>>
    %dma_start3A_73 = tpu.memref_squeeze %dma_start3A_72 : memref<1x64xi32, #tpu.memory_space<vmem>> -> memref<64xi32, #tpu.memory_space<vmem>>
    %dma_start3A_74 = arith.constant 0 : i32
    %dma_start3A_75 = tpu.memref_slice %arg3[%dma_start3A_59, %arg0, %arg1, %dma_start3A_60, %dma_start3A_74] : memref<2x2x16x158x64xi32, #tpu.memory_space<hbm>> -> memref<1x1x1x1x64xi32, #tpu.memory_space<hbm>>
    %dma_start3A_76 = tpu.memref_squeeze %dma_start3A_75 : memref<1x1x1x1x64xi32, #tpu.memory_space<hbm>> -> memref<64xi32, #tpu.memory_space<hbm>>
    tpu.enqueue_dma source(%dma_start3A_76 : memref<64xi32, #tpu.memory_space<hbm>>) target(%dma_start3A_73 : memref<64xi32, #tpu.memory_space<vmem>>) target_semaphore(%dma_start3A_70 : memref<!tpu.dma_semaphore, #tpu.memory_space<semaphore_mem>>)
    %dma_start3A_77 = arith.constant 0 : i32
    %dma_start3A_78 = arith.constant 3 : i32
    %dma_start3A_79 = arith.constant 3 : i32
    %dma_start3A_80 = arith.constant 3 : i32
    %dma_start3A_81 = arith.constant 0 : i32
    %dma_start3A_82 = tpu.memref_slice %arg6[%dma_start3A_79, %dma_start3A_81] : memref<8x64xi32, #tpu.memory_space<vmem>> -> memref<1x64xi32, #tpu.memory_space<vmem>>
    %dma_start3A_83 = tpu.memref_squeeze %dma_start3A_82 : memref<1x64xi32, #tpu.memory_space<vmem>> -> memref<64xi32, #tpu.memory_space<vmem>>
    %dma_start3A_84 = arith.constant 0 : i32
    %dma_start3A_85 = tpu.memref_slice %arg3[%dma_start3A_77, %arg0, %arg1, %dma_start3A_78, %dma_start3A_84] : memref<2x2x16x158x64xi32, #tpu.memory_space<hbm>> -> memref<1x1x1x1x64xi32, #tpu.memory_space<hbm>>
    %dma_start3A_86 = tpu.memref_squeeze %dma_start3A_85 : memref<1x1x1x1x64xi32, #tpu.memory_space<hbm>> -> memref<64xi32, #tpu.memory_space<hbm>>
    %dma_start3A_87 = tpu.memref_slice %arg10[%dma_start3A_80] : memref<8x!tpu.dma_semaphore, #tpu.memory_space<semaphore_mem>> -> memref<1x!tpu.dma_semaphore, #tpu.memory_space<semaphore_mem>>
    %dma_start3A_88 = tpu.memref_squeeze %dma_start3A_87 : memref<1x!tpu.dma_semaphore, #tpu.memory_space<semaphore_mem>> -> memref<!tpu.dma_semaphore, #tpu.memory_space<semaphore_mem>>
    %dma_start3A_89 = arith.constant 0 : i32
    %dma_start3A_90 = tpu.memref_slice %arg6[%dma_start3A_79, %dma_start3A_89] : memref<8x64xi32, #tpu.memory_space<vmem>> -> memref<1x64xi32, #tpu.memory_space<vmem>>
    %dma_start3A_91 = tpu.memref_squeeze %dma_start3A_90 : memref<1x64xi32, #tpu.memory_space<vmem>> -> memref<64xi32, #tpu.memory_space<vmem>>
    %dma_start3A_92 = arith.constant 0 : i32
    %dma_start3A_93 = tpu.memref_slice %arg3[%dma_start3A_77, %arg0, %arg1, %dma_start3A_78, %dma_start3A_92] : memref<2x2x16x158x64xi32, #tpu.memory_space<hbm>> -> memref<1x1x1x1x64xi32, #tpu.memory_space<hbm>>
    %dma_start3A_94 = tpu.memref_squeeze %dma_start3A_93 : memref<1x1x1x1x64xi32, #tpu.memory_space<hbm>> -> memref<64xi32, #tpu.memory_space<hbm>>
    tpu.enqueue_dma source(%dma_start3A_94 : memref<64xi32, #tpu.memory_space<hbm>>) target(%dma_start3A_91 : memref<64xi32, #tpu.memory_space<vmem>>) target_semaphore(%dma_start3A_88 : memref<!tpu.dma_semaphore, #tpu.memory_space<semaphore_mem>>)
    %dma_start3A_95 = arith.constant 1 : i32
    %dma_start3A_96 = arith.constant 3 : i32
    %dma_start3A_97 = arith.constant 3 : i32
    %dma_start3A_98 = arith.constant 3 : i32
    %dma_start3A_99 = arith.constant 0 : i32
    %dma_start3A_100 = tpu.memref_slice %arg7[%dma_start3A_97, %dma_start3A_99] : memref<8x64xi32, #tpu.memory_space<vmem>> -> memref<1x64xi32, #tpu.memory_space<vmem>>
    %dma_start3A_101 = tpu.memref_squeeze %dma_start3A_100 : memref<1x64xi32, #tpu.memory_space<vmem>> -> memref<64xi32, #tpu.memory_space<vmem>>
    %dma_start3A_102 = arith.constant 0 : i32
    %dma_start3A_103 = tpu.memref_slice %arg3[%dma_start3A_95, %arg0, %arg1, %dma_start3A_96, %dma_start3A_102] : memref<2x2x16x158x64xi32, #tpu.memory_space<hbm>> -> memref<1x1x1x1x64xi32, #tpu.memory_space<hbm>>
    %dma_start3A_104 = tpu.memref_squeeze %dma_start3A_103 : memref<1x1x1x1x64xi32, #tpu.memory_space<hbm>> -> memref<64xi32, #tpu.memory_space<hbm>>
    %dma_start3A_105 = tpu.memref_slice %arg10[%dma_start3A_98] : memref<8x!tpu.dma_semaphore, #tpu.memory_space<semaphore_mem>> -> memref<1x!tpu.dma_semaphore, #tpu.memory_space<semaphore_mem>>
    %dma_start3A_106 = tpu.memref_squeeze %dma_start3A_105 : memref<1x!tpu.dma_semaphore, #tpu.memory_space<semaphore_mem>> -> memref<!tpu.dma_semaphore, #tpu.memory_space<semaphore_mem>>
    %dma_start3A_107 = arith.constant 0 : i32
    %dma_start3A_108 = tpu.memref_slice %arg7[%dma_start3A_97, %dma_start3A_107] : memref<8x64xi32, #tpu.memory_space<vmem>> -> memref<1x64xi32, #tpu.memory_space<vmem>>
    %dma_start3A_109 = tpu.memref_squeeze %dma_start3A_108 : memref<1x64xi32, #tpu.memory_space<vmem>> -> memref<64xi32, #tpu.memory_space<vmem>>
    %dma_start3A_110 = arith.constant 0 : i32
    %dma_start3A_111 = tpu.memref_slice %arg3[%dma_start3A_95, %arg0, %arg1, %dma_start3A_96, %dma_start3A_110] : memref<2x2x16x158x64xi32, #tpu.memory_space<hbm>> -> memref<1x1x1x1x64xi32, #tpu.memory_space<hbm>>
    %dma_start3A_112 = tpu.memref_squeeze %dma_start3A_111 : memref<1x1x1x1x64xi32, #tpu.memory_space<hbm>> -> memref<64xi32, #tpu.memory_space<hbm>>
    tpu.enqueue_dma source(%dma_start3A_112 : memref<64xi32, #tpu.memory_space<hbm>>) target(%dma_start3A_109 : memref<64xi32, #tpu.memory_space<vmem>>) target_semaphore(%dma_start3A_106 : memref<!tpu.dma_semaphore, #tpu.memory_space<semaphore_mem>>)
    %dma_start3A_113 = arith.constant 0 : i32
    %dma_start3A_114 = arith.constant 4 : i32
    %dma_start3A_115 = arith.constant 4 : i32
    %dma_start3A_116 = arith.constant 4 : i32
    %dma_start3A_117 = arith.constant 0 : i32
    %dma_start3A_118 = tpu.memref_slice %arg6[%dma_start3A_115, %dma_start3A_117] : memref<8x64xi32, #tpu.memory_space<vmem>> -> memref<1x64xi32, #tpu.memory_space<vmem>>
    %dma_start3A_119 = tpu.memref_squeeze %dma_start3A_118 : memref<1x64xi32, #tpu.memory_space<vmem>> -> memref<64xi32, #tpu.memory_space<vmem>>
    %dma_start3A_120 = arith.constant 0 : i32
    %dma_start3A_121 = tpu.memref_slice %arg3[%dma_start3A_113, %arg0, %arg1, %dma_start3A_114, %dma_start3A_120] : memref<2x2x16x158x64xi32, #tpu.memory_space<hbm>> -> memref<1x1x1x1x64xi32, #tpu.memory_space<hbm>>
    %dma_start3A_122 = tpu.memref_squeeze %dma_start3A_121 : memref<1x1x1x1x64xi32, #tpu.memory_space<hbm>> -> memref<64xi32, #tpu.memory_space<hbm>>
    %dma_start3A_123 = tpu.memref_slice %arg10[%dma_start3A_116] : memref<8x!tpu.dma_semaphore, #tpu.memory_space<semaphore_mem>> -> memref<1x!tpu.dma_semaphore, #tpu.memory_space<semaphore_mem>>
    %dma_start3A_124 = tpu.memref_squeeze %dma_start3A_123 : memref<1x!tpu.dma_semaphore, #tpu.memory_space<semaphore_mem>> -> memref<!tpu.dma_semaphore, #tpu.memory_space<semaphore_mem>>
    %dma_start3A_125 = arith.constant 0 : i32
    %dma_start3A_126 = tpu.memref_slice %arg6[%dma_start3A_115, %dma_start3A_125] : memref<8x64xi32, #tpu.memory_space<vmem>> -> memref<1x64xi32, #tpu.memory_space<vmem>>
    %dma_start3A_127 = tpu.memref_squeeze %dma_start3A_126 : memref<1x64xi32, #tpu.memory_space<vmem>> -> memref<64xi32, #tpu.memory_space<vmem>>
    %dma_start3A_128 = arith.constant 0 : i32
    %dma_start3A_129 = tpu.memref_slice %arg3[%dma_start3A_113, %arg0, %arg1, %dma_start3A_114, %dma_start3A_128] : memref<2x2x16x158x64xi32, #tpu.memory_space<hbm>> -> memref<1x1x1x1x64xi32, #tpu.memory_space<hbm>>
    %dma_start3A_130 = tpu.memref_squeeze %dma_start3A_129 : memref<1x1x1x1x64xi32, #tpu.memory_space<hbm>> -> memref<64xi32, #tpu.memory_space<hbm>>
    tpu.enqueue_dma source(%dma_start3A_130 : memref<64xi32, #tpu.memory_space<hbm>>) target(%dma_start3A_127 : memref<64xi32, #tpu.memory_space<vmem>>) target_semaphore(%dma_start3A_124 : memref<!tpu.dma_semaphore, #tpu.memory_space<semaphore_mem>>)
    %dma_start3A_131 = arith.constant 1 : i32
    %dma_start3A_132 = arith.constant 4 : i32
    %dma_start3A_133 = arith.constant 4 : i32
    %dma_start3A_134 = arith.constant 4 : i32
    %dma_start3A_135 = arith.constant 0 : i32
    %dma_start3A_136 = tpu.memref_slice %arg7[%dma_start3A_133, %dma_start3A_135] : memref<8x64xi32, #tpu.memory_space<vmem>> -> memref<1x64xi32, #tpu.memory_space<vmem>>
    %dma_start3A_137 = tpu.memref_squeeze %dma_start3A_136 : memref<1x64xi32, #tpu.memory_space<vmem>> -> memref<64xi32, #tpu.memory_space<vmem>>
    %dma_start3A_138 = arith.constant 0 : i32
    %dma_start3A_139 = tpu.memref_slice %arg3[%dma_start3A_131, %arg0, %arg1, %dma_start3A_132, %dma_start3A_138] : memref<2x2x16x158x64xi32, #tpu.memory_space<hbm>> -> memref<1x1x1x1x64xi32, #tpu.memory_space<hbm>>
    %dma_start3A_140 = tpu.memref_squeeze %dma_start3A_139 : memref<1x1x1x1x64xi32, #tpu.memory_space<hbm>> -> memref<64xi32, #tpu.memory_space<hbm>>
    %dma_start3A_141 = tpu.memref_slice %arg10[%dma_start3A_134] : memref<8x!tpu.dma_semaphore, #tpu.memory_space<semaphore_mem>> -> memref<1x!tpu.dma_semaphore, #tpu.memory_space<semaphore_mem>>
    %dma_start3A_142 = tpu.memref_squeeze %dma_start3A_141 : memref<1x!tpu.dma_semaphore, #tpu.memory_space<semaphore_mem>> -> memref<!tpu.dma_semaphore, #tpu.memory_space<semaphore_mem>>
    %dma_start3A_143 = arith.constant 0 : i32
    %dma_start3A_144 = tpu.memref_slice %arg7[%dma_start3A_133, %dma_start3A_143] : memref<8x64xi32, #tpu.memory_space<vmem>> -> memref<1x64xi32, #tpu.memory_space<vmem>>
    %dma_start3A_145 = tpu.memref_squeeze %dma_start3A_144 : memref<1x64xi32, #tpu.memory_space<vmem>> -> memref<64xi32, #tpu.memory_space<vmem>>
    %dma_start3A_146 = arith.constant 0 : i32
    %dma_start3A_147 = tpu.memref_slice %arg3[%dma_start3A_131, %arg0, %arg1, %dma_start3A_132, %dma_start3A_146] : memref<2x2x16x158x64xi32, #tpu.memory_space<hbm>> -> memref<1x1x1x1x64xi32, #tpu.memory_space<hbm>>
    %dma_start3A_148 = tpu.memref_squeeze %dma_start3A_147 : memref<1x1x1x1x64xi32, #tpu.memory_space<hbm>> -> memref<64xi32, #tpu.memory_space<hbm>>
    tpu.enqueue_dma source(%dma_start3A_148 : memref<64xi32, #tpu.memory_space<hbm>>) target(%dma_start3A_145 : memref<64xi32, #tpu.memory_space<vmem>>) target_semaphore(%dma_start3A_142 : memref<!tpu.dma_semaphore, #tpu.memory_space<semaphore_mem>>)
    %rem3A = arith.constant 1 : i32
    %rem3A_149 = arith.constant 8 : i32
    %rem3A_150 = arith.remsi %rem3A, %rem3A_149 : i32
    %dma_wait3A = arith.constant 0 : i32
    %dma_wait3A_151 = arith.constant 1 : i32
    %dma_wait3A_152 = arith.constant 0 : i32
    %dma_wait3A_153 = tpu.memref_slice %arg6[%rem3A_150, %dma_wait3A_152] : memref<8x64xi32, #tpu.memory_space<vmem>> -> memref<1x64xi32, #tpu.memory_space<vmem>>
    %dma_wait3A_154 = tpu.memref_squeeze %dma_wait3A_153 : memref<1x64xi32, #tpu.memory_space<vmem>> -> memref<64xi32, #tpu.memory_space<vmem>>
    %dma_wait3A_155 = arith.constant 0 : i32
    %dma_wait3A_156 = tpu.memref_slice %arg3[%dma_wait3A, %arg0, %arg1, %dma_wait3A_151, %dma_wait3A_155] : memref<2x2x16x158x64xi32, #tpu.memory_space<hbm>> -> memref<1x1x1x1x64xi32, #tpu.memory_space<hbm>>
    %dma_wait3A_157 = tpu.memref_squeeze %dma_wait3A_156 : memref<1x1x1x1x64xi32, #tpu.memory_space<hbm>> -> memref<64xi32, #tpu.memory_space<hbm>>
    %dma_wait3A_158 = tpu.memref_slice %arg10[%rem3A_150] : memref<8x!tpu.dma_semaphore, #tpu.memory_space<semaphore_mem>> -> memref<1x!tpu.dma_semaphore, #tpu.memory_space<semaphore_mem>>
    %dma_wait3A_159 = tpu.memref_squeeze %dma_wait3A_158 : memref<1x!tpu.dma_semaphore, #tpu.memory_space<semaphore_mem>> -> memref<!tpu.dma_semaphore, #tpu.memory_space<semaphore_mem>>
    %dma_wait3A_160 = arith.constant 0 : i32
    %dma_wait3A_161 = tpu.memref_slice %arg6[%rem3A_150, %dma_wait3A_160] : memref<8x64xi32, #tpu.memory_space<vmem>> -> memref<1x64xi32, #tpu.memory_space<vmem>>
    %dma_wait3A_162 = tpu.memref_squeeze %dma_wait3A_161 : memref<1x64xi32, #tpu.memory_space<vmem>> -> memref<64xi32, #tpu.memory_space<vmem>>
    %dma_wait3A_163 = arith.constant 0 : i32
    %dma_wait3A_164 = tpu.memref_slice %arg3[%dma_wait3A, %arg0, %arg1, %dma_wait3A_151, %dma_wait3A_163] : memref<2x2x16x158x64xi32, #tpu.memory_space<hbm>> -> memref<1x1x1x1x64xi32, #tpu.memory_space<hbm>>
    %dma_wait3A_165 = tpu.memref_squeeze %dma_wait3A_164 : memref<1x1x1x1x64xi32, #tpu.memory_space<hbm>> -> memref<64xi32, #tpu.memory_space<hbm>>
    tpu.wait_dma2 semaphore(%dma_wait3A_159 : memref<!tpu.dma_semaphore, #tpu.memory_space<semaphore_mem>>) src(%dma_wait3A_165 : memref<64xi32, #tpu.memory_space<hbm>>) dst(%dma_wait3A_162 : memref<64xi32, #tpu.memory_space<vmem>>)
    %dma_wait3A_166 = arith.constant 1 : i32
    %dma_wait3A_167 = arith.constant 1 : i32
    %dma_wait3A_168 = arith.constant 0 : i32
    %dma_wait3A_169 = tpu.memref_slice %arg7[%rem3A_150, %dma_wait3A_168] : memref<8x64xi32, #tpu.memory_space<vmem>> -> memref<1x64xi32, #tpu.memory_space<vmem>>
    %dma_wait3A_170 = tpu.memref_squeeze %dma_wait3A_169 : memref<1x64xi32, #tpu.memory_space<vmem>> -> memref<64xi32, #tpu.memory_space<vmem>>
    %dma_wait3A_171 = arith.constant 0 : i32
    %dma_wait3A_172 = tpu.memref_slice %arg3[%dma_wait3A_166, %arg0, %arg1, %dma_wait3A_167, %dma_wait3A_171] : memref<2x2x16x158x64xi32, #tpu.memory_space<hbm>> -> memref<1x1x1x1x64xi32, #tpu.memory_space<hbm>>
    %dma_wait3A_173 = tpu.memref_squeeze %dma_wait3A_172 : memref<1x1x1x1x64xi32, #tpu.memory_space<hbm>> -> memref<64xi32, #tpu.memory_space<hbm>>
    %dma_wait3A_174 = tpu.memref_slice %arg10[%rem3A_150] : memref<8x!tpu.dma_semaphore, #tpu.memory_space<semaphore_mem>> -> memref<1x!tpu.dma_semaphore, #tpu.memory_space<semaphore_mem>>
    %dma_wait3A_175 = tpu.memref_squeeze %dma_wait3A_174 : memref<1x!tpu.dma_semaphore, #tpu.memory_space<semaphore_mem>> -> memref<!tpu.dma_semaphore, #tpu.memory_space<semaphore_mem>>
    %dma_wait3A_176 = arith.constant 0 : i32
    %dma_wait3A_177 = tpu.memref_slice %arg7[%rem3A_150, %dma_wait3A_176] : memref<8x64xi32, #tpu.memory_space<vmem>> -> memref<1x64xi32, #tpu.memory_space<vmem>>
    %dma_wait3A_178 = tpu.memref_squeeze %dma_wait3A_177 : memref<1x64xi32, #tpu.memory_space<vmem>> -> memref<64xi32, #tpu.memory_space<vmem>>
    %dma_wait3A_179 = arith.constant 0 : i32
    %dma_wait3A_180 = tpu.memref_slice %arg3[%dma_wait3A_166, %arg0, %arg1, %dma_wait3A_167, %dma_wait3A_179] : memref<2x2x16x158x64xi32, #tpu.memory_space<hbm>> -> memref<1x1x1x1x64xi32, #tpu.memory_space<hbm>>
    %dma_wait3A_181 = tpu.memref_squeeze %dma_wait3A_180 : memref<1x1x1x1x64xi32, #tpu.memory_space<hbm>> -> memref<64xi32, #tpu.memory_space<hbm>>
    tpu.wait_dma2 semaphore(%dma_wait3A_175 : memref<!tpu.dma_semaphore, #tpu.memory_space<semaphore_mem>>) src(%dma_wait3A_181 : memref<64xi32, #tpu.memory_space<hbm>>) dst(%dma_wait3A_178 : memref<64xi32, #tpu.memory_space<vmem>>)
    %rem3A_182 = arith.constant 2 : i32
    %rem3A_183 = arith.constant 8 : i32
    %rem3A_184 = arith.remsi %rem3A_182, %rem3A_183 : i32
    %dma_wait3A_185 = arith.constant 0 : i32
    %dma_wait3A_186 = arith.constant 2 : i32
    %dma_wait3A_187 = arith.constant 0 : i32
    %dma_wait3A_188 = tpu.memref_slice %arg6[%rem3A_184, %dma_wait3A_187] : memref<8x64xi32, #tpu.memory_space<vmem>> -> memref<1x64xi32, #tpu.memory_space<vmem>>
    %dma_wait3A_189 = tpu.memref_squeeze %dma_wait3A_188 : memref<1x64xi32, #tpu.memory_space<vmem>> -> memref<64xi32, #tpu.memory_space<vmem>>
    %dma_wait3A_190 = arith.constant 0 : i32
    %dma_wait3A_191 = tpu.memref_slice %arg3[%dma_wait3A_185, %arg0, %arg1, %dma_wait3A_186, %dma_wait3A_190] : memref<2x2x16x158x64xi32, #tpu.memory_space<hbm>> -> memref<1x1x1x1x64xi32, #tpu.memory_space<hbm>>
    %dma_wait3A_192 = tpu.memref_squeeze %dma_wait3A_191 : memref<1x1x1x1x64xi32, #tpu.memory_space<hbm>> -> memref<64xi32, #tpu.memory_space<hbm>>
    %dma_wait3A_193 = tpu.memref_slice %arg10[%rem3A_184] : memref<8x!tpu.dma_semaphore, #tpu.memory_space<semaphore_mem>> -> memref<1x!tpu.dma_semaphore, #tpu.memory_space<semaphore_mem>>
    %dma_wait3A_194 = tpu.memref_squeeze %dma_wait3A_193 : memref<1x!tpu.dma_semaphore, #tpu.memory_space<semaphore_mem>> -> memref<!tpu.dma_semaphore, #tpu.memory_space<semaphore_mem>>
    %dma_wait3A_195 = arith.constant 0 : i32
    %dma_wait3A_196 = tpu.memref_slice %arg6[%rem3A_184, %dma_wait3A_195] : memref<8x64xi32, #tpu.memory_space<vmem>> -> memref<1x64xi32, #tpu.memory_space<vmem>>
    %dma_wait3A_197 = tpu.memref_squeeze %dma_wait3A_196 : memref<1x64xi32, #tpu.memory_space<vmem>> -> memref<64xi32, #tpu.memory_space<vmem>>
    %dma_wait3A_198 = arith.constant 0 : i32
    %dma_wait3A_199 = tpu.memref_slice %arg3[%dma_wait3A_185, %arg0, %arg1, %dma_wait3A_186, %dma_wait3A_198] : memref<2x2x16x158x64xi32, #tpu.memory_space<hbm>> -> memref<1x1x1x1x64xi32, #tpu.memory_space<hbm>>
    %dma_wait3A_200 = tpu.memref_squeeze %dma_wait3A_199 : memref<1x1x1x1x64xi32, #tpu.memory_space<hbm>> -> memref<64xi32, #tpu.memory_space<hbm>>
    tpu.wait_dma2 semaphore(%dma_wait3A_194 : memref<!tpu.dma_semaphore, #tpu.memory_space<semaphore_mem>>) src(%dma_wait3A_200 : memref<64xi32, #tpu.memory_space<hbm>>) dst(%dma_wait3A_197 : memref<64xi32, #tpu.memory_space<vmem>>)
    %dma_wait3A_201 = arith.constant 1 : i32
    %dma_wait3A_202 = arith.constant 2 : i32
    %dma_wait3A_203 = arith.constant 0 : i32
    %dma_wait3A_204 = tpu.memref_slice %arg7[%rem3A_184, %dma_wait3A_203] : memref<8x64xi32, #tpu.memory_space<vmem>> -> memref<1x64xi32, #tpu.memory_space<vmem>>
    %dma_wait3A_205 = tpu.memref_squeeze %dma_wait3A_204 : memref<1x64xi32, #tpu.memory_space<vmem>> -> memref<64xi32, #tpu.memory_space<vmem>>
    %dma_wait3A_206 = arith.constant 0 : i32
    %dma_wait3A_207 = tpu.memref_slice %arg3[%dma_wait3A_201, %arg0, %arg1, %dma_wait3A_202, %dma_wait3A_206] : memref<2x2x16x158x64xi32, #tpu.memory_space<hbm>> -> memref<1x1x1x1x64xi32, #tpu.memory_space<hbm>>
    %dma_wait3A_208 = tpu.memref_squeeze %dma_wait3A_207 : memref<1x1x1x1x64xi32, #tpu.memory_space<hbm>> -> memref<64xi32, #tpu.memory_space<hbm>>
    %dma_wait3A_209 = tpu.memref_slice %arg10[%rem3A_184] : memref<8x!tpu.dma_semaphore, #tpu.memory_space<semaphore_mem>> -> memref<1x!tpu.dma_semaphore, #tpu.memory_space<semaphore_mem>>
    %dma_wait3A_210 = tpu.memref_squeeze %dma_wait3A_209 : memref<1x!tpu.dma_semaphore, #tpu.memory_space<semaphore_mem>> -> memref<!tpu.dma_semaphore, #tpu.memory_space<semaphore_mem>>
    %dma_wait3A_211 = arith.constant 0 : i32
    %dma_wait3A_212 = tpu.memref_slice %arg7[%rem3A_184, %dma_wait3A_211] : memref<8x64xi32, #tpu.memory_space<vmem>> -> memref<1x64xi32, #tpu.memory_space<vmem>>
    %dma_wait3A_213 = tpu.memref_squeeze %dma_wait3A_212 : memref<1x64xi32, #tpu.memory_space<vmem>> -> memref<64xi32, #tpu.memory_space<vmem>>
    %dma_wait3A_214 = arith.constant 0 : i32
    %dma_wait3A_215 = tpu.memref_slice %arg3[%dma_wait3A_201, %arg0, %arg1, %dma_wait3A_202, %dma_wait3A_214] : memref<2x2x16x158x64xi32, #tpu.memory_space<hbm>> -> memref<1x1x1x1x64xi32, #tpu.memory_space<hbm>>
    %dma_wait3A_216 = tpu.memref_squeeze %dma_wait3A_215 : memref<1x1x1x1x64xi32, #tpu.memory_space<hbm>> -> memref<64xi32, #tpu.memory_space<hbm>>
    tpu.wait_dma2 semaphore(%dma_wait3A_210 : memref<!tpu.dma_semaphore, #tpu.memory_space<semaphore_mem>>) src(%dma_wait3A_216 : memref<64xi32, #tpu.memory_space<hbm>>) dst(%dma_wait3A_213 : memref<64xi32, #tpu.memory_space<vmem>>)
    %rem3A_217 = arith.constant 0 : i32
    %rem3A_218 = arith.constant 8 : i32
    %rem3A_219 = arith.remsi %rem3A_217, %rem3A_218 : i32
    %rem3A_220 = arith.constant 0 : i32
    %rem3A_221 = arith.constant 4 : i32
    %rem3A_222 = arith.remsi %rem3A_220, %rem3A_221 : i32
    %rem3A_223 = arith.constant 0 : i32
    %rem3A_224 = arith.constant 4 : i32
    %rem3A_225 = arith.remsi %rem3A_223, %rem3A_224 : i32
    %dma_start3A_226 = arith.constant 0 : i32
    %dma_start3A_227 = arith.constant 0 : i32
    %dma_start3A_228 = tpu.memref_slice %arg8[%rem3A_222, %dma_start3A_226, %dma_start3A_227] : memref<4x64x128xf32, #tpu.memory_space<vmem>> -> memref<1x64x128xf32, #tpu.memory_space<vmem>>
    %dma_start3A_229 = tpu.memref_squeeze %dma_start3A_228 : memref<1x64x128xf32, #tpu.memory_space<vmem>> -> memref<64x128xf32, #tpu.memory_space<vmem>>
    %dma_start3A_230 = arith.constant 0 : i32
    %dma_start3A_231 = tpu.memref_slice %arg6[%rem3A_219, %dma_start3A_230] : memref<8x64xi32, #tpu.memory_space<vmem>> -> memref<1x64xi32, #tpu.memory_space<vmem>>
    %dma_start3A_232 = tpu.memref_squeeze %dma_start3A_231 : memref<1x64xi32, #tpu.memory_space<vmem>> -> memref<64xi32, #tpu.memory_space<vmem>>
    %dma_start3A_233 = arith.constant 0 : i32
    %dma_start3A_234 = arith.constant 0 : i32
    %dma_start3A_235 = tpu.memref_slice %arg2[%dma_start3A_233, %dma_start3A_234] : memref<10240x128xf32, #tpu.memory_space<hbm>> -> memref<10240x128xf32, #tpu.memory_space<hbm>>
    %dma_start3A_236 = tpu.memref_slice %arg9[%rem3A_225] : memref<4x!tpu.dma_semaphore, #tpu.memory_space<semaphore_mem>> -> memref<1x!tpu.dma_semaphore, #tpu.memory_space<semaphore_mem>>
    %dma_start3A_237 = tpu.memref_squeeze %dma_start3A_236 : memref<1x!tpu.dma_semaphore, #tpu.memory_space<semaphore_mem>> -> memref<!tpu.dma_semaphore, #tpu.memory_space<semaphore_mem>>
    tpu.enqueue_indirect_dma source(%dma_start3A_235 : memref<10240x128xf32, #tpu.memory_space<hbm>>) target(%dma_start3A_229 : memref<64x128xf32, #tpu.memory_space<vmem>>) offsets(%dma_start3A_232 : memref<64xi32, #tpu.memory_space<vmem>>) semaphore(%dma_start3A_237 : memref<!tpu.dma_semaphore, #tpu.memory_space<semaphore_mem>>)
    %rem3A_238 = arith.constant 1 : i32
    %rem3A_239 = arith.constant 8 : i32
    %rem3A_240 = arith.remsi %rem3A_238, %rem3A_239 : i32
    %rem3A_241 = arith.constant 1 : i32
    %rem3A_242 = arith.constant 4 : i32
    %rem3A_243 = arith.remsi %rem3A_241, %rem3A_242 : i32
    %rem3A_244 = arith.constant 1 : i32
    %rem3A_245 = arith.constant 4 : i32
    %rem3A_246 = arith.remsi %rem3A_244, %rem3A_245 : i32
    %dma_start3A_247 = arith.constant 0 : i32
    %dma_start3A_248 = arith.constant 0 : i32
    %dma_start3A_249 = tpu.memref_slice %arg8[%rem3A_243, %dma_start3A_247, %dma_start3A_248] : memref<4x64x128xf32, #tpu.memory_space<vmem>> -> memref<1x64x128xf32, #tpu.memory_space<vmem>>
    %dma_start3A_250 = tpu.memref_squeeze %dma_start3A_249 : memref<1x64x128xf32, #tpu.memory_space<vmem>> -> memref<64x128xf32, #tpu.memory_space<vmem>>
    %dma_start3A_251 = arith.constant 0 : i32
    %dma_start3A_252 = tpu.memref_slice %arg6[%rem3A_240, %dma_start3A_251] : memref<8x64xi32, #tpu.memory_space<vmem>> -> memref<1x64xi32, #tpu.memory_space<vmem>>
    %dma_start3A_253 = tpu.memref_squeeze %dma_start3A_252 : memref<1x64xi32, #tpu.memory_space<vmem>> -> memref<64xi32, #tpu.memory_space<vmem>>
    %dma_start3A_254 = arith.constant 0 : i32
    %dma_start3A_255 = arith.constant 0 : i32
    %dma_start3A_256 = tpu.memref_slice %arg2[%dma_start3A_254, %dma_start3A_255] : memref<10240x128xf32, #tpu.memory_space<hbm>> -> memref<10240x128xf32, #tpu.memory_space<hbm>>
    %dma_start3A_257 = tpu.memref_slice %arg9[%rem3A_246] : memref<4x!tpu.dma_semaphore, #tpu.memory_space<semaphore_mem>> -> memref<1x!tpu.dma_semaphore, #tpu.memory_space<semaphore_mem>>
    %dma_start3A_258 = tpu.memref_squeeze %dma_start3A_257 : memref<1x!tpu.dma_semaphore, #tpu.memory_space<semaphore_mem>> -> memref<!tpu.dma_semaphore, #tpu.memory_space<semaphore_mem>>
    tpu.enqueue_indirect_dma source(%dma_start3A_256 : memref<10240x128xf32, #tpu.memory_space<hbm>>) target(%dma_start3A_250 : memref<64x128xf32, #tpu.memory_space<vmem>>) offsets(%dma_start3A_253 : memref<64xi32, #tpu.memory_space<vmem>>) semaphore(%dma_start3A_258 : memref<!tpu.dma_semaphore, #tpu.memory_space<semaphore_mem>>)
    %rem3A_259 = arith.constant 2 : i32
    %rem3A_260 = arith.constant 8 : i32
    %rem3A_261 = arith.remsi %rem3A_259, %rem3A_260 : i32
    %rem3A_262 = arith.constant 2 : i32
    %rem3A_263 = arith.constant 4 : i32
    %rem3A_264 = arith.remsi %rem3A_262, %rem3A_263 : i32
    %rem3A_265 = arith.constant 2 : i32
    %rem3A_266 = arith.constant 4 : i32
    %rem3A_267 = arith.remsi %rem3A_265, %rem3A_266 : i32
    %dma_start3A_268 = arith.constant 0 : i32
    %dma_start3A_269 = arith.constant 0 : i32
    %dma_start3A_270 = tpu.memref_slice %arg8[%rem3A_264, %dma_start3A_268, %dma_start3A_269] : memref<4x64x128xf32, #tpu.memory_space<vmem>> -> memref<1x64x128xf32, #tpu.memory_space<vmem>>
    %dma_start3A_271 = tpu.memref_squeeze %dma_start3A_270 : memref<1x64x128xf32, #tpu.memory_space<vmem>> -> memref<64x128xf32, #tpu.memory_space<vmem>>
    %dma_start3A_272 = arith.constant 0 : i32
    %dma_start3A_273 = tpu.memref_slice %arg6[%rem3A_261, %dma_start3A_272] : memref<8x64xi32, #tpu.memory_space<vmem>> -> memref<1x64xi32, #tpu.memory_space<vmem>>
    %dma_start3A_274 = tpu.memref_squeeze %dma_start3A_273 : memref<1x64xi32, #tpu.memory_space<vmem>> -> memref<64xi32, #tpu.memory_space<vmem>>
    %dma_start3A_275 = arith.constant 0 : i32
    %dma_start3A_276 = arith.constant 0 : i32
    %dma_start3A_277 = tpu.memref_slice %arg2[%dma_start3A_275, %dma_start3A_276] : memref<10240x128xf32, #tpu.memory_space<hbm>> -> memref<10240x128xf32, #tpu.memory_space<hbm>>
    %dma_start3A_278 = tpu.memref_slice %arg9[%rem3A_267] : memref<4x!tpu.dma_semaphore, #tpu.memory_space<semaphore_mem>> -> memref<1x!tpu.dma_semaphore, #tpu.memory_space<semaphore_mem>>
    %dma_start3A_279 = tpu.memref_squeeze %dma_start3A_278 : memref<1x!tpu.dma_semaphore, #tpu.memory_space<semaphore_mem>> -> memref<!tpu.dma_semaphore, #tpu.memory_space<semaphore_mem>>
    tpu.enqueue_indirect_dma source(%dma_start3A_277 : memref<10240x128xf32, #tpu.memory_space<hbm>>) target(%dma_start3A_271 : memref<64x128xf32, #tpu.memory_space<vmem>>) offsets(%dma_start3A_274 : memref<64xi32, #tpu.memory_space<vmem>>) semaphore(%dma_start3A_279 : memref<!tpu.dma_semaphore, #tpu.memory_space<semaphore_mem>>)
    %scan3A = arith.constant 0 : i32
    %scan3A_280 = arith.constant 0 : i32
    %scan3A_281 = arith.constant 158 : i32
    %scan3A_282 = arith.addi %scan3A_280, %scan3A_281 : i32
    %scan3A_283 = arith.constant 1 : i32
    %scan3A_284 = scf.for %scan3A_291 = %scan3A_280 to %scan3A_282 step %scan3A_283 iter_args(%scan3A_292 = %scan3A) -> (i32)  : i32 {
      %rem3A_293 = arith.constant 4 : i32
      %rem3A_294 = arith.remsi %scan3A_291, %rem3A_293 : i32
      %add3A = arith.constant 3 : i32
      %add3A_295 = arith.addi %scan3A_291, %add3A : i32
      %lt3A = arith.constant 158 : i32
      %lt3A_296 = arith.cmpi slt, %add3A_295, %lt3A : i32
      %convert_element_type3A = arith.extui %lt3A_296 : i1 to i32
      %cond3A = arith.constant 0 : i32
      %cond3A_297 = arith.cmpi ne, %convert_element_type3A, %cond3A : i32
      scf.if %cond3A_297 {
        %add3A_322 = arith.constant 3 : i32
        %add3A_323 = arith.addi %scan3A_291, %add3A_322 : i32
        %rem3A_324 = arith.constant 8 : i32
        %rem3A_325 = arith.remsi %add3A_323, %rem3A_324 : i32
        %dma_wait3A_326 = arith.constant 0 : i32
        %dma_wait3A_327 = arith.constant 0 : i32
        %dma_wait3A_328 = tpu.memref_slice %arg6[%rem3A_325, %dma_wait3A_327] : memref<8x64xi32, #tpu.memory_space<vmem>> -> memref<1x64xi32, #tpu.memory_space<vmem>>
        %dma_wait3A_329 = tpu.memref_squeeze %dma_wait3A_328 : memref<1x64xi32, #tpu.memory_space<vmem>> -> memref<64xi32, #tpu.memory_space<vmem>>
        %dma_wait3A_330 = arith.constant 0 : i32
        %dma_wait3A_331 = tpu.memref_slice %arg3[%dma_wait3A_326, %arg0, %arg1, %add3A_323, %dma_wait3A_330] : memref<2x2x16x158x64xi32, #tpu.memory_space<hbm>> -> memref<1x1x1x1x64xi32, #tpu.memory_space<hbm>>
        %dma_wait3A_332 = tpu.memref_squeeze %dma_wait3A_331 : memref<1x1x1x1x64xi32, #tpu.memory_space<hbm>> -> memref<64xi32, #tpu.memory_space<hbm>>
        %dma_wait3A_333 = tpu.memref_slice %arg10[%rem3A_325] : memref<8x!tpu.dma_semaphore, #tpu.memory_space<semaphore_mem>> -> memref<1x!tpu.dma_semaphore, #tpu.memory_space<semaphore_mem>>
        %dma_wait3A_334 = tpu.memref_squeeze %dma_wait3A_333 : memref<1x!tpu.dma_semaphore, #tpu.memory_space<semaphore_mem>> -> memref<!tpu.dma_semaphore, #tpu.memory_space<semaphore_mem>>
        %dma_wait3A_335 = arith.constant 0 : i32
        %dma_wait3A_336 = tpu.memref_slice %arg6[%rem3A_325, %dma_wait3A_335] : memref<8x64xi32, #tpu.memory_space<vmem>> -> memref<1x64xi32, #tpu.memory_space<vmem>>
        %dma_wait3A_337 = tpu.memref_squeeze %dma_wait3A_336 : memref<1x64xi32, #tpu.memory_space<vmem>> -> memref<64xi32, #tpu.memory_space<vmem>>
        %dma_wait3A_338 = arith.constant 0 : i32
        %dma_wait3A_339 = tpu.memref_slice %arg3[%dma_wait3A_326, %arg0, %arg1, %add3A_323, %dma_wait3A_338] : memref<2x2x16x158x64xi32, #tpu.memory_space<hbm>> -> memref<1x1x1x1x64xi32, #tpu.memory_space<hbm>>
        %dma_wait3A_340 = tpu.memref_squeeze %dma_wait3A_339 : memref<1x1x1x1x64xi32, #tpu.memory_space<hbm>> -> memref<64xi32, #tpu.memory_space<hbm>>
        tpu.wait_dma2 semaphore(%dma_wait3A_334 : memref<!tpu.dma_semaphore, #tpu.memory_space<semaphore_mem>>) src(%dma_wait3A_340 : memref<64xi32, #tpu.memory_space<hbm>>) dst(%dma_wait3A_337 : memref<64xi32, #tpu.memory_space<vmem>>)
        %dma_wait3A_341 = arith.constant 1 : i32
        %dma_wait3A_342 = arith.constant 0 : i32
        %dma_wait3A_343 = tpu.memref_slice %arg7[%rem3A_325, %dma_wait3A_342] : memref<8x64xi32, #tpu.memory_space<vmem>> -> memref<1x64xi32, #tpu.memory_space<vmem>>
        %dma_wait3A_344 = tpu.memref_squeeze %dma_wait3A_343 : memref<1x64xi32, #tpu.memory_space<vmem>> -> memref<64xi32, #tpu.memory_space<vmem>>
        %dma_wait3A_345 = arith.constant 0 : i32
        %dma_wait3A_346 = tpu.memref_slice %arg3[%dma_wait3A_341, %arg0, %arg1, %add3A_323, %dma_wait3A_345] : memref<2x2x16x158x64xi32, #tpu.memory_space<hbm>> -> memref<1x1x1x1x64xi32, #tpu.memory_space<hbm>>
        %dma_wait3A_347 = tpu.memref_squeeze %dma_wait3A_346 : memref<1x1x1x1x64xi32, #tpu.memory_space<hbm>> -> memref<64xi32, #tpu.memory_space<hbm>>
        %dma_wait3A_348 = tpu.memref_slice %arg10[%rem3A_325] : memref<8x!tpu.dma_semaphore, #tpu.memory_space<semaphore_mem>> -> memref<1x!tpu.dma_semaphore, #tpu.memory_space<semaphore_mem>>
        %dma_wait3A_349 = tpu.memref_squeeze %dma_wait3A_348 : memref<1x!tpu.dma_semaphore, #tpu.memory_space<semaphore_mem>> -> memref<!tpu.dma_semaphore, #tpu.memory_space<semaphore_mem>>
        %dma_wait3A_350 = arith.constant 0 : i32
        %dma_wait3A_351 = tpu.memref_slice %arg7[%rem3A_325, %dma_wait3A_350] : memref<8x64xi32, #tpu.memory_space<vmem>> -> memref<1x64xi32, #tpu.memory_space<vmem>>
        %dma_wait3A_352 = tpu.memref_squeeze %dma_wait3A_351 : memref<1x64xi32, #tpu.memory_space<vmem>> -> memref<64xi32, #tpu.memory_space<vmem>>
        %dma_wait3A_353 = arith.constant 0 : i32
        %dma_wait3A_354 = tpu.memref_slice %arg3[%dma_wait3A_341, %arg0, %arg1, %add3A_323, %dma_wait3A_353] : memref<2x2x16x158x64xi32, #tpu.memory_space<hbm>> -> memref<1x1x1x1x64xi32, #tpu.memory_space<hbm>>
        %dma_wait3A_355 = tpu.memref_squeeze %dma_wait3A_354 : memref<1x1x1x1x64xi32, #tpu.memory_space<hbm>> -> memref<64xi32, #tpu.memory_space<hbm>>
        tpu.wait_dma2 semaphore(%dma_wait3A_349 : memref<!tpu.dma_semaphore, #tpu.memory_space<semaphore_mem>>) src(%dma_wait3A_355 : memref<64xi32, #tpu.memory_space<hbm>>) dst(%dma_wait3A_352 : memref<64xi32, #tpu.memory_space<vmem>>)
        %add3A_356 = arith.constant 3 : i32
        %add3A_357 = arith.addi %scan3A_291, %add3A_356 : i32
        %rem3A_358 = arith.constant 8 : i32
        %rem3A_359 = arith.remsi %add3A_357, %rem3A_358 : i32
        %rem3A_360 = arith.constant 4 : i32
        %rem3A_361 = arith.remsi %add3A_357, %rem3A_360 : i32
        %rem3A_362 = arith.constant 4 : i32
        %rem3A_363 = arith.remsi %add3A_357, %rem3A_362 : i32
        %dma_start3A_364 = arith.constant 0 : i32
        %dma_start3A_365 = arith.constant 0 : i32
        %dma_start3A_366 = tpu.memref_slice %arg8[%rem3A_361, %dma_start3A_364, %dma_start3A_365] : memref<4x64x128xf32, #tpu.memory_space<vmem>> -> memref<1x64x128xf32, #tpu.memory_space<vmem>>
        %dma_start3A_367 = tpu.memref_squeeze %dma_start3A_366 : memref<1x64x128xf32, #tpu.memory_space<vmem>> -> memref<64x128xf32, #tpu.memory_space<vmem>>
        %dma_start3A_368 = arith.constant 0 : i32
        %dma_start3A_369 = tpu.memref_slice %arg6[%rem3A_359, %dma_start3A_368] : memref<8x64xi32, #tpu.memory_space<vmem>> -> memref<1x64xi32, #tpu.memory_space<vmem>>
        %dma_start3A_370 = tpu.memref_squeeze %dma_start3A_369 : memref<1x64xi32, #tpu.memory_space<vmem>> -> memref<64xi32, #tpu.memory_space<vmem>>
        %dma_start3A_371 = arith.constant 0 : i32
        %dma_start3A_372 = arith.constant 0 : i32
        %dma_start3A_373 = tpu.memref_slice %arg2[%dma_start3A_371, %dma_start3A_372] : memref<10240x128xf32, #tpu.memory_space<hbm>> -> memref<10240x128xf32, #tpu.memory_space<hbm>>
        %dma_start3A_374 = tpu.memref_slice %arg9[%rem3A_363] : memref<4x!tpu.dma_semaphore, #tpu.memory_space<semaphore_mem>> -> memref<1x!tpu.dma_semaphore, #tpu.memory_space<semaphore_mem>>
        %dma_start3A_375 = tpu.memref_squeeze %dma_start3A_374 : memref<1x!tpu.dma_semaphore, #tpu.memory_space<semaphore_mem>> -> memref<!tpu.dma_semaphore, #tpu.memory_space<semaphore_mem>>
        tpu.enqueue_indirect_dma source(%dma_start3A_373 : memref<10240x128xf32, #tpu.memory_space<hbm>>) target(%dma_start3A_367 : memref<64x128xf32, #tpu.memory_space<vmem>>) offsets(%dma_start3A_370 : memref<64xi32, #tpu.memory_space<vmem>>) semaphore(%dma_start3A_375 : memref<!tpu.dma_semaphore, #tpu.memory_space<semaphore_mem>>)
      } else {
      }
      %add3A_298 = arith.constant 5 : i32
      %add3A_299 = arith.addi %scan3A_291, %add3A_298 : i32
      %lt3A_300 = arith.constant 158 : i32
      %lt3A_301 = arith.cmpi slt, %add3A_299, %lt3A_300 : i32
      %convert_element_type3A_302 = arith.extui %lt3A_301 : i1 to i32
      %cond3A_303 = arith.constant 0 : i32
      %cond3A_304 = arith.cmpi ne, %convert_element_type3A_302, %cond3A_303 : i32
      scf.if %cond3A_304 {
        %add3A_322 = arith.constant 5 : i32
        %add3A_323 = arith.addi %scan3A_291, %add3A_322 : i32
        %jit3A = arith.constant 8 : i32
        %eq3A = arith.constant 0 : i32
        %eq3A_324 = arith.cmpi eq, %jit3A, %eq3A : i32
        %jit3A_325 = arith.constant 1 : i32
        %select_n3A = arith.select %eq3A_324, %jit3A_325, %jit3A : i32
        %rem3A_326 = arith.remsi %add3A_323, %select_n3A : i32
        %ne3A = arith.constant 0 : i32
        %ne3A_327 = arith.cmpi ne, %rem3A_326, %ne3A : i32
        %lt3A_328 = arith.constant 0 : i32
        %lt3A_329 = arith.cmpi slt, %rem3A_326, %lt3A_328 : i32
        %lt3A_330 = arith.constant 0 : i32
        %lt3A_331 = arith.cmpi slt, %select_n3A, %lt3A_330 : i32
        %ne3A_332 = arith.xori %lt3A_329, %lt3A_331 : i1
        %and3A = arith.andi %ne3A_332, %ne3A_327 : i1
        %add3A_333 = arith.addi %rem3A_326, %select_n3A : i32
        %select_n3A_334 = arith.select %and3A, %add3A_333, %rem3A_326 : i32
        %dma_start3A_335 = arith.constant 0 : i32
        %dma_start3A_336 = arith.constant 0 : i32
        %dma_start3A_337 = tpu.memref_slice %arg6[%select_n3A_334, %dma_start3A_336] : memref<8x64xi32, #tpu.memory_space<vmem>> -> memref<1x64xi32, #tpu.memory_space<vmem>>
        %dma_start3A_338 = tpu.memref_squeeze %dma_start3A_337 : memref<1x64xi32, #tpu.memory_space<vmem>> -> memref<64xi32, #tpu.memory_space<vmem>>
        %dma_start3A_339 = arith.constant 0 : i32
        %dma_start3A_340 = tpu.memref_slice %arg3[%dma_start3A_335, %arg0, %arg1, %add3A_323, %dma_start3A_339] : memref<2x2x16x158x64xi32, #tpu.memory_space<hbm>> -> memref<1x1x1x1x64xi32, #tpu.memory_space<hbm>>
        %dma_start3A_341 = tpu.memref_squeeze %dma_start3A_340 : memref<1x1x1x1x64xi32, #tpu.memory_space<hbm>> -> memref<64xi32, #tpu.memory_space<hbm>>
        %dma_start3A_342 = tpu.memref_slice %arg10[%select_n3A_334] : memref<8x!tpu.dma_semaphore, #tpu.memory_space<semaphore_mem>> -> memref<1x!tpu.dma_semaphore, #tpu.memory_space<semaphore_mem>>
        %dma_start3A_343 = tpu.memref_squeeze %dma_start3A_342 : memref<1x!tpu.dma_semaphore, #tpu.memory_space<semaphore_mem>> -> memref<!tpu.dma_semaphore, #tpu.memory_space<semaphore_mem>>
        %dma_start3A_344 = arith.constant 0 : i32
        %dma_start3A_345 = tpu.memref_slice %arg6[%select_n3A_334, %dma_start3A_344] : memref<8x64xi32, #tpu.memory_space<vmem>> -> memref<1x64xi32, #tpu.memory_space<vmem>>
        %dma_start3A_346 = tpu.memref_squeeze %dma_start3A_345 : memref<1x64xi32, #tpu.memory_space<vmem>> -> memref<64xi32, #tpu.memory_space<vmem>>
        %dma_start3A_347 = arith.constant 0 : i32
        %dma_start3A_348 = tpu.memref_slice %arg3[%dma_start3A_335, %arg0, %arg1, %add3A_323, %dma_start3A_347] : memref<2x2x16x158x64xi32, #tpu.memory_space<hbm>> -> memref<1x1x1x1x64xi32, #tpu.memory_space<hbm>>
        %dma_start3A_349 = tpu.memref_squeeze %dma_start3A_348 : memref<1x1x1x1x64xi32, #tpu.memory_space<hbm>> -> memref<64xi32, #tpu.memory_space<hbm>>
        tpu.enqueue_dma source(%dma_start3A_349 : memref<64xi32, #tpu.memory_space<hbm>>) target(%dma_start3A_346 : memref<64xi32, #tpu.memory_space<vmem>>) target_semaphore(%dma_start3A_343 : memref<!tpu.dma_semaphore, #tpu.memory_space<semaphore_mem>>)
        %dma_start3A_350 = arith.constant 1 : i32
        %dma_start3A_351 = arith.constant 0 : i32
        %dma_start3A_352 = tpu.memref_slice %arg7[%select_n3A_334, %dma_start3A_351] : memref<8x64xi32, #tpu.memory_space<vmem>> -> memref<1x64xi32, #tpu.memory_space<vmem>>
        %dma_start3A_353 = tpu.memref_squeeze %dma_start3A_352 : memref<1x64xi32, #tpu.memory_space<vmem>> -> memref<64xi32, #tpu.memory_space<vmem>>
        %dma_start3A_354 = arith.constant 0 : i32
        %dma_start3A_355 = tpu.memref_slice %arg3[%dma_start3A_350, %arg0, %arg1, %add3A_323, %dma_start3A_354] : memref<2x2x16x158x64xi32, #tpu.memory_space<hbm>> -> memref<1x1x1x1x64xi32, #tpu.memory_space<hbm>>
        %dma_start3A_356 = tpu.memref_squeeze %dma_start3A_355 : memref<1x1x1x1x64xi32, #tpu.memory_space<hbm>> -> memref<64xi32, #tpu.memory_space<hbm>>
        %dma_start3A_357 = tpu.memref_slice %arg10[%select_n3A_334] : memref<8x!tpu.dma_semaphore, #tpu.memory_space<semaphore_mem>> -> memref<1x!tpu.dma_semaphore, #tpu.memory_space<semaphore_mem>>
        %dma_start3A_358 = tpu.memref_squeeze %dma_start3A_357 : memref<1x!tpu.dma_semaphore, #tpu.memory_space<semaphore_mem>> -> memref<!tpu.dma_semaphore, #tpu.memory_space<semaphore_mem>>
        %dma_start3A_359 = arith.constant 0 : i32
        %dma_start3A_360 = tpu.memref_slice %arg7[%select_n3A_334, %dma_start3A_359] : memref<8x64xi32, #tpu.memory_space<vmem>> -> memref<1x64xi32, #tpu.memory_space<vmem>>
        %dma_start3A_361 = tpu.memref_squeeze %dma_start3A_360 : memref<1x64xi32, #tpu.memory_space<vmem>> -> memref<64xi32, #tpu.memory_space<vmem>>
        %dma_start3A_362 = arith.constant 0 : i32
        %dma_start3A_363 = tpu.memref_slice %arg3[%dma_start3A_350, %arg0, %arg1, %add3A_323, %dma_start3A_362] : memref<2x2x16x158x64xi32, #tpu.memory_space<hbm>> -> memref<1x1x1x1x64xi32, #tpu.memory_space<hbm>>
        %dma_start3A_364 = tpu.memref_squeeze %dma_start3A_363 : memref<1x1x1x1x64xi32, #tpu.memory_space<hbm>> -> memref<64xi32, #tpu.memory_space<hbm>>
        tpu.enqueue_dma source(%dma_start3A_364 : memref<64xi32, #tpu.memory_space<hbm>>) target(%dma_start3A_361 : memref<64xi32, #tpu.memory_space<vmem>>) target_semaphore(%dma_start3A_358 : memref<!tpu.dma_semaphore, #tpu.memory_space<semaphore_mem>>)
      } else {
      }
      %rem3A_305 = arith.constant 8 : i32
      %rem3A_306 = arith.remsi %scan3A_291, %rem3A_305 : i32
      %dma_wait3A_307 = arith.constant 0 : i32
      %dma_wait3A_308 = arith.constant 0 : i32
      %dma_wait3A_309 = tpu.memref_slice %arg8[%rem3A_294, %dma_wait3A_307, %dma_wait3A_308] : memref<4x64x128xf32, #tpu.memory_space<vmem>> -> memref<1x64x128xf32, #tpu.memory_space<vmem>>
      %dma_wait3A_310 = tpu.memref_squeeze %dma_wait3A_309 : memref<1x64x128xf32, #tpu.memory_space<vmem>> -> memref<64x128xf32, #tpu.memory_space<vmem>>
      %dma_wait3A_311 = arith.constant 0 : i32
      %dma_wait3A_312 = tpu.memref_slice %arg6[%rem3A_306, %dma_wait3A_311] : memref<8x64xi32, #tpu.memory_space<vmem>> -> memref<1x64xi32, #tpu.memory_space<vmem>>
      %dma_wait3A_313 = tpu.memref_squeeze %dma_wait3A_312 : memref<1x64xi32, #tpu.memory_space<vmem>> -> memref<64xi32, #tpu.memory_space<vmem>>
      %dma_wait3A_314 = arith.constant 0 : i32
      %dma_wait3A_315 = arith.constant 0 : i32
      %dma_wait3A_316 = tpu.memref_slice %arg2[%dma_wait3A_314, %dma_wait3A_315] : memref<10240x128xf32, #tpu.memory_space<hbm>> -> memref<10240x128xf32, #tpu.memory_space<hbm>>
      %dma_wait3A_317 = tpu.memref_slice %arg9[%rem3A_294] : memref<4x!tpu.dma_semaphore, #tpu.memory_space<semaphore_mem>> -> memref<1x!tpu.dma_semaphore, #tpu.memory_space<semaphore_mem>>
      %dma_wait3A_318 = tpu.memref_squeeze %dma_wait3A_317 : memref<1x!tpu.dma_semaphore, #tpu.memory_space<semaphore_mem>> -> memref<!tpu.dma_semaphore, #tpu.memory_space<semaphore_mem>>
      tpu.wait_indirect_dma semaphore(%dma_wait3A_318 : memref<!tpu.dma_semaphore, #tpu.memory_space<semaphore_mem>>) src(%dma_wait3A_316 : memref<10240x128xf32, #tpu.memory_space<hbm>>) dst(%dma_wait3A_310 : memref<64x128xf32, #tpu.memory_space<vmem>>)
      %rem3A_319 = arith.constant 8 : i32
      %rem3A_320 = arith.remsi %scan3A_291, %rem3A_319 : i32
      "tpu.region"() ({
        %run_scoped3A_322 = tpu.sem_alloc : memref<!tpu.dma_semaphore, #tpu.memory_space<semaphore_mem>>
        %dma_start3A_323 = arith.constant 0 : i32
        %dma_start3A_324 = arith.constant 0 : i32
        %dma_start3A_325 = tpu.memref_slice %arg8[%rem3A_294, %dma_start3A_323, %dma_start3A_324] : memref<4x64x128xf32, #tpu.memory_space<vmem>> -> memref<1x64x128xf32, #tpu.memory_space<vmem>>
        %dma_start3A_326 = tpu.memref_squeeze %dma_start3A_325 : memref<1x64x128xf32, #tpu.memory_space<vmem>> -> memref<64x128xf32, #tpu.memory_space<vmem>>
        %dma_start3A_327 = arith.constant 0 : i32
        %dma_start3A_328 = tpu.memref_slice %arg7[%rem3A_320, %dma_start3A_327] : memref<8x64xi32, #tpu.memory_space<vmem>> -> memref<1x64xi32, #tpu.memory_space<vmem>>
        %dma_start3A_329 = tpu.memref_squeeze %dma_start3A_328 : memref<1x64xi32, #tpu.memory_space<vmem>> -> memref<64xi32, #tpu.memory_space<vmem>>
        %dma_start3A_330 = arith.constant 0 : i32
        %dma_start3A_331 = arith.constant 0 : i32
        %dma_start3A_332 = tpu.memref_slice %arg11[%dma_start3A_330, %dma_start3A_331] : memref<10240x128xf32, #tpu.memory_space<vmem_shared>> -> memref<10240x128xf32, #tpu.memory_space<vmem_shared>>
        tpu.enqueue_indirect_dma source(%dma_start3A_326 : memref<64x128xf32, #tpu.memory_space<vmem>>) target(%dma_start3A_332 : memref<10240x128xf32, #tpu.memory_space<vmem_shared>>) offsets(%dma_start3A_329 : memref<64xi32, #tpu.memory_space<vmem>>) semaphore(%run_scoped3A_322 : memref<!tpu.dma_semaphore, #tpu.memory_space<semaphore_mem>>) {add = true}
        %dma_wait3A_333 = arith.constant 0 : i32
        %dma_wait3A_334 = arith.constant 0 : i32
        %dma_wait3A_335 = tpu.memref_slice %arg8[%rem3A_294, %dma_wait3A_333, %dma_wait3A_334] : memref<4x64x128xf32, #tpu.memory_space<vmem>> -> memref<1x64x128xf32, #tpu.memory_space<vmem>>
        %dma_wait3A_336 = tpu.memref_squeeze %dma_wait3A_335 : memref<1x64x128xf32, #tpu.memory_space<vmem>> -> memref<64x128xf32, #tpu.memory_space<vmem>>
        %dma_wait3A_337 = arith.constant 0 : i32
        %dma_wait3A_338 = tpu.memref_slice %arg7[%rem3A_320, %dma_wait3A_337] : memref<8x64xi32, #tpu.memory_space<vmem>> -> memref<1x64xi32, #tpu.memory_space<vmem>>
        %dma_wait3A_339 = tpu.memref_squeeze %dma_wait3A_338 : memref<1x64xi32, #tpu.memory_space<vmem>> -> memref<64xi32, #tpu.memory_space<vmem>>
        %dma_wait3A_340 = arith.constant 0 : i32
        %dma_wait3A_341 = arith.constant 0 : i32
        %dma_wait3A_342 = tpu.memref_slice %arg11[%dma_wait3A_340, %dma_wait3A_341] : memref<10240x128xf32, #tpu.memory_space<vmem_shared>> -> memref<10240x128xf32, #tpu.memory_space<vmem_shared>>
        tpu.wait_indirect_dma semaphore(%run_scoped3A_322 : memref<!tpu.dma_semaphore, #tpu.memory_space<semaphore_mem>>) src(%dma_wait3A_336 : memref<64x128xf32, #tpu.memory_space<vmem>>) dst(%dma_wait3A_342 : memref<10240x128xf32, #tpu.memory_space<vmem_shared>>)
        tpu.yield
      }) : () -> ()
      %scan3A_321 = arith.constant 0 : i32
      scf.yield %scan3A_321 : i32
    }
    %scan3A_285 = arith.constant 158 : i32
    %barrier3A_286 = arith.constant 0 : index
    tpu.barrier barrier_id(%barrier3A_286)
    %mul3A_287 = arith.constant 640 : i32
    %mul3A_288 = arith.muli %arg1, %mul3A_287 : i32
    %mul3A_289 = arith.constant 640 : i32
    %mul3A_290 = arith.muli %arg1, %mul3A_289 : i32
    "tpu.region"() ({
      %run_scoped3A_291 = tpu.sem_alloc : memref<!tpu.dma_semaphore, #tpu.memory_space<semaphore_mem>>
      %dma_start3A_292 = arith.constant 0 : i32
      %dma_start3A_293 = tpu.memref_slice %arg5[%arg0, %mul3A_290, %dma_start3A_292] : memref<2x10240x128xf32, #tpu.memory_space<hbm>> -> memref<1x640x128xf32, #tpu.memory_space<hbm>>
      %dma_start3A_294 = tpu.memref_squeeze %dma_start3A_293 : memref<1x640x128xf32, #tpu.memory_space<hbm>> -> memref<640x128xf32, #tpu.memory_space<hbm>>
      %dma_start3A_295 = arith.constant 0 : i32
      %dma_start3A_296 = tpu.memref_slice %arg11[%mul3A_288, %dma_start3A_295] : memref<10240x128xf32, #tpu.memory_space<vmem_shared>> -> memref<640x128xf32, #tpu.memory_space<vmem_shared>>
      tpu.enqueue_dma source(%dma_start3A_296 : memref<640x128xf32, #tpu.memory_space<vmem_shared>>) target(%dma_start3A_294 : memref<640x128xf32, #tpu.memory_space<hbm>>) target_semaphore(%run_scoped3A_291 : memref<!tpu.dma_semaphore, #tpu.memory_space<semaphore_mem>>)
      %dma_wait3A_297 = arith.constant 0 : i32
      %dma_wait3A_298 = tpu.memref_slice %arg5[%arg0, %mul3A_290, %dma_wait3A_297] : memref<2x10240x128xf32, #tpu.memory_space<hbm>> -> memref<1x640x128xf32, #tpu.memory_space<hbm>>
      %dma_wait3A_299 = tpu.memref_squeeze %dma_wait3A_298 : memref<1x640x128xf32, #tpu.memory_space<hbm>> -> memref<640x128xf32, #tpu.memory_space<hbm>>
      %dma_wait3A_300 = arith.constant 0 : i32
      %dma_wait3A_301 = tpu.memref_slice %arg11[%mul3A_288, %dma_wait3A_300] : memref<10240x128xf32, #tpu.memory_space<vmem_shared>> -> memref<640x128xf32, #tpu.memory_space<vmem_shared>>
      tpu.wait_dma2 semaphore(%run_scoped3A_291 : memref<!tpu.dma_semaphore, #tpu.memory_space<semaphore_mem>>) src(%dma_wait3A_301 : memref<640x128xf32, #tpu.memory_space<vmem_shared>>) dst(%dma_wait3A_299 : memref<640x128xf32, #tpu.memory_space<hbm>>)
      tpu.yield
    }) : () -> ()
    return
  }
}

module attributes {stable_mosaic.version = 14 : i64} {
  func.func @_scale_body(%arg0: memref<10000x128xf32, #tpu.memory_space<vmem>>, %arg1: memref<10000x1xf32, #tpu.memory_space<vmem>>, %arg2: memref<10240x128xf32, #tpu.memory_space<vmem>>) attributes {dimension_semantics = [], scalar_prefetch = 0 : i64, scratch_operands = 0 : i64, tpu.core_type = #tpu.core_type<tc>} {
    %get3A = arith.constant 0 : index
    %get3A_0 = arith.constant 0 : index
    %get3A_1 = vector.load %arg1[%get3A, %get3A_0] : memref<10000x1xf32, #tpu.memory_space<vmem>>, vector<10000x1xf32>
    %max3A = arith.constant 1.000000e+00 : f32
    %max3A_2 = vector.broadcast %max3A : f32 to vector<10000x1xf32>
    %max3A_3 = arith.maximumf %get3A_1, %max3A_2 : vector<10000x1xf32>
    %rsqrt3A = math.rsqrt %max3A_3 : vector<10000x1xf32>
    %get3A_4 = arith.constant 0 : index
    %get3A_5 = arith.constant 0 : index
    %get3A_6 = vector.load %arg0[%get3A_4, %get3A_5] : memref<10000x128xf32, #tpu.memory_space<vmem>>, vector<10000x128xf32>
    %mul3A = vector.broadcast %rsqrt3A : vector<10000x1xf32> to vector<10000x128xf32>
    %mul3A_7 = arith.mulf %get3A_6, %mul3A : vector<10000x128xf32>
    %swap3A = arith.constant 0 : index
    %swap3A_8 = arith.constant 0 : index
    %swap3A_9 = vector.load %arg2[%swap3A, %swap3A_8] : memref<10240x128xf32, #tpu.memory_space<vmem>>, vector<10000x128xf32>
    tpu.vector_store %arg2[%swap3A, %swap3A_8], %mul3A_7 {strides = array<i32>} : memref<10240x128xf32, #tpu.memory_space<vmem>>, vector<10000x128xf32>,
    %broadcast_in_dim3A = arith.constant 0.000000e+00 : f32
    %broadcast_in_dim3A_10 = vector.broadcast %broadcast_in_dim3A : f32 to vector<240x128xf32>
    %swap3A_11 = arith.constant 10000 : index
    %swap3A_12 = arith.constant 0 : index
    %swap3A_13 = vector.load %arg2[%swap3A_11, %swap3A_12] : memref<10240x128xf32, #tpu.memory_space<vmem>>, vector<240x128xf32>
    tpu.vector_store %arg2[%swap3A_11, %swap3A_12], %broadcast_in_dim3A_10 {strides = array<i32>} : memref<10240x128xf32, #tpu.memory_space<vmem>>, vector<240x128xf32>,
    return
  }
}

module attributes {stable_mosaic.version = 14 : i64} {
  func.func @_layer_body(%arg0: memref<2x10240x128xf32, #tpu.memory_space<vmem>>, %arg1: memref<10000x1xf32, #tpu.memory_space<vmem>>, %arg2: memref<10000x1xf32, #tpu.memory_space<vmem>>, %arg3: memref<128x128xf32, #tpu.memory_space<vmem>>, %arg4: memref<1x128xf32, #tpu.memory_space<vmem>>, %arg5: memref<1x128xf32, #tpu.memory_space<vmem>>, %arg6: memref<1x128xf32, #tpu.memory_space<vmem>>, %arg7: memref<10240x128xf32, #tpu.memory_space<vmem>>) attributes {dimension_semantics = [], scalar_prefetch = 0 : i64, scratch_operands = 0 : i64, tpu.core_type = #tpu.core_type<tc>} {
    %get3A = arith.constant 0 : index
    %get3A_0 = arith.constant 0 : index
    %get3A_1 = arith.constant 0 : index
    %get3A_2 = vector.load %arg0[%get3A, %get3A_0, %get3A_1] : memref<2x10240x128xf32, #tpu.memory_space<vmem>>, vector<1x10000x128xf32>
    %get3A_3 = vector.shape_cast %get3A_2 : vector<1x10000x128xf32> to vector<10000x128xf32>
    %get3A_4 = arith.constant 1 : index
    %get3A_5 = arith.constant 0 : index
    %get3A_6 = arith.constant 0 : index
    %get3A_7 = vector.load %arg0[%get3A_4, %get3A_5, %get3A_6] : memref<2x10240x128xf32, #tpu.memory_space<vmem>>, vector<1x10000x128xf32>
    %get3A_8 = vector.shape_cast %get3A_7 : vector<1x10000x128xf32> to vector<10000x128xf32>
    %add3A = arith.addf %get3A_3, %get3A_8 : vector<10000x128xf32>
    %get3A_9 = arith.constant 0 : index
    %get3A_10 = arith.constant 0 : index
    %get3A_11 = vector.load %arg1[%get3A_9, %get3A_10] : memref<10000x1xf32, #tpu.memory_space<vmem>>, vector<10000x1xf32>
    %max3A = arith.constant 1.000000e+00 : f32
    %max3A_12 = vector.broadcast %max3A : f32 to vector<10000x1xf32>
    %max3A_13 = arith.maximumf %get3A_11, %max3A_12 : vector<10000x1xf32>
    %rsqrt3A = math.rsqrt %max3A_13 : vector<10000x1xf32>
    %mul3A = vector.broadcast %rsqrt3A : vector<10000x1xf32> to vector<10000x128xf32>
    %mul3A_14 = arith.mulf %add3A, %mul3A : vector<10000x128xf32>
    %get3A_15 = arith.constant 0 : index
    %get3A_16 = arith.constant 0 : index
    %get3A_17 = vector.load %arg3[%get3A_15, %get3A_16] : memref<128x128xf32, #tpu.memory_space<vmem>>, vector<128x128xf32>
    %dot_general3A = arith.constant dense<0.000000e+00> : vector<10000x128xf32>
    %dot_general3A_18 = tpu.matmul %mul3A_14, %get3A_17, %dot_general3A {dimension_numbers = #tpu.dot_dimension_numbers<[1], [0], [0], [1], [0, 0, 1, 1], [], []>, transpose_lhs_hint = false} : vector<10000x128xf32>, vector<128x128xf32>, vector<10000x128xf32> -> vector<10000x128xf32>
    %get3A_19 = arith.constant 0 : index
    %get3A_20 = arith.constant 0 : index
    %get3A_21 = vector.load %arg4[%get3A_19, %get3A_20] : memref<1x128xf32, #tpu.memory_space<vmem>>, vector<1x128xf32>
    %add3A_22 = vector.broadcast %get3A_21 : vector<1x128xf32> to vector<10000x128xf32>
    %add3A_23 = arith.addf %dot_general3A_18, %add3A_22 : vector<10000x128xf32>
    %reduce_sum3A = arith.constant dense<0.000000e+00> : vector<128xf32>
    %reduce_sum3A_24 = vector.multi_reduction <add>, %add3A_23, %reduce_sum3A [0] : vector<10000x128xf32> to vector<128xf32>
    %broadcast_in_dim3A = vector.shape_cast %reduce_sum3A_24 : vector<128xf32> to vector<1x128xf32>
    %div3A = arith.constant 1.000000e+04 : f32
    %div3A_25 = vector.broadcast %div3A : f32 to vector<1x128xf32>
    %div3A_26 = arith.divf %broadcast_in_dim3A, %div3A_25 : vector<1x128xf32>
    %sub3A = vector.broadcast %div3A_26 : vector<1x128xf32> to vector<10000x128xf32>
    %sub3A_27 = arith.subf %add3A_23, %sub3A : vector<10000x128xf32>
    %mul3A_28 = arith.mulf %sub3A_27, %sub3A_27 : vector<10000x128xf32>
    %reduce_sum3A_29 = arith.constant dense<0.000000e+00> : vector<128xf32>
    %reduce_sum3A_30 = vector.multi_reduction <add>, %mul3A_28, %reduce_sum3A_29 [0] : vector<10000x128xf32> to vector<128xf32>
    %broadcast_in_dim3A_31 = vector.shape_cast %reduce_sum3A_30 : vector<128xf32> to vector<1x128xf32>
    %div3A_32 = arith.constant 1.000000e+04 : f32
    %div3A_33 = vector.broadcast %div3A_32 : f32 to vector<1x128xf32>
    %div3A_34 = arith.divf %broadcast_in_dim3A_31, %div3A_33 : vector<1x128xf32>
    %add3A_35 = arith.constant 9.99999974E-6 : f32
    %add3A_36 = vector.broadcast %add3A_35 : f32 to vector<1x128xf32>
    %add3A_37 = arith.addf %div3A_34, %add3A_36 : vector<1x128xf32>
    %rsqrt3A_38 = math.rsqrt %add3A_37 : vector<1x128xf32>
    %mul3A_39 = vector.broadcast %rsqrt3A_38 : vector<1x128xf32> to vector<10000x128xf32>
    %mul3A_40 = arith.mulf %sub3A_27, %mul3A_39 : vector<10000x128xf32>
    %get3A_41 = arith.constant 0 : index
    %get3A_42 = arith.constant 0 : index
    %get3A_43 = vector.load %arg5[%get3A_41, %get3A_42] : memref<1x128xf32, #tpu.memory_space<vmem>>, vector<1x128xf32>
    %mul3A_44 = vector.broadcast %get3A_43 : vector<1x128xf32> to vector<10000x128xf32>
    %mul3A_45 = arith.mulf %mul3A_40, %mul3A_44 : vector<10000x128xf32>
    %get3A_46 = arith.constant 0 : index
    %get3A_47 = arith.constant 0 : index
    %get3A_48 = vector.load %arg6[%get3A_46, %get3A_47] : memref<1x128xf32, #tpu.memory_space<vmem>>, vector<1x128xf32>
    %add3A_49 = vector.broadcast %get3A_48 : vector<1x128xf32> to vector<10000x128xf32>
    %add3A_50 = arith.addf %mul3A_45, %add3A_49 : vector<10000x128xf32>
    %max3A_51 = arith.constant 0.000000e+00 : f32
    %max3A_52 = vector.broadcast %max3A_51 : f32 to vector<10000x128xf32>
    %max3A_53 = arith.maximumf %add3A_50, %max3A_52 : vector<10000x128xf32>
    %get3A_54 = arith.constant 0 : index
    %get3A_55 = arith.constant 0 : index
    %get3A_56 = vector.load %arg2[%get3A_54, %get3A_55] : memref<10000x1xf32, #tpu.memory_space<vmem>>, vector<10000x1xf32>
    %max3A_57 = arith.constant 1.000000e+00 : f32
    %max3A_58 = vector.broadcast %max3A_57 : f32 to vector<10000x1xf32>
    %max3A_59 = arith.maximumf %get3A_56, %max3A_58 : vector<10000x1xf32>
    %rsqrt3A_60 = math.rsqrt %max3A_59 : vector<10000x1xf32>
    %mul3A_61 = vector.broadcast %rsqrt3A_60 : vector<10000x1xf32> to vector<10000x128xf32>
    %mul3A_62 = arith.mulf %max3A_53, %mul3A_61 : vector<10000x128xf32>
    %swap3A = arith.constant 0 : index
    %swap3A_63 = arith.constant 0 : index
    %swap3A_64 = vector.load %arg7[%swap3A, %swap3A_63] : memref<10240x128xf32, #tpu.memory_space<vmem>>, vector<10000x128xf32>
    tpu.vector_store %arg7[%swap3A, %swap3A_63], %mul3A_62 {strides = array<i32>} : memref<10240x128xf32, #tpu.memory_space<vmem>>, vector<10000x128xf32>,
    %broadcast_in_dim3A_65 = arith.constant 0.000000e+00 : f32
    %broadcast_in_dim3A_66 = vector.broadcast %broadcast_in_dim3A_65 : f32 to vector<240x128xf32>
    %swap3A_67 = arith.constant 10000 : index
    %swap3A_68 = arith.constant 0 : index
    %swap3A_69 = vector.load %arg7[%swap3A_67, %swap3A_68] : memref<10240x128xf32, #tpu.memory_space<vmem>>, vector<240x128xf32>
    tpu.vector_store %arg7[%swap3A_67, %swap3A_68], %broadcast_in_dim3A_66 {strides = array<i32>} : memref<10240x128xf32, #tpu.memory_space<vmem>>, vector<240x128xf32>,
    return
  }
}

module attributes {stable_mosaic.version = 14 : i64} {
  func.func @_final_body(%arg0: memref<2x10240x128xf32, #tpu.memory_space<vmem>>, %arg1: memref<10000x1xf32, #tpu.memory_space<vmem>>, %arg2: memref<128x128xf32, #tpu.memory_space<vmem>>, %arg3: memref<1x128xf32, #tpu.memory_space<vmem>>, %arg4: memref<1x128xf32, #tpu.memory_space<vmem>>, %arg5: memref<1x128xf32, #tpu.memory_space<vmem>>, %arg6: memref<128x64xf32, #tpu.memory_space<vmem>>, %arg7: memref<1x64xf32, #tpu.memory_space<vmem>>, %arg8: memref<10000x64xf32, #tpu.memory_space<vmem>>) attributes {dimension_semantics = [], scalar_prefetch = 0 : i64, scratch_operands = 0 : i64, tpu.core_type = #tpu.core_type<tc>} {
    %get3A = arith.constant 0 : index
    %get3A_0 = arith.constant 0 : index
    %get3A_1 = arith.constant 0 : index
    %get3A_2 = vector.load %arg0[%get3A, %get3A_0, %get3A_1] : memref<2x10240x128xf32, #tpu.memory_space<vmem>>, vector<1x10000x128xf32>
    %get3A_3 = vector.shape_cast %get3A_2 : vector<1x10000x128xf32> to vector<10000x128xf32>
    %get3A_4 = arith.constant 1 : index
    %get3A_5 = arith.constant 0 : index
    %get3A_6 = arith.constant 0 : index
    %get3A_7 = vector.load %arg0[%get3A_4, %get3A_5, %get3A_6] : memref<2x10240x128xf32, #tpu.memory_space<vmem>>, vector<1x10000x128xf32>
    %get3A_8 = vector.shape_cast %get3A_7 : vector<1x10000x128xf32> to vector<10000x128xf32>
    %add3A = arith.addf %get3A_3, %get3A_8 : vector<10000x128xf32>
    %get3A_9 = arith.constant 0 : index
    %get3A_10 = arith.constant 0 : index
    %get3A_11 = vector.load %arg1[%get3A_9, %get3A_10] : memref<10000x1xf32, #tpu.memory_space<vmem>>, vector<10000x1xf32>
    %max3A = arith.constant 1.000000e+00 : f32
    %max3A_12 = vector.broadcast %max3A : f32 to vector<10000x1xf32>
    %max3A_13 = arith.maximumf %get3A_11, %max3A_12 : vector<10000x1xf32>
    %rsqrt3A = math.rsqrt %max3A_13 : vector<10000x1xf32>
    %mul3A = vector.broadcast %rsqrt3A : vector<10000x1xf32> to vector<10000x128xf32>
    %mul3A_14 = arith.mulf %add3A, %mul3A : vector<10000x128xf32>
    %get3A_15 = arith.constant 0 : index
    %get3A_16 = arith.constant 0 : index
    %get3A_17 = vector.load %arg2[%get3A_15, %get3A_16] : memref<128x128xf32, #tpu.memory_space<vmem>>, vector<128x128xf32>
    %dot_general3A = arith.constant dense<0.000000e+00> : vector<10000x128xf32>
    %dot_general3A_18 = tpu.matmul %mul3A_14, %get3A_17, %dot_general3A {dimension_numbers = #tpu.dot_dimension_numbers<[1], [0], [0], [1], [0, 0, 1, 1], [], []>, transpose_lhs_hint = false} : vector<10000x128xf32>, vector<128x128xf32>, vector<10000x128xf32> -> vector<10000x128xf32>
    %get3A_19 = arith.constant 0 : index
    %get3A_20 = arith.constant 0 : index
    %get3A_21 = vector.load %arg3[%get3A_19, %get3A_20] : memref<1x128xf32, #tpu.memory_space<vmem>>, vector<1x128xf32>
    %add3A_22 = vector.broadcast %get3A_21 : vector<1x128xf32> to vector<10000x128xf32>
    %add3A_23 = arith.addf %dot_general3A_18, %add3A_22 : vector<10000x128xf32>
    %reduce_sum3A = arith.constant dense<0.000000e+00> : vector<128xf32>
    %reduce_sum3A_24 = vector.multi_reduction <add>, %add3A_23, %reduce_sum3A [0] : vector<10000x128xf32> to vector<128xf32>
    %broadcast_in_dim3A = vector.shape_cast %reduce_sum3A_24 : vector<128xf32> to vector<1x128xf32>
    %div3A = arith.constant 1.000000e+04 : f32
    %div3A_25 = vector.broadcast %div3A : f32 to vector<1x128xf32>
    %div3A_26 = arith.divf %broadcast_in_dim3A, %div3A_25 : vector<1x128xf32>
    %sub3A = vector.broadcast %div3A_26 : vector<1x128xf32> to vector<10000x128xf32>
    %sub3A_27 = arith.subf %add3A_23, %sub3A : vector<10000x128xf32>
    %mul3A_28 = arith.mulf %sub3A_27, %sub3A_27 : vector<10000x128xf32>
    %reduce_sum3A_29 = arith.constant dense<0.000000e+00> : vector<128xf32>
    %reduce_sum3A_30 = vector.multi_reduction <add>, %mul3A_28, %reduce_sum3A_29 [0] : vector<10000x128xf32> to vector<128xf32>
    %broadcast_in_dim3A_31 = vector.shape_cast %reduce_sum3A_30 : vector<128xf32> to vector<1x128xf32>
    %div3A_32 = arith.constant 1.000000e+04 : f32
    %div3A_33 = vector.broadcast %div3A_32 : f32 to vector<1x128xf32>
    %div3A_34 = arith.divf %broadcast_in_dim3A_31, %div3A_33 : vector<1x128xf32>
    %add3A_35 = arith.constant 9.99999974E-6 : f32
    %add3A_36 = vector.broadcast %add3A_35 : f32 to vector<1x128xf32>
    %add3A_37 = arith.addf %div3A_34, %add3A_36 : vector<1x128xf32>
    %rsqrt3A_38 = math.rsqrt %add3A_37 : vector<1x128xf32>
    %mul3A_39 = vector.broadcast %rsqrt3A_38 : vector<1x128xf32> to vector<10000x128xf32>
    %mul3A_40 = arith.mulf %sub3A_27, %mul3A_39 : vector<10000x128xf32>
    %get3A_41 = arith.constant 0 : index
    %get3A_42 = arith.constant 0 : index
    %get3A_43 = vector.load %arg4[%get3A_41, %get3A_42] : memref<1x128xf32, #tpu.memory_space<vmem>>, vector<1x128xf32>
    %mul3A_44 = vector.broadcast %get3A_43 : vector<1x128xf32> to vector<10000x128xf32>
    %mul3A_45 = arith.mulf %mul3A_40, %mul3A_44 : vector<10000x128xf32>
    %get3A_46 = arith.constant 0 : index
    %get3A_47 = arith.constant 0 : index
    %get3A_48 = vector.load %arg5[%get3A_46, %get3A_47] : memref<1x128xf32, #tpu.memory_space<vmem>>, vector<1x128xf32>
    %add3A_49 = vector.broadcast %get3A_48 : vector<1x128xf32> to vector<10000x128xf32>
    %add3A_50 = arith.addf %mul3A_45, %add3A_49 : vector<10000x128xf32>
    %max3A_51 = arith.constant 0.000000e+00 : f32
    %max3A_52 = vector.broadcast %max3A_51 : f32 to vector<10000x128xf32>
    %max3A_53 = arith.maximumf %add3A_50, %max3A_52 : vector<10000x128xf32>
    %get3A_54 = arith.constant 0 : index
    %get3A_55 = arith.constant 0 : index
    %get3A_56 = vector.load %arg6[%get3A_54, %get3A_55] : memref<128x64xf32, #tpu.memory_space<vmem>>, vector<128x64xf32>
    %dot_general3A_57 = arith.constant dense<0.000000e+00> : vector<10000x64xf32>
    %dot_general3A_58 = tpu.matmul %max3A_53, %get3A_56, %dot_general3A_57 {dimension_numbers = #tpu.dot_dimension_numbers<[1], [0], [0], [1], [0, 0, 1, 1], [], []>, transpose_lhs_hint = false} : vector<10000x128xf32>, vector<128x64xf32>, vector<10000x64xf32> -> vector<10000x64xf32>
    %get3A_59 = arith.constant 0 : index
    %get3A_60 = arith.constant 0 : index
    %get3A_61 = vector.load %arg7[%get3A_59, %get3A_60] : memref<1x64xf32, #tpu.memory_space<vmem>>, vector<1x64xf32>
    %add3A_62 = vector.broadcast %get3A_61 : vector<1x64xf32> to vector<10000x64xf32>
    %add3A_63 = arith.addf %dot_general3A_58, %add3A_62 : vector<10000x64xf32>
    %swap3A = arith.constant 0 : index
    %swap3A_64 = arith.constant 0 : index
    %swap3A_65 = vector.load %arg8[%swap3A, %swap3A_64] : memref<10000x64xf32, #tpu.memory_space<vmem>>, vector<10000x64xf32>
    tpu.vector_store %arg8[%swap3A, %swap3A_64], %add3A_63 {strides = array<i32>} : memref<10000x64xf32, #tpu.memory_space<vmem>>, vector<10000x64xf32>,
    return
  }
}

</mosaic_0001>

<sc_bundles>
// kernel: kernel.11.cloned.1.call-start
scs
__scs_entry_jumppad:
0x0: {  	(pc) =	sbr.rel $0x88, $3  }
0x1: {  	(tag) =	ssettag $0x0;
	lr =	simm.s32 $0x1  }
0x2: {  	[smem:$0x3F95] =	sst lr;
	_ =	strace $0xD0000000  }
0x3: {  	_ = 	snop  }
0x4: {  	_ = 	snop  }
0x5: {  	_ = 	snop  }
0x6: {  	_ = 	snop  }
0x7: {  	_ = 	snop  }
__scs_overlays_trampoline_lowered:
0x8: {  	[smem:$0x3FA4] =	sst s0  }
0x9: {  	[smem:$0x3FA5] =	sst s1  }
0xa: {  	[smem:$0x3FA6] =	sst s2  }
0xb: {  	[smem:$0x3FA7] =	sst s3  }
0xc: {  	[smem:$0x3FA8] =	sst s4  }
0xd: {  	[smem:$0x3FA9] =	sst s5  }
0xe: {  	[smem:$0x3FAA] =	sst s6  }
0xf: {  	[smem:$0x3FAB] =	sst s7  }
0x10: {  	[smem:$0x3FAC] =	sst s8  }
0x11: {  	[smem:$0x3FAD] =	sst s9;
	s0 =	simm.s32 @!p0 $0x0  }
0x12: {  	s1 =	sld [smem:$0x3F93];
	s0 =	simm.s32 @p0 $0x1  }
0x13: {  	[smem:$0x3FAE] =	sst s0;
	s0 =	simm.s32 @!p1 $0x0  }
0x14: {  	s2 =	sld [smem:$0x3F92];
	s0 =	simm.s32 @p1 $0x1  }
0x15: {  	[smem:$0x3FAF] =	sst s0;
	s0 =	simm.s32 @!p2 $0x0  }
0x16: {  	s3 =	sld [smem:$0x3FDB];
	s0 =	simm.s32 @p2 $0x1  }
0x17: {  	s4 =	simm.s32 $0x1BF5;
	[smem:$0x3FB1] =	sst s0  }
0x18: {  	s0 =	sld [smem:$0x3F94];
	_ =	swait.ge [sflag:s4], $0x0  }
0x19: {  	s7 =	sld [smem:$0x3F95]  }
0x1a: {  	s8 =	sadd.s32 $0xFFFFE003, lr  }
0x1b: {  	s9 =	sadd.s32 $0xFFFFFEF7, lr;
	s5 =	simm.s32 $0xFFFFFFFF;
	p2 =	slt.u32 s8, $0xFFFFF086  }
0x1c: {  	p1 =	slt.u32 s9, $0xF7A;
	s5 =	simm.s32 @!p2 $0x0  }
0x1d: {  	s5 =	simm.s32 @p1 $0x1;
	p0 =	seq.s32 s7, s2  }
0x1e: {  	s7 =	smul.u32 @!p0 $0xF7A, s2;
	p2 =	seq.s32 @!p0 s5, $0x0  }
0x1f: {  	s9 =	smul.u32 $0xF7A, s1;
	s8 =	simm.s32 @!p0 $0x1BF5;
	p2 =	por !p2, p0  }
0x20: {  	[sflag:s8] =	ssyncset.s32 @!p0 $0xFFFFF086;
	s6 =	sadd.s32 @!p0 s3, s7;
	s7 =	simm.s32 @!p0 $0x108  }
0x21: {  	s3 =	sadd.s32 s3, s9;
	s6 =	sadd.s32 @!p0 $0x88, s6;
	s7 =	simm.s32 @p2 $0x1082  }
0x22: {  	[simem:s7], [sflag:s8] =	dma.local @!p0 [hbm:s6], $0xF7A  }
0x23: {  	s9 =	sor.u32 $0xD0000000, s2;
	s6 =	simm.s32 $0x108;
	_ =	swait.ge @!p0 [sflag:s8], $0x0  }
0x24: {  	s3 =	sadd.s32 $0x88, s3;
	s6 =	simm.s32 @!p1 $0x1082;
	[sflag:s4] =	ssyncset.s32 $0xFFFFF086  }
0x25: {  	[simem:s6], [sflag:s4] =	dma.local [hbm:s3], $0xF7A  }
0x26: {  	[smem:$0x3F95] =	sst s1;
	(tag) =	ssettag s2;
	_ =	strace s9  }
0x27: {  	s1 =	sld [smem:$0x3FA5]  }
0x28: {  	s2 =	sld [smem:$0x3FA6]  }
0x29: {  	s4 =	sld [smem:$0x3FA8]  }
0x2a: {  	p0 =	seq.s32 s5, $0x0;
	s5 =	sld [smem:$0x3FA9]  }
0x2b: {  	s6 =	sld [smem:$0x3FAA]  }
0x2c: {  	s7 =	sld [smem:$0x3FAB]  }
0x2d: {  	s3 =	simm.s32 $0x108;
	s8 =	sld [smem:$0x3FAC]  }
0x2e: {  	s3 =	simm.s32 @!p0 $0x1082;
	s9 =	sld [smem:$0x3FAD]  }
0x2f: {  	lr =	sadd.s32 s0, s3;
	s0 =	sld [smem:$0x3FA4]  }
0x30: {  	s3 =	sld [smem:$0x3FA7]  }
0x31: {  	[smem:$0x3FB0] =	sst s10  }
0x32: {  	s10 =	sld [smem:$0x3FAE];
	_ =	sdelay $0x3  }
0x33: {  	p0 =	seq.s32 s10, $0x1;
	s10 =	sld [smem:$0x3FB0];
	_ =	sdelay $0x3  }
0x34: {  	[smem:$0x3FB0] =	sst s10  }
0x35: {  	s10 =	sld [smem:$0x3FAF];
	_ =	sdelay $0x3  }
0x36: {  	p1 =	seq.s32 s10, $0x1;
	s10 =	sld [smem:$0x3FB0];
	_ =	sdelay $0x3  }
0x37: {  	[smem:$0x3FB0] =	sst s10  }
0x38: {  	s10 =	sld [smem:$0x3FB1]  }
0x39: {  	_ = 	snop;
	(pc) =	sbr.ind lr, $3  }
0x3a: {  	_ = 	snop  }
0x3b: {  	_ = 	snop  }
0x3c: {  	p2 =	seq.s32 s10, $0x1;
	s10 =	sld [smem:$0x3FB0]  }
0x3d: {  	_ =	shalt  }
0x3e: {  	_ =	shalt  }
0x3f: {  	_ =	shalt  }
0x40: {  	_ =	shalt  }
0x41: {  	_ =	shalt  }
0x42: {  	_ =	shalt  }
0x43: {  	_ =	shalt  }
0x44: {  	_ =	shalt  }
0x45: {  	_ =	shalt  }
0x46: {  	_ =	shalt  }
0x47: {  	_ =	shalt  }
0x48: {  	_ =	shalt  }
0x49: {  	_ =	shalt  }
0x4a: {  	_ =	shalt  }
0x4b: {  	_ =	shalt  }
0x4c: {  	_ =	shalt  }
0x4d: {  	_ =	shalt  }
0x4e: {  	_ =	shalt  }
0x4f: {  	_ =	shalt  }
0x50: {  	_ =	shalt  }
0x51: {  	_ =	shalt  }
0x52: {  	_ =	shalt  }
0x53: {  	_ =	shalt  }
0x54: {  	_ =	shalt  }
0x55: {  	_ =	shalt  }
0x56: {  	_ =	shalt  }
0x57: {  	_ =	shalt  }
0x58: {  	_ =	shalt  }
0x59: {  	_ =	shalt  }
0x5a: {  	_ =	shalt  }
0x5b: {  	_ =	shalt  }
0x5c: {  	_ =	shalt  }
0x5d: {  	_ =	shalt  }
0x5e: {  	_ =	shalt  }
0x5f: {  	_ =	shalt  }
0x60: {  	_ =	shalt  }
0x61: {  	_ =	shalt  }
0x62: {  	_ =	shalt  }
0x63: {  	_ =	shalt  }
0x64: {  	_ =	shalt  }
0x65: {  	_ =	shalt  }
0x66: {  	_ =	shalt  }
0x67: {  	_ =	shalt  }
0x68: {  	_ =	shalt  }
0x69: {  	_ =	shalt  }
0x6a: {  	_ =	shalt  }
0x6b: {  	_ =	shalt  }
0x6c: {  	_ =	shalt  }
0x6d: {  	_ =	shalt  }
0x6e: {  	_ =	shalt  }
0x6f: {  	_ =	shalt  }
0x70: {  	_ =	shalt  }
0x71: {  	_ =	shalt  }
0x72: {  	_ =	shalt  }
0x73: {  	_ =	shalt  }
0x74: {  	_ =	shalt  }
0x75: {  	_ =	shalt  }
0x76: {  	_ =	shalt  }
0x77: {  	_ =	shalt  }
0x78: {  	_ =	shalt  }
0x79: {  	_ =	shalt  }
0x7a: {  	_ =	shalt  }
0x7b: {  	_ =	shalt  }
0x7c: {  	_ =	shalt  }
0x7d: {  	_ =	shalt  }
0x7e: {  	_ =	shalt  }
0x7f: {  	_ =	shalt  }
0x80: {  	_ =	shalt  }
0x81: {  	_ =	shalt  }
0x82: {  	_ =	shalt  }
0x83: {  	_ =	shalt  }
0x84: {  	_ =	shalt  }
0x85: {  	_ =	shalt  }
0x86: {  	_ =	shalt  }
0x87: {  	_ =	shalt  }
.Lfunc_end0:
.L_simem_size_0:
called_computation.1_lowered:
.L_overlay_start_0:
0x88: {  	s2 =	sld [smem:$0x3FD9]  }
0x89: {  	s3 =	sld [smem:$0x3FFE];
	_ =	sdelay $0x1  }
0x8a: {  	s1 =	srdreg.scid  }
0x8b: {  	s0 =	sand.u32 $0x1, s1  }
0x8c: {  	s17 =	sshll.u32 s0, $0xA;
	s2 =	sadd.s32 s3, s2  }
0x8d: {  	s2 =	sadd.s32 s2, s17  }
0x8e: {  	[smem:$0x3FBC] =	sst s2  }
0x8f: {  	_ = 	snop  }
0x90: {  	s2 =	sld [smem:$0x3FD0];
	(tm) =	ssettm $0x1  }
0x91: {  	s18 =	sld [smem:$0x3FFB];
	_ =	sdelay $0x3  }
0x92: {  	_ =	strace s18  }
0x93: {  	s3 =	sld [smem:$0x3FFC];
	_ =	sdelay $0x3  }
0x94: {  	_ =	strace s3  }
0x95: {  	s3 =	sld [smem:$0x3FFD];
	_ =	sdelay $0x3  }
0x96: {  	_ =	strace s3  }
0x97: {  	_ =	strace $0x8FFFFFFF  }
0x98: {  	s19 =	sld [smem:$0x3FDB];
	_ =	sdelay $0x1  }
0x99: {  	s4 =	simm.s32 $_scs_section_size  }
0x9a: {  	s5 =	simm.s32 $_size__tile_overlayer_lowered;
	s6 =	simm.s32 $_tile_overlayer_lowered  }
0x9b: {  	s22 =	simm.s32 $0x1BFF;
	s21 =	sshll.u32 s6, $0x1;
	s3 =	sadd.s32 s4, s19  }
0x9c: {  	s7 =	simm.s32 $0x0;
	s20 =	sshll.u32 s5, $0x1;
	s5 =	sadd.s32 s21, s3  }
0x9d: {  	[timem:s7], [sflag:s22] =	dma.local [hbm:s5], s20  }
0x9e: {  	_ =	swait.ge [sflag:s22], s20  }
0x9f: {  	s4 =	ssub.s32 $0x0, s20;
	[sflag:s22] =	ssyncset.done $0x0  }
0xa0: {  	[sflag:s22] =	ssyncadd.s32 s4;
	_ =	sdelay $0x1  }
0xa1: {  	s23 =	simm.s32 $0x1B8B  }
0xa2: {  	_ =	swait.ge [sflag:s23], $0x1  }
0xa3: {  	[sflag:s23] =	ssyncset.done $0x0  }
0xa4: {  	s25 =	simm.s32 $0x1B8E;
	s24 =	sld [smem:$0x3FFE];
	[sflag:s23] =	ssyncadd.s32 $0xFFFFFFFF  }
0xa5: {  	s26 =	simm.s32 $execute0_lowered;
	[smem:$0x3FD2] =	sst s25  }
0xa6: {  	s5 =	sshll.u32 s26, $0x1;
	_ =	strace $0x80000049;
	[dreg:$0x1] =	wrdreg $0xFFFFFFFF  }
0xa7: {  	s28 =	simm.s32 $_size_execute0_lowered;
	s3 =	sadd.s32 s3, s5;
	[dreg:$0x0] =	wrdreg $0x0  }
0xa8: {  	s5 =	sshll.u32 s28, $0x1;
	[dreg:$0x2] =	wrdreg s3  }
0xa9: {  	[dreg:$0x3] =	wrdreg s5  }
0xaa: {  	[dreg:$0x4] =	wrdreg $0xC0  }
0xab: {  	_ =	task [dreg:s7], $0x5FFFF  }
0xac: {  	[dreg:$0x1] =	wrdreg $0xFFFFFFFF  }
0xad: {  	[dreg:$0x0] =	wrdreg $0x60  }
0xae: {  	[dreg:$0x2] =	wrdreg s24  }
0xaf: {  	[dreg:$0x3] =	wrdreg s2  }
0xb0: {  	[dreg:$0x4] =	wrdreg $0x88000  }
0xb1: {  	[dreg:$0x5] =	wrdreg $0x9  }
0xb2: {  	_ =	task.clear_ibuf [dreg:s7], $0x6FFFF;
	_ =	strace $0x90000049  }
0xb3: {  	s29 =	simm.s32 $0x9;
	_ =	strace $0x8000004B  }
0xb4: {  	_ =	swait.ge [sflag:s29], $0x1  }
0xb5: {  	[sflag:s29] =	ssyncadd.s32 $0xFFFFFFFF  }
0xb6: {  	_ =	strace $0x9000004B  }
0xb7: {  	_ =	sfence  }
0xb8: {  	s30 =	sld [smem:$0x0];
	_ =	sdelay $0x2  }
0xb9: {  	s31 =	sshll.u32 s1, $0xD;
	s1 =	sshrl.u32 s1, $0x2  }
0xba: {  	s3 =	sand.u32 $0x4000, s31;
	s1 =	sadd.s32 s1, s30  }
0xbb: {  	s0 =	sor.u32 s3, s0;
	s1 =	sshll.u32 s1, $0x11  }
0xbc: {  	s0 =	sor.u32 s1, s0  }
0xbd: {  	s0 =	sadd.s32 $0x8F2B, s0  }
0xbe: {  	[sflag:s0] =	ssyncadd.remote.s32 $0x1  }
0xbf: {  	_ =	sfence.sel $0xFFFF  }
0xc0: {  	[dreg:$0x0] =	wrdreg $0xFFFFFFFF;
	(pc) =	sbr.abs _section_cstart, $3  }
0xc1: {  	[dreg:$0x1] =	wrdreg $0xFFFFFFFF  }
0xc2: {  	_ =	task.clear_ibuf [dreg:s7], $0x2FFFF;
	_ =	strace $0x9FFFFFFF  }
0xc3: {  	(tm) =	ssettm $0x7FFFFFFF  }
tec
execute0_lowered:
.L_overlay_start_1:
0x0: {  	(tag) =	ssettag $0x1  }
0x1: {  	s0 =	rddreg [dreg:$0x0];
	s11 =	stileid.u32  }
0x2: {  	s2 =	rddreg [dreg:$0x2];
	s6 =	smul.u32 $0x14000, s11  }
0x3: {  	s1 =	srdreg.scid;
	s4 =	simm.s32 $0x0;
	s7 =	smul.u32 $0x50000, s11  }
0x4: {  	s28 =	simm.s32 $0x100;
	s1 =	sand.u32 $0x1, s1;
	s9 =	smul.u32 $0x5000, s11  }
0x5: {  	[smem:$0x7FF] =	sst s4;
	s5 =	sadd.s32 $0x3F600, s0;
	s3 =	smul.u32 $0x140000, s1  }
0x6: {  	s23 =	sadd.s32 $0x17610, s0;
	s8 =	smul.u32 $0x50000, s1;
	s1 =	ssub.s32 $0x2, s1  }
0x7: {  	s24 =	sadd.s32 $0x17620, s0;
	_ =	strace $0x8000004A;
	s10 =	sshrl.u32 s1, $0x1  }
0x8: {  	s17 =	sshrl.u32 s7, $0x2;
	s3 =	sadd.s32 s6, s3;
	s6 =	sadd.s32 $0x17600, s0  }
0x9: {  	s1 =	ssub.s32 s1, s10;
	s7 =	sadd.s32 s9, s8;
	s18 =	sadd.s32 s17, s2  }
0xa: {  	[dreg:$0x4] =	wrdreg s18;
	s20 =	sshrl.u32 s7, $0x3;
	s31 =	smax.u32 s1, $0x1  }
0xb: {  	s26 =	sadd.s32 $0x17630, s0;
	s12 =	sadd.s32 s6, s20;
	[dreg:$0x10] =	wrdreg s31  }
0xc: {  	s3 =	sshrl.u32 s3, $0x3;
	s13 =	sadd.s32 s20, s23;
	[dreg:$0x5] =	wrdreg s12  }
0xd: {  	s9 =	sadd.s32 $0xA0000, s7;
	s25 =	sadd.s32 s20, s24;
	[dreg:$0x7] =	wrdreg s13  }
0xe: {  	s21 =	sshrl.u32 s9, $0x3;
	s29 =	sadd.s32 s20, s26;
	[dreg:$0x9] =	wrdreg s25  }
0xf: {  	s3 =	sadd.s32 s3, s0;
	s22 =	sadd.s32 s6, s21;
	[dreg:$0xb] =	wrdreg s29  }
0x10: {  	s0 =	sadd.s32 $0x17640, s0;
	s12 =	sadd.s32 s21, s23;
	[dreg:$0x6] =	wrdreg s22  }
0x11: {  	s19 =	sshll.u32 s11, $0x6;
	s8 =	sadd.s32 s20, s0;
	[dreg:$0x8] =	wrdreg s12  }
0x12: {  	s10 =	sor.u32 $0x1C0D, s19;
	s0 =	sadd.s32 s21, s0;
	[dreg:$0xd] =	wrdreg s8  }
0x13: {  	s1 =	simm.s32 $0x6;
	s30 =	sadd.s32 $0x67600, s3;
	[dreg:$0xe] =	wrdreg s0  }
0x14: {  	s23 =	simm.s32 $0xD;
	s12 =	sadd.s32 s21, s24;
	[dreg:$0xf] =	wrdreg s30  }
0x15: {  	s24 =	simm.s32 $0x7;
	[dreg:$0xa] =	wrdreg s12;
	s12 =	sadd.s32 s21, s26  }
0x16: {  	s0 =	simm.s32 $0x0;
	s26 =	simm.s32 $0x40;
	[dreg:$0xc] =	wrdreg s12  }
.LBB2_1:
0x17: {  	s3 =	rddreg [dreg:$0x4]  }
0x18: {  	s8 =	rddreg [dreg:$0x1];
	s3 =	sshrl.u32 s3, $0x3  }
0x19: {  	[spmem:s3], [sflag:s10] =	dma.local [hbm:s8], $0x2800  }
0x1a: {  	_ =	swait.ge [sflag:s23], $0x2800  }
0x1b: {  	[sflag:s23] =	ssyncset.done $0x0  }
0x1c: {  	[sflag:s23] =	ssyncadd.s32 $0xFFFFD800  }
0x1d: {  	[bflag:$0x0] =	sbarrier.arrive $0xFFFF  }
0x1e: {  	s13 =	rddreg [dreg:$0x5]  }
0x1f: {  	[tilespmem:s4], [sflag:$0xD] =	stream.linear.gather [hbm4b:s13+s4], $0x80, $0x38;
	[tilespmem:$0x1C800] =	vst v63  }
0x20: {  	_ =	swait.ge [sflag:s23], $0x80  }
0x21: {  	[sflag:s23] =	ssyncset.done $0x0  }
0x22: {  	s11 =	simm.s32 $0x400;
	s14 =	rddreg [dreg:$0x6];
	[sflag:s23] =	ssyncadd.s32 $0xFFFFFF80  }
0x23: {  	[tilespmem:s11], [sflag:$0xD] =	stream.linear.gather [hbm4b:s14+s4], $0x80, $0x38;
	[tilespmem:$0x1C800] =	vst v63  }
0x24: {  	_ =	swait.ge [sflag:s23], $0x80  }
0x25: {  	[sflag:s23] =	ssyncset.done $0x0  }
0x26: {  	s11 =	simm.s32 $0x80;
	s15 =	rddreg [dreg:$0x7];
	[sflag:s23] =	ssyncadd.s32 $0xFFFFFF80  }
0x27: {  	[tilespmem:s11], [sflag:$0x6] =	stream.linear.gather [hbm4b:s15+s4], $0x80, $0x38;
	[tilespmem:$0x1C800] =	vst v63  }
0x28: {  	s12 =	simm.s32 $0x480;
	s16 =	rddreg [dreg:$0x8]  }
0x29: {  	[tilespmem:s12], [sflag:$0x6] =	stream.linear.gather [hbm4b:s16+s4], $0x80, $0x38;
	[tilespmem:$0x1C800] =	vst v63  }
0x2a: {  	s17 =	rddreg [dreg:$0x9]  }
0x2b: {  	[tilespmem:s28], [sflag:$0x7] =	stream.linear.gather [hbm4b:s17+s4], $0x80, $0x38;
	[tilespmem:$0x1C800] =	vst v63  }
0x2c: {  	s19 =	simm.s32 $0x500;
	s18 =	rddreg [dreg:$0xa]  }
0x2d: {  	[tilespmem:s19], [sflag:$0x7] =	stream.linear.gather [hbm4b:s18+s4], $0x80, $0x38;
	[tilespmem:$0x1C800] =	vst v63  }
0x2e: {  	s21 =	simm.s32 $0x180;
	s20 =	rddreg [dreg:$0xb]  }
0x2f: {  	[tilespmem:s21], [sflag:$0x8] =	stream.linear.gather [hbm4b:s20+s4], $0x80, $0x38;
	[tilespmem:$0x1C800] =	vst v63  }
0x30: {  	s25 =	simm.s32 $0x580;
	s22 =	rddreg [dreg:$0xc]  }
0x31: {  	[tilespmem:s25], [sflag:$0x8] =	stream.linear.gather [hbm4b:s22+s4], $0x80, $0x38;
	[tilespmem:$0x1C800] =	vst v63  }
0x32: {  	s14 =	simm.s32 $0x200;
	s13 =	rddreg [dreg:$0xd]  }
0x33: {  	[tilespmem:s14], [sflag:$0x9] =	stream.linear.gather [hbm4b:s13+s4], $0x80, $0x38;
	[tilespmem:$0x1C800] =	vst v63  }
0x34: {  	s15 =	rddreg [dreg:$0xe];
	s16 =	simm.s32 $0x600  }
0x35: {  	[tilespmem:s16], [sflag:$0x9] =	stream.linear.gather [hbm4b:s15+s4], $0x80, $0x38;
	[tilespmem:$0x1C800] =	vst v63  }
0x36: {  	_ =	swait.ge [sflag:s1], $0x80  }
0x37: {  	[sflag:s1] =	ssyncset.done $0x0  }
0x38: {  	[sflag:s1] =	ssyncadd.s32 $0xFFFFFF80  }
0x39: {  	_ =	swait.ge [sflag:s1], $0x80  }
0x3a: {  	[sflag:s1] =	ssyncset.done $0x0  }
0x3b: {  	[sflag:s1] =	ssyncadd.s32 $0xFFFFFF80  }
0x3c: {  	_ =	swait.ge [sflag:s24], $0x80  }
0x3d: {  	[sflag:s24] =	ssyncset.done $0x0  }
0x3e: {  	[sflag:s24] =	ssyncadd.s32 $0xFFFFFF80  }
0x3f: {  	_ =	swait.ge [sflag:s24], $0x80  }
0x40: {  	[sflag:s24] =	ssyncset.done $0x0  }
0x41: {  	p0 =	por $0x0, $0x0;
	s17 =	simm.s32 $0x800;
	[sflag:s24] =	ssyncadd.s32 $0xFFFFFF80  }
0x42: {  	[tilespmem:s17], [sflag:$0x1] =	stream.indirect.gather [hbm4b:s5+s26], $0x80, s4, s26, $0xb8;
	[tilespmem:$0x1C800] =	vst v63  }
0x43: {  	s29 =	simm.s32 $0x6;
	s8 =	simm.s32 @!p0 $0x3;
	s18 =	simm.s32 $0x2800  }
0x44: {  	[tilespmem:s18], [sflag:$0x2] =	stream.indirect.gather [hbm4b:s5+s26], $0x80, s11, s26, $0xb8;
	[tilespmem:$0x1C800] =	vst v63  }
0x45: {  	p1 =	por @!p0 $0x0, $0x0;
	s31 =	simm.s32 @!p0 $0x40;
	s11 =	sand.u32 @!p0 $0x7, s8  }
0x46: {  	p1 =	por p1, p0;
	s19 =	simm.s32 $0x4800;
	s13 =	sadd.s32 @!p0 $0x5, s11  }
0x47: {  	[tilespmem:s19], [sflag:$0x3] =	stream.indirect.gather [hbm4b:s5+s26], $0x80, s28, s26, $0xb8;
	[tilespmem:$0x1C800] =	vst v63  }
0x48: {  	s12 =	simm.s32 $0x5;
	s22 =	sand.u32 $0xE00, s4;
	_ =	swait.ge @!p0 [sflag:s13], $0x80  }
0x49: {  	s12 =	sand.u32 @!p1 $0x7, s12;
	s25 =	sshrl.u32 s22, $0x2;
	[sflag:s13] =	ssyncset.done @!p0 $0x0  }
0x4a: {  	s14 =	simm.s32 $0x280;
	s15 =	simm.s32 $0x0;
	[sflag:s13] =	ssyncadd.s32 @!p0 $0xFFFFFF80  }
0x4b: {  	s16 =	sadd.s32 @!p1 $0x5, s12;
	s8 =	sand.u32 @!p0 $0x3, s8;
	_ =	swait.ge @!p0 [sflag:s13], $0x80  }
0x4c: {  	s11 =	sshll.u32 @!p0 s11, $0x7;
	s30 =	sshll.u32 @!p0 s8, $0xD;
	[sflag:s13] =	ssyncset.done @!p0 $0x0  }
0x4d: {  	s8 =	sadd.s32 @!p0 $0x1, s8;
	s30 =	sor.u32 @!p0 $0x800, s30;
	[sflag:s13] =	ssyncadd.s32 @!p0 $0xFFFFFF80  }
0x4e: {  	[tilespmem:s30], [sflag:s8] =	stream.indirect.gather @!p0 [hbm4b:s5+s31], $0x80, s11, s31, $0xb8;
	[tilespmem:$0x1C800] =	vst v63  }
0x4f: {  	s12 =	sshll.u32 @!p1 s12, $0x7;
	s15 =	sand.u32 $0x3, s15;
	s11 =	sand.u32 @!p1 $0xFC00, s14  }
0x50: {  	s20 =	sshll.u32 s15, $0xD;
	s14 =	sand.u32 @!p1 $0x380, s14;
	s30 =	sadd.s32 @!p1 s7, s11  }
0x51: {  	s21 =	sadd.s32 $0x1, s15;
	s11 =	sadd.s32 @!p1 s9, s11;
	s30 =	sor.u32 @!p1 s14, s30  }
0x52: {  	s15 =	sor.u32 $0x400, s25;
	s11 =	sor.u32 @!p1 s14, s11;
	s30 =	sshrl.u32 @!p1 s30, $0x3  }
0x53: {  	s11 =	sshrl.u32 @!p1 s11, $0x3;
	s14 =	sadd.s32 @!p1 s6, s30;
	s30 =	simm.s32 @!p1 $0x0  }
0x54: {  	[tilespmem:s12], [sflag:s16] =	stream.linear.gather @!p1 [hbm4b:s14+s30], $0x80, $0x38;
	[tilespmem:$0x1C800] =	vst v63  }
0x55: {  	s13 =	simm.s32 $0x1;
	s11 =	sadd.s32 @!p1 s6, s11;
	s12 =	sor.u32 @!p1 $0x400, s12  }
0x56: {  	[tilespmem:s12], [sflag:s16] =	stream.linear.gather @!p1 [hbm4b:s11+s30], $0x80, $0x38;
	[tilespmem:$0x1C800] =	vst v63  }
0x57: {  	s31 =	sand.u32 $0x3, s13;
	s8 =	simm.s32 $0x300;
	_ =	swait.ge [sflag:s21], $0x2000  }
0x58: {  	s14 =	sor.u32 $0x800, s20;
	s11 =	simm.s32 $0x7;
	[sflag:s21] =	ssyncset.done $0x0  }
0x59: {  	s12 =	sshll.u32 s31, $0xD;
	s30 =	simm.s32 $0x200;
	[sflag:s21] =	ssyncadd.s32 $0xFFFFE000  }
.LBB2_2:
0x5a: {  	[spmem:s2] =	stream.indirect.scatter.add.f32 [tilespmem:s14], [sflag:$0xD], $0x80, s15, s26, $0xb8;
	[tilespmem:$0x1C800] =	vst v63  }
0x5b: {  	s15 =	smov.u32 s29;
	s29 =	smov.u32 s11;
	s14 =	smov.u32 s12  }
0x5c: {  	s16 =	sadd.s32 $0xFFFFFFFB, s11;
	p0 =	sgt.u32 s13, $0x9A;
	_ =	swait.ge [sflag:s23], $0x2000  }
0x5d: {  	s12 =	sadd.s32 @!p0 $0xFFFFFFFE, s15;
	p1 =	sgt.u32 @!p0 s13, $0x98;
	[sflag:s23] =	ssyncset.done $0x0  }
0x5e: {  	s13 =	sand.u32 @!p0 $0x7, s12;
	s12 =	sand.u32 @!p0 $0x3, s12;
	[sflag:s23] =	ssyncadd.s32 $0xFFFFE000  }
0x5f: {  	s17 =	sadd.s32 @!p0 $0x5, s13;
	s13 =	sshll.u32 @!p0 s13, $0x7;
	s18 =	sshll.u32 @!p0 s12, $0xD  }
0x60: {  	s12 =	sadd.s32 @!p0 $0x1, s12;
	s18 =	sor.u32 @!p0 $0x800, s18;
	_ =	swait.ge @!p0 [sflag:s17], $0x80  }
0x61: {  	s11 =	sadd.s32 $0x1, s11;
	s19 =	sand.u32 $0x3, s16;
	[sflag:s17] =	ssyncset.done @!p0 $0x0  }
0x62: {  	s20 =	simm.s32 @!p0 $0x40;
	p1 =	por p1, p0;
	[sflag:s17] =	ssyncadd.s32 @!p0 $0xFFFFFF80  }
0x63: {  	s25 =	sand.u32 @!p1 $0xFC00, s8;
	s21 =	sand.u32 @!p1 $0x380, s8;
	_ =	swait.ge @!p0 [sflag:s17], $0x80  }
0x64: {  	s22 =	sadd.s32 @!p1 s7, s25;
	s25 =	sadd.s32 @!p1 s9, s25;
	[sflag:s17] =	ssyncset.done @!p0 $0x0  }
0x65: {  	s15 =	sand.u32 @!p1 $0x7, s15;
	[sflag:s17] =	ssyncadd.s32 @!p0 $0xFFFFFF80;
	s17 =	sor.u32 @!p1 s21, s22  }
0x66: {  	[tilespmem:s18], [sflag:s12] =	stream.indirect.gather @!p0 [hbm4b:s5+s20], $0x80, s13, s20, $0xb8;
	[tilespmem:$0x1C800] =	vst v63  }
0x67: {  	s18 =	sadd.s32 @!p1 $0x5, s15;
	s13 =	sshll.u32 @!p1 s15, $0x7;
	s12 =	sshrl.u32 @!p1 s17, $0x3  }
0x68: {  	s17 =	sor.u32 @!p1 s21, s25;
	s15 =	sadd.s32 @!p1 s6, s12;
	s20 =	sor.u32 @!p1 $0x400, s13  }
0x69: {  	s21 =	simm.s32 @!p1 $0x0;
	s12 =	sshll.u32 s19, $0xD;
	s17 =	sshrl.u32 @!p1 s17, $0x3  }
0x6a: {  	s22 =	sadd.s32 $0x1, s31;
	p0 =	sne.s32 s11, $0xA3;
	s17 =	sadd.s32 @!p1 s6, s17  }
0x6b: {  	[tilespmem:s13], [sflag:s18] =	stream.linear.gather @!p1 [hbm4b:s15+s21], $0x80, $0x38;
	[tilespmem:$0x1C800] =	vst v63  }
.Ltmp0:
0x6c: {  	s15 =	sand.u32 $0xE00, s30;
	s13 =	smov.u32 s16;
	(pc) =	sbr.rel @p0 .LBB2_2-.Ltmp0, $4  }
0x6d: {  	[tilespmem:s20], [sflag:s18] =	stream.linear.gather @!p1 [hbm4b:s17+s21], $0x80, $0x38;
	[tilespmem:$0x1C800] =	vst v63  }
0x6e: {  	s14 =	sor.u32 $0x800, s14;
	s15 =	sshrl.u32 s15, $0x2;
	_ =	swait.ge [sflag:s22], $0x2000  }
0x6f: {  	s31 =	smov.u32 s19;
	s15 =	sor.u32 $0x400, s15;
	[sflag:s22] =	ssyncset.done $0x0  }
0x70: {  	s8 =	sadd.s32 $0x80, s8;
	s30 =	sadd.s32 $0x200, s30;
	[sflag:s22] =	ssyncadd.s32 $0xFFFFE000  }
0x71: {  	[spmem:s2] =	stream.indirect.scatter.add.f32 [tilespmem:s14], [sflag:$0xD], $0x80, s15, s26, $0xb8;
	[tilespmem:$0x1C800] =	vst v63  }
0x72: {  	p0 =	sgt.u32 s13, $0x9A  }
0x73: {  	_ =	swait.ge [sflag:s23], $0x2000;
	s11 =	sadd.s32 @!p0 $0xFFFFFFFE, s29  }
0x74: {  	[sflag:s23] =	ssyncset.done $0x0;
	s14 =	sand.u32 @!p0 $0x7, s11  }
0x75: {  	[sflag:s23] =	ssyncadd.s32 $0xFFFFE000;
	s15 =	sadd.s32 @!p0 $0x5, s14  }
0x76: {  	p1 =	sgt.u32 @!p0 s13, $0x98;
	s16 =	simm.s32 @!p0 $0x40;
	_ =	swait.ge @!p0 [sflag:s15], $0x80  }
0x77: {  	s11 =	sand.u32 @!p0 $0x3, s11;
	p1 =	por p1, p0;
	[sflag:s15] =	ssyncset.done @!p0 $0x0  }
0x78: {  	s13 =	sshll.u32 @!p0 s14, $0x7;
	s14 =	sshll.u32 @!p0 s11, $0xD;
	[sflag:s15] =	ssyncadd.s32 @!p0 $0xFFFFFF80  }
0x79: {  	s11 =	sadd.s32 @!p0 $0x1, s11;
	s17 =	sand.u32 @!p1 $0xFC00, s8;
	_ =	swait.ge @!p0 [sflag:s15], $0x80  }
0x7a: {  	s8 =	sand.u32 @!p1 $0x380, s8;
	s14 =	sor.u32 @!p0 $0x800, s14;
	[sflag:s15] =	ssyncset.done @!p0 $0x0  }
0x7b: {  	s18 =	sadd.s32 @!p1 s7, s17;
	[sflag:s15] =	ssyncadd.s32 @!p0 $0xFFFFFF80;
	s15 =	sand.u32 @!p1 $0x7, s29  }
0x7c: {  	[tilespmem:s14], [sflag:s11] =	stream.indirect.gather @!p0 [hbm4b:s5+s16], $0x80, s13, s16, $0xb8;
	[tilespmem:$0x1C800] =	vst v63  }
0x7d: {  	s11 =	sadd.s32 @!p1 s9, s17;
	s13 =	sor.u32 @!p1 s8, s18;
	s14 =	sadd.s32 @!p1 $0x5, s15  }
0x7e: {  	s15 =	sshll.u32 @!p1 s15, $0x7;
	s13 =	sshrl.u32 @!p1 s13, $0x3;
	s8 =	sor.u32 @!p1 s8, s11  }
0x7f: {  	s11 =	sadd.s32 @!p1 s6, s13;
	s13 =	simm.s32 @!p1 $0x0;
	s8 =	sshrl.u32 @!p1 s8, $0x3  }
0x80: {  	[tilespmem:s15], [sflag:s14] =	stream.linear.gather @!p1 [hbm4b:s11+s13], $0x80, $0x38;
	[tilespmem:$0x1C800] =	vst v63  }
0x81: {  	s22 =	sadd.s32 $0x1, s31;
	s11 =	sor.u32 @!p1 $0x400, s15;
	s8 =	sadd.s32 @!p1 s6, s8  }
0x82: {  	[tilespmem:s11], [sflag:s14] =	stream.linear.gather @!p1 [hbm4b:s8+s13], $0x80, $0x38;
	[tilespmem:$0x1C800] =	vst v63  }
0x83: {  	s25 =	sand.u32 $0xE00, s30;
	_ =	swait.ge [sflag:s22], $0x2000  }
0x84: {  	s8 =	sshrl.u32 s25, $0x2;
	[sflag:s22] =	ssyncset.done $0x0  }
0x85: {  	s29 =	sor.u32 $0x800, s12;
	s8 =	sor.u32 $0x400, s8;
	[sflag:s22] =	ssyncadd.s32 $0xFFFFE000  }
0x86: {  	[spmem:s2] =	stream.indirect.scatter.add.f32 [tilespmem:s29], [sflag:$0xD], $0x80, s8, s26, $0xb8;
	[tilespmem:$0x1C800] =	vst v63  }
0x87: {  	_ =	swait.ge [sflag:s23], $0x2000  }
0x88: {  	[sflag:s23] =	ssyncset.done $0x0  }
0x89: {  	[sflag:s23] =	ssyncadd.s32 $0xFFFFE000  }
0x8a: {  	[bflag:$0x0] =	sbarrier.arrive $0xFFFF  }
0x8b: {  	s30 =	rddreg [dreg:$0xf]  }
0x8c: {  	[hbm:s30], [sflag:s10] =	dma.local [spmem:s3], $0x2800  }
0x8d: {  	_ =	swait.ge [sflag:s23], $0x2800  }
0x8e: {  	s0 =	sadd.s32 $0x1, s0;
	s31 =	rddreg [dreg:$0x10]  }
0x8f: {  	p0 =	sne.s32 s0, s31  }
.Ltmp1:
0x90: {  	_ = 	snop;
	(pc) =	sbr.rel @p0 .LBB2_1-.Ltmp1, $3  }
0x91: {  	_ =	sdelay $0x1  }
0x92: {  	[sflag:s23] =	ssyncset.done $0x0  }
0x93: {  	[sflag:s23] =	ssyncadd.s32 $0xFFFFD800  }
0x94: {  	_ =	sfence.sel $0x180000  }
0x95: {  	[bflag:$0x0] =	sbarrier.arrive $0xFFFF  }
0x96: {  	_ =	strace $0x9000004A  }
0x97: {  	s0 =	stileid.u32;
	[bflag:$0x2] =	sbarrier.arrive $0xFFFF  }
0x98: {  	p0 =	sne.s32 s0, $0x0;
	s0 =	rddreg [dreg:$0x3]  }
0x99: {  	s0 =	sadd.s32 @!p0 $0x100000, s0  }
0x9a: {  	[sflag:s0] =	ssyncadd.tile.s32 @!p0 $0x1;
	_ =	shalt  }
.Lfunc_end2:
_tile_overlayer_lowered:
.L_overlay_start_2:
0x9b: {  	(tag) =	ssettag $0x2  }
0x9c: {  	s0 =	rddreg [dreg:$0x0];
	s2 =	stileid.u32  }
0x9d: {  	s1 =	rddreg [dreg:$0x1];
	p0 =	sne.s32 s2, $0x0  }
0x9e: {  	s3 =	rddreg [dreg:$0x2];
	[bflag:$0x3] =	sbarrier.arrive $0xFFFF;
	s2 =	simm.s32 @!p0 $0x1C0D  }
0x9f: {  	[timem:s3], [sflag:s2] =	dma.local @!p0 [hbm:s0], s1  }
0xa0: {  	s0 =	simm.s32 @!p0 $0xD  }
0xa1: {  	_ =	swait.ge @!p0 [sflag:s0], s1  }
0xa2: {  	s1 =	ssub.s32 @!p0 $0x0, s1;
	[sflag:s0] =	ssyncset.done @!p0 $0x0  }
0xa3: {  	[sflag:s0] =	ssyncadd.s32 @!p0 s1  }
0xa4: {  	[bflag:$0x3] =	sbarrier.arrive $0xFFFF  }
0xa5: {  	_ =	shalt  }

// kernel: kernel.14.cloned.1.call-start
scs
__scs_entry_jumppad:
0x0: {  	(pc) =	sbr.rel $0x88, $3  }
0x1: {  	(tag) =	ssettag $0x0;
	lr =	simm.s32 $0x1  }
0x2: {  	[smem:$0x3F95] =	sst lr;
	_ =	strace $0xD0000000  }
0x3: {  	_ = 	snop  }
0x4: {  	_ = 	snop  }
0x5: {  	_ = 	snop  }
0x6: {  	_ = 	snop  }
0x7: {  	_ = 	snop  }
__scs_overlays_trampoline_lowered:
0x8: {  	[smem:$0x3FA4] =	sst s0  }
0x9: {  	[smem:$0x3FA5] =	sst s1  }
0xa: {  	[smem:$0x3FA6] =	sst s2  }
0xb: {  	[smem:$0x3FA7] =	sst s3  }
0xc: {  	[smem:$0x3FA8] =	sst s4  }
0xd: {  	[smem:$0x3FA9] =	sst s5  }
0xe: {  	[smem:$0x3FAA] =	sst s6  }
0xf: {  	[smem:$0x3FAB] =	sst s7  }
0x10: {  	[smem:$0x3FAC] =	sst s8  }
0x11: {  	[smem:$0x3FAD] =	sst s9;
	s0 =	simm.s32 @!p0 $0x0  }
0x12: {  	s1 =	sld [smem:$0x3F93];
	s0 =	simm.s32 @p0 $0x1  }
0x13: {  	[smem:$0x3FAE] =	sst s0;
	s0 =	simm.s32 @!p1 $0x0  }
0x14: {  	s2 =	sld [smem:$0x3F92];
	s0 =	simm.s32 @p1 $0x1  }
0x15: {  	[smem:$0x3FAF] =	sst s0;
	s0 =	simm.s32 @!p2 $0x0  }
0x16: {  	s3 =	sld [smem:$0x3FDB];
	s0 =	simm.s32 @p2 $0x1  }
0x17: {  	s4 =	simm.s32 $0x1BF5;
	[smem:$0x3FB1] =	sst s0  }
0x18: {  	s0 =	sld [smem:$0x3F94];
	_ =	swait.ge [sflag:s4], $0x0  }
0x19: {  	s7 =	sld [smem:$0x3F95]  }
0x1a: {  	s8 =	sadd.s32 $0xFFFFE003, lr  }
0x1b: {  	s9 =	sadd.s32 $0xFFFFFEF7, lr;
	s5 =	simm.s32 $0xFFFFFFFF;
	p2 =	slt.u32 s8, $0xFFFFF086  }
0x1c: {  	p1 =	slt.u32 s9, $0xF7A;
	s5 =	simm.s32 @!p2 $0x0  }
0x1d: {  	s5 =	simm.s32 @p1 $0x1;
	p0 =	seq.s32 s7, s2  }
0x1e: {  	s7 =	smul.u32 @!p0 $0xF7A, s2;
	p2 =	seq.s32 @!p0 s5, $0x0  }
0x1f: {  	s9 =	smul.u32 $0xF7A, s1;
	s8 =	simm.s32 @!p0 $0x1BF5;
	p2 =	por !p2, p0  }
0x20: {  	[sflag:s8] =	ssyncset.s32 @!p0 $0xFFFFF086;
	s6 =	sadd.s32 @!p0 s3, s7;
	s7 =	simm.s32 @!p0 $0x108  }
0x21: {  	s3 =	sadd.s32 s3, s9;
	s6 =	sadd.s32 @!p0 $0x88, s6;
	s7 =	simm.s32 @p2 $0x1082  }
0x22: {  	[simem:s7], [sflag:s8] =	dma.local @!p0 [hbm:s6], $0xF7A  }
0x23: {  	s9 =	sor.u32 $0xD0000000, s2;
	s6 =	simm.s32 $0x108;
	_ =	swait.ge @!p0 [sflag:s8], $0x0  }
0x24: {  	s3 =	sadd.s32 $0x88, s3;
	s6 =	simm.s32 @!p1 $0x1082;
	[sflag:s4] =	ssyncset.s32 $0xFFFFF086  }
0x25: {  	[simem:s6], [sflag:s4] =	dma.local [hbm:s3], $0xF7A  }
0x26: {  	[smem:$0x3F95] =	sst s1;
	(tag) =	ssettag s2;
	_ =	strace s9  }
0x27: {  	s1 =	sld [smem:$0x3FA5]  }
0x28: {  	s2 =	sld [smem:$0x3FA6]  }
0x29: {  	s4 =	sld [smem:$0x3FA8]  }
0x2a: {  	p0 =	seq.s32 s5, $0x0;
	s5 =	sld [smem:$0x3FA9]  }
0x2b: {  	s6 =	sld [smem:$0x3FAA]  }
0x2c: {  	s7 =	sld [smem:$0x3FAB]  }
0x2d: {  	s3 =	simm.s32 $0x108;
	s8 =	sld [smem:$0x3FAC]  }
0x2e: {  	s3 =	simm.s32 @!p0 $0x1082;
	s9 =	sld [smem:$0x3FAD]  }
0x2f: {  	lr =	sadd.s32 s0, s3;
	s0 =	sld [smem:$0x3FA4]  }
0x30: {  	s3 =	sld [smem:$0x3FA7]  }
0x31: {  	[smem:$0x3FB0] =	sst s10  }
0x32: {  	s10 =	sld [smem:$0x3FAE];
	_ =	sdelay $0x3  }
0x33: {  	p0 =	seq.s32 s10, $0x1;
	s10 =	sld [smem:$0x3FB0];
	_ =	sdelay $0x3  }
0x34: {  	[smem:$0x3FB0] =	sst s10  }
0x35: {  	s10 =	sld [smem:$0x3FAF];
	_ =	sdelay $0x3  }
0x36: {  	p1 =	seq.s32 s10, $0x1;
	s10 =	sld [smem:$0x3FB0];
	_ =	sdelay $0x3  }
0x37: {  	[smem:$0x3FB0] =	sst s10  }
0x38: {  	s10 =	sld [smem:$0x3FB1]  }
0x39: {  	_ = 	snop;
	(pc) =	sbr.ind lr, $3  }
0x3a: {  	_ = 	snop  }
0x3b: {  	_ = 	snop  }
0x3c: {  	p2 =	seq.s32 s10, $0x1;
	s10 =	sld [smem:$0x3FB0]  }
0x3d: {  	_ =	shalt  }
0x3e: {  	_ =	shalt  }
0x3f: {  	_ =	shalt  }
0x40: {  	_ =	shalt  }
0x41: {  	_ =	shalt  }
0x42: {  	_ =	shalt  }
0x43: {  	_ =	shalt  }
0x44: {  	_ =	shalt  }
0x45: {  	_ =	shalt  }
0x46: {  	_ =	shalt  }
0x47: {  	_ =	shalt  }
0x48: {  	_ =	shalt  }
0x49: {  	_ =	shalt  }
0x4a: {  	_ =	shalt  }
0x4b: {  	_ =	shalt  }
0x4c: {  	_ =	shalt  }
0x4d: {  	_ =	shalt  }
0x4e: {  	_ =	shalt  }
0x4f: {  	_ =	shalt  }
0x50: {  	_ =	shalt  }
0x51: {  	_ =	shalt  }
0x52: {  	_ =	shalt  }
0x53: {  	_ =	shalt  }
0x54: {  	_ =	shalt  }
0x55: {  	_ =	shalt  }
0x56: {  	_ =	shalt  }
0x57: {  	_ =	shalt  }
0x58: {  	_ =	shalt  }
0x59: {  	_ =	shalt  }
0x5a: {  	_ =	shalt  }
0x5b: {  	_ =	shalt  }
0x5c: {  	_ =	shalt  }
0x5d: {  	_ =	shalt  }
0x5e: {  	_ =	shalt  }
0x5f: {  	_ =	shalt  }
0x60: {  	_ =	shalt  }
0x61: {  	_ =	shalt  }
0x62: {  	_ =	shalt  }
0x63: {  	_ =	shalt  }
0x64: {  	_ =	shalt  }
0x65: {  	_ =	shalt  }
0x66: {  	_ =	shalt  }
0x67: {  	_ =	shalt  }
0x68: {  	_ =	shalt  }
0x69: {  	_ =	shalt  }
0x6a: {  	_ =	shalt  }
0x6b: {  	_ =	shalt  }
0x6c: {  	_ =	shalt  }
0x6d: {  	_ =	shalt  }
0x6e: {  	_ =	shalt  }
0x6f: {  	_ =	shalt  }
0x70: {  	_ =	shalt  }
0x71: {  	_ =	shalt  }
0x72: {  	_ =	shalt  }
0x73: {  	_ =	shalt  }
0x74: {  	_ =	shalt  }
0x75: {  	_ =	shalt  }
0x76: {  	_ =	shalt  }
0x77: {  	_ =	shalt  }
0x78: {  	_ =	shalt  }
0x79: {  	_ =	shalt  }
0x7a: {  	_ =	shalt  }
0x7b: {  	_ =	shalt  }
0x7c: {  	_ =	shalt  }
0x7d: {  	_ =	shalt  }
0x7e: {  	_ =	shalt  }
0x7f: {  	_ =	shalt  }
0x80: {  	_ =	shalt  }
0x81: {  	_ =	shalt  }
0x82: {  	_ =	shalt  }
0x83: {  	_ =	shalt  }
0x84: {  	_ =	shalt  }
0x85: {  	_ =	shalt  }
0x86: {  	_ =	shalt  }
0x87: {  	_ =	shalt  }
.Lfunc_end0:
.L_simem_size_0:
called_computation.2_lowered:
.L_overlay_start_0:
0x88: {  	s2 =	sld [smem:$0x3FD9]  }
0x89: {  	s3 =	sld [smem:$0x3FFE];
	_ =	sdelay $0x1  }
0x8a: {  	s1 =	srdreg.scid  }
0x8b: {  	s0 =	sand.u32 $0x1, s1  }
0x8c: {  	s17 =	sshll.u32 s0, $0xA;
	s2 =	sadd.s32 s3, s2  }
0x8d: {  	s2 =	sadd.s32 s2, s17  }
0x8e: {  	[smem:$0x3FBC] =	sst s2  }
0x8f: {  	_ = 	snop  }
0x90: {  	s2 =	sld [smem:$0x3FD0];
	(tm) =	ssettm $0x1  }
0x91: {  	s18 =	sld [smem:$0x3FFB];
	_ =	sdelay $0x3  }
0x92: {  	_ =	strace s18  }
0x93: {  	s3 =	sld [smem:$0x3FFC];
	_ =	sdelay $0x3  }
0x94: {  	_ =	strace s3  }
0x95: {  	s3 =	sld [smem:$0x3FFD];
	_ =	sdelay $0x3  }
0x96: {  	_ =	strace s3  }
0x97: {  	_ =	strace $0x8FFFFFFF  }
0x98: {  	s19 =	sld [smem:$0x3FDB];
	_ =	sdelay $0x1  }
0x99: {  	s4 =	simm.s32 $_scs_section_size  }
0x9a: {  	s5 =	simm.s32 $_size__tile_overlayer_lowered;
	s6 =	simm.s32 $_tile_overlayer_lowered  }
0x9b: {  	s22 =	simm.s32 $0x1BFF;
	s21 =	sshll.u32 s6, $0x1;
	s3 =	sadd.s32 s4, s19  }
0x9c: {  	s7 =	simm.s32 $0x0;
	s20 =	sshll.u32 s5, $0x1;
	s5 =	sadd.s32 s21, s3  }
0x9d: {  	[timem:s7], [sflag:s22] =	dma.local [hbm:s5], s20  }
0x9e: {  	_ =	swait.ge [sflag:s22], s20  }
0x9f: {  	s4 =	ssub.s32 $0x0, s20;
	[sflag:s22] =	ssyncset.done $0x0  }
0xa0: {  	[sflag:s22] =	ssyncadd.s32 s4;
	_ =	sdelay $0x1  }
0xa1: {  	s23 =	simm.s32 $0x1B8B  }
0xa2: {  	_ =	swait.ge [sflag:s23], $0x1  }
0xa3: {  	[sflag:s23] =	ssyncset.done $0x0  }
0xa4: {  	s25 =	simm.s32 $0x1B8E;
	s24 =	sld [smem:$0x3FFE];
	[sflag:s23] =	ssyncadd.s32 $0xFFFFFFFF  }
0xa5: {  	s26 =	simm.s32 $execute0_lowered;
	[smem:$0x3FD2] =	sst s25  }
0xa6: {  	s5 =	sshll.u32 s26, $0x1;
	_ =	strace $0x8000004C;
	[dreg:$0x1] =	wrdreg $0xFFFFFFFF  }
0xa7: {  	s28 =	simm.s32 $_size_execute0_lowered;
	s3 =	sadd.s32 s3, s5;
	[dreg:$0x0] =	wrdreg $0x0  }
0xa8: {  	s5 =	sshll.u32 s28, $0x1;
	[dreg:$0x2] =	wrdreg s3  }
0xa9: {  	[dreg:$0x3] =	wrdreg s5  }
0xaa: {  	[dreg:$0x4] =	wrdreg $0xC0  }
0xab: {  	_ =	task [dreg:s7], $0x5FFFF  }
0xac: {  	[dreg:$0x1] =	wrdreg $0xFFFFFFFF  }
0xad: {  	[dreg:$0x0] =	wrdreg $0x60  }
0xae: {  	[dreg:$0x2] =	wrdreg s24  }
0xaf: {  	[dreg:$0x3] =	wrdreg s2  }
0xb0: {  	[dreg:$0x4] =	wrdreg $0x88000  }
0xb1: {  	[dreg:$0x5] =	wrdreg $0x9  }
0xb2: {  	_ =	task.clear_ibuf [dreg:s7], $0x6FFFF;
	_ =	strace $0x9000004C  }
0xb3: {  	s29 =	simm.s32 $0x9;
	_ =	strace $0x8000004E  }
0xb4: {  	_ =	swait.ge [sflag:s29], $0x1  }
0xb5: {  	[sflag:s29] =	ssyncadd.s32 $0xFFFFFFFF  }
0xb6: {  	_ =	strace $0x9000004E  }
0xb7: {  	_ =	sfence  }
0xb8: {  	s30 =	sld [smem:$0x0];
	_ =	sdelay $0x2  }
0xb9: {  	s31 =	sshll.u32 s1, $0xD;
	s1 =	sshrl.u32 s1, $0x2  }
0xba: {  	s3 =	sand.u32 $0x4000, s31;
	s1 =	sadd.s32 s1, s30  }
0xbb: {  	s0 =	sor.u32 s3, s0;
	s1 =	sshll.u32 s1, $0x11  }
0xbc: {  	s0 =	sor.u32 s1, s0  }
0xbd: {  	s0 =	sadd.s32 $0x8F2B, s0  }
0xbe: {  	[sflag:s0] =	ssyncadd.remote.s32 $0x1  }
0xbf: {  	_ =	sfence.sel $0xFFFF  }
0xc0: {  	[dreg:$0x0] =	wrdreg $0xFFFFFFFF;
	(pc) =	sbr.abs _section_cstart, $3  }
0xc1: {  	[dreg:$0x1] =	wrdreg $0xFFFFFFFF  }
0xc2: {  	_ =	task.clear_ibuf [dreg:s7], $0x2FFFF;
	_ =	strace $0x9FFFFFFF  }
0xc3: {  	(tm) =	ssettm $0x7FFFFFFF  }
tec
execute0_lowered:
.L_overlay_start_1:
0x0: {  	(tag) =	ssettag $0x1  }
0x1: {  	s0 =	rddreg [dreg:$0x0];
	s11 =	stileid.u32  }
0x2: {  	s2 =	rddreg [dreg:$0x2];
	s6 =	smul.u32 $0x14000, s11  }
0x3: {  	s1 =	srdreg.scid;
	s4 =	simm.s32 $0x0;
	s7 =	smul.u32 $0x50000, s11  }
0x4: {  	s28 =	simm.s32 $0x100;
	s1 =	sand.u32 $0x1, s1;
	s9 =	smul.u32 $0x5000, s11  }
0x5: {  	[smem:$0x7FF] =	sst s4;
	s5 =	sadd.s32 $0x3F600, s0;
	s3 =	smul.u32 $0x140000, s1  }
0x6: {  	s23 =	sadd.s32 $0x17610, s0;
	s8 =	smul.u32 $0x50000, s1;
	s1 =	ssub.s32 $0x2, s1  }
0x7: {  	s24 =	sadd.s32 $0x17620, s0;
	_ =	strace $0x8000004D;
	s10 =	sshrl.u32 s1, $0x1  }
0x8: {  	s17 =	sshrl.u32 s7, $0x2;
	s3 =	sadd.s32 s6, s3;
	s6 =	sadd.s32 $0x17600, s0  }
0x9: {  	s1 =	ssub.s32 s1, s10;
	s7 =	sadd.s32 s9, s8;
	s18 =	sadd.s32 s17, s2  }
0xa: {  	[dreg:$0x4] =	wrdreg s18;
	s20 =	sshrl.u32 s7, $0x3;
	s31 =	smax.u32 s1, $0x1  }
0xb: {  	s26 =	sadd.s32 $0x17630, s0;
	s12 =	sadd.s32 s6, s20;
	[dreg:$0x10] =	wrdreg s31  }
0xc: {  	s3 =	sshrl.u32 s3, $0x3;
	s13 =	sadd.s32 s20, s23;
	[dreg:$0x5] =	wrdreg s12  }
0xd: {  	s9 =	sadd.s32 $0xA0000, s7;
	s25 =	sadd.s32 s20, s24;
	[dreg:$0x7] =	wrdreg s13  }
0xe: {  	s21 =	sshrl.u32 s9, $0x3;
	s29 =	sadd.s32 s20, s26;
	[dreg:$0x9] =	wrdreg s25  }
0xf: {  	s3 =	sadd.s32 s3, s0;
	s22 =	sadd.s32 s6, s21;
	[dreg:$0xb] =	wrdreg s29  }
0x10: {  	s0 =	sadd.s32 $0x17640, s0;
	s12 =	sadd.s32 s21, s23;
	[dreg:$0x6] =	wrdreg s22  }
0x11: {  	s19 =	sshll.u32 s11, $0x6;
	s8 =	sadd.s32 s20, s0;
	[dreg:$0x8] =	wrdreg s12  }
0x12: {  	s10 =	sor.u32 $0x1C0D, s19;
	s0 =	sadd.s32 s21, s0;
	[dreg:$0xd] =	wrdreg s8  }
0x13: {  	s1 =	simm.s32 $0x6;
	s30 =	sadd.s32 $0x67600, s3;
	[dreg:$0xe] =	wrdreg s0  }
0x14: {  	s23 =	simm.s32 $0xD;
	s12 =	sadd.s32 s21, s24;
	[dreg:$0xf] =	wrdreg s30  }
0x15: {  	s24 =	simm.s32 $0x7;
	[dreg:$0xa] =	wrdreg s12;
	s12 =	sadd.s32 s21, s26  }
0x16: {  	s0 =	simm.s32 $0x0;
	s26 =	simm.s32 $0x40;
	[dreg:$0xc] =	wrdreg s12  }
.LBB2_1:
0x17: {  	s3 =	rddreg [dreg:$0x4]  }
0x18: {  	s8 =	rddreg [dreg:$0x1];
	s3 =	sshrl.u32 s3, $0x3  }
0x19: {  	[spmem:s3], [sflag:s10] =	dma.local [hbm:s8], $0x2800  }
0x1a: {  	_ =	swait.ge [sflag:s23], $0x2800  }
0x1b: {  	[sflag:s23] =	ssyncset.done $0x0  }
0x1c: {  	[sflag:s23] =	ssyncadd.s32 $0xFFFFD800  }
0x1d: {  	[bflag:$0x0] =	sbarrier.arrive $0xFFFF  }
0x1e: {  	s13 =	rddreg [dreg:$0x5]  }
0x1f: {  	[tilespmem:s4], [sflag:$0xD] =	stream.linear.gather [hbm4b:s13+s4], $0x80, $0x38;
	[tilespmem:$0x1C800] =	vst v63  }
0x20: {  	_ =	swait.ge [sflag:s23], $0x80  }
0x21: {  	[sflag:s23] =	ssyncset.done $0x0  }
0x22: {  	s11 =	simm.s32 $0x400;
	s14 =	rddreg [dreg:$0x6];
	[sflag:s23] =	ssyncadd.s32 $0xFFFFFF80  }
0x23: {  	[tilespmem:s11], [sflag:$0xD] =	stream.linear.gather [hbm4b:s14+s4], $0x80, $0x38;
	[tilespmem:$0x1C800] =	vst v63  }
0x24: {  	_ =	swait.ge [sflag:s23], $0x80  }
0x25: {  	[sflag:s23] =	ssyncset.done $0x0  }
0x26: {  	s11 =	simm.s32 $0x80;
	s15 =	rddreg [dreg:$0x7];
	[sflag:s23] =	ssyncadd.s32 $0xFFFFFF80  }
0x27: {  	[tilespmem:s11], [sflag:$0x6] =	stream.linear.gather [hbm4b:s15+s4], $0x80, $0x38;
	[tilespmem:$0x1C800] =	vst v63  }
0x28: {  	s12 =	simm.s32 $0x480;
	s16 =	rddreg [dreg:$0x8]  }
0x29: {  	[tilespmem:s12], [sflag:$0x6] =	stream.linear.gather [hbm4b:s16+s4], $0x80, $0x38;
	[tilespmem:$0x1C800] =	vst v63  }
0x2a: {  	s17 =	rddreg [dreg:$0x9]  }
0x2b: {  	[tilespmem:s28], [sflag:$0x7] =	stream.linear.gather [hbm4b:s17+s4], $0x80, $0x38;
	[tilespmem:$0x1C800] =	vst v63  }
0x2c: {  	s19 =	simm.s32 $0x500;
	s18 =	rddreg [dreg:$0xa]  }
0x2d: {  	[tilespmem:s19], [sflag:$0x7] =	stream.linear.gather [hbm4b:s18+s4], $0x80, $0x38;
	[tilespmem:$0x1C800] =	vst v63  }
0x2e: {  	s21 =	simm.s32 $0x180;
	s20 =	rddreg [dreg:$0xb]  }
0x2f: {  	[tilespmem:s21], [sflag:$0x8] =	stream.linear.gather [hbm4b:s20+s4], $0x80, $0x38;
	[tilespmem:$0x1C800] =	vst v63  }
0x30: {  	s25 =	simm.s32 $0x580;
	s22 =	rddreg [dreg:$0xc]  }
0x31: {  	[tilespmem:s25], [sflag:$0x8] =	stream.linear.gather [hbm4b:s22+s4], $0x80, $0x38;
	[tilespmem:$0x1C800] =	vst v63  }
0x32: {  	s14 =	simm.s32 $0x200;
	s13 =	rddreg [dreg:$0xd]  }
0x33: {  	[tilespmem:s14], [sflag:$0x9] =	stream.linear.gather [hbm4b:s13+s4], $0x80, $0x38;
	[tilespmem:$0x1C800] =	vst v63  }
0x34: {  	s15 =	rddreg [dreg:$0xe];
	s16 =	simm.s32 $0x600  }
0x35: {  	[tilespmem:s16], [sflag:$0x9] =	stream.linear.gather [hbm4b:s15+s4], $0x80, $0x38;
	[tilespmem:$0x1C800] =	vst v63  }
0x36: {  	_ =	swait.ge [sflag:s1], $0x80  }
0x37: {  	[sflag:s1] =	ssyncset.done $0x0  }
0x38: {  	[sflag:s1] =	ssyncadd.s32 $0xFFFFFF80  }
0x39: {  	_ =	swait.ge [sflag:s1], $0x80  }
0x3a: {  	[sflag:s1] =	ssyncset.done $0x0  }
0x3b: {  	[sflag:s1] =	ssyncadd.s32 $0xFFFFFF80  }
0x3c: {  	_ =	swait.ge [sflag:s24], $0x80  }
0x3d: {  	[sflag:s24] =	ssyncset.done $0x0  }
0x3e: {  	[sflag:s24] =	ssyncadd.s32 $0xFFFFFF80  }
0x3f: {  	_ =	swait.ge [sflag:s24], $0x80  }
0x40: {  	[sflag:s24] =	ssyncset.done $0x0  }
0x41: {  	p0 =	por $0x0, $0x0;
	s17 =	simm.s32 $0x800;
	[sflag:s24] =	ssyncadd.s32 $0xFFFFFF80  }
0x42: {  	[tilespmem:s17], [sflag:$0x1] =	stream.indirect.gather [hbm4b:s5+s26], $0x80, s4, s26, $0xb8;
	[tilespmem:$0x1C800] =	vst v63  }
0x43: {  	s29 =	simm.s32 $0x6;
	s8 =	simm.s32 @!p0 $0x3;
	s18 =	simm.s32 $0x2800  }
0x44: {  	[tilespmem:s18], [sflag:$0x2] =	stream.indirect.gather [hbm4b:s5+s26], $0x80, s11, s26, $0xb8;
	[tilespmem:$0x1C800] =	vst v63  }
0x45: {  	p1 =	por @!p0 $0x0, $0x0;
	s31 =	simm.s32 @!p0 $0x40;
	s11 =	sand.u32 @!p0 $0x7, s8  }
0x46: {  	p1 =	por p1, p0;
	s19 =	simm.s32 $0x4800;
	s13 =	sadd.s32 @!p0 $0x5, s11  }
0x47: {  	[tilespmem:s19], [sflag:$0x3] =	stream.indirect.gather [hbm4b:s5+s26], $0x80, s28, s26, $0xb8;
	[tilespmem:$0x1C800] =	vst v63  }
0x48: {  	s12 =	simm.s32 $0x5;
	s22 =	sand.u32 $0xE00, s4;
	_ =	swait.ge @!p0 [sflag:s13], $0x80  }
0x49: {  	s12 =	sand.u32 @!p1 $0x7, s12;
	s25 =	sshrl.u32 s22, $0x2;
	[sflag:s13] =	ssyncset.done @!p0 $0x0  }
0x4a: {  	s14 =	simm.s32 $0x280;
	s15 =	simm.s32 $0x0;
	[sflag:s13] =	ssyncadd.s32 @!p0 $0xFFFFFF80  }
0x4b: {  	s16 =	sadd.s32 @!p1 $0x5, s12;
	s8 =	sand.u32 @!p0 $0x3, s8;
	_ =	swait.ge @!p0 [sflag:s13], $0x80  }
0x4c: {  	s11 =	sshll.u32 @!p0 s11, $0x7;
	s30 =	sshll.u32 @!p0 s8, $0xD;
	[sflag:s13] =	ssyncset.done @!p0 $0x0  }
0x4d: {  	s8 =	sadd.s32 @!p0 $0x1, s8;
	s30 =	sor.u32 @!p0 $0x800, s30;
	[sflag:s13] =	ssyncadd.s32 @!p0 $0xFFFFFF80  }
0x4e: {  	[tilespmem:s30], [sflag:s8] =	stream.indirect.gather @!p0 [hbm4b:s5+s31], $0x80, s11, s31, $0xb8;
	[tilespmem:$0x1C800] =	vst v63  }
0x4f: {  	s12 =	sshll.u32 @!p1 s12, $0x7;
	s15 =	sand.u32 $0x3, s15;
	s11 =	sand.u32 @!p1 $0xFC00, s14  }
0x50: {  	s20 =	sshll.u32 s15, $0xD;
	s14 =	sand.u32 @!p1 $0x380, s14;
	s30 =	sadd.s32 @!p1 s7, s11  }
0x51: {  	s21 =	sadd.s32 $0x1, s15;
	s11 =	sadd.s32 @!p1 s9, s11;
	s30 =	sor.u32 @!p1 s14, s30  }
0x52: {  	s15 =	sor.u32 $0x400, s25;
	s11 =	sor.u32 @!p1 s14, s11;
	s30 =	sshrl.u32 @!p1 s30, $0x3  }
0x53: {  	s11 =	sshrl.u32 @!p1 s11, $0x3;
	s14 =	sadd.s32 @!p1 s6, s30;
	s30 =	simm.s32 @!p1 $0x0  }
0x54: {  	[tilespmem:s12], [sflag:s16] =	stream.linear.gather @!p1 [hbm4b:s14+s30], $0x80, $0x38;
	[tilespmem:$0x1C800] =	vst v63  }
0x55: {  	s13 =	simm.s32 $0x1;
	s11 =	sadd.s32 @!p1 s6, s11;
	s12 =	sor.u32 @!p1 $0x400, s12  }
0x56: {  	[tilespmem:s12], [sflag:s16] =	stream.linear.gather @!p1 [hbm4b:s11+s30], $0x80, $0x38;
	[tilespmem:$0x1C800] =	vst v63  }
0x57: {  	s31 =	sand.u32 $0x3, s13;
	s8 =	simm.s32 $0x300;
	_ =	swait.ge [sflag:s21], $0x2000  }
0x58: {  	s14 =	sor.u32 $0x800, s20;
	s11 =	simm.s32 $0x7;
	[sflag:s21] =	ssyncset.done $0x0  }
0x59: {  	s12 =	sshll.u32 s31, $0xD;
	s30 =	simm.s32 $0x200;
	[sflag:s21] =	ssyncadd.s32 $0xFFFFE000  }
.LBB2_2:
0x5a: {  	[spmem:s2] =	stream.indirect.scatter.add.f32 [tilespmem:s14], [sflag:$0xD], $0x80, s15, s26, $0xb8;
	[tilespmem:$0x1C800] =	vst v63  }
0x5b: {  	s15 =	smov.u32 s29;
	s29 =	smov.u32 s11;
	s14 =	smov.u32 s12  }
0x5c: {  	s16 =	sadd.s32 $0xFFFFFFFB, s11;
	p0 =	sgt.u32 s13, $0x9A;
	_ =	swait.ge [sflag:s23], $0x2000  }
0x5d: {  	s12 =	sadd.s32 @!p0 $0xFFFFFFFE, s15;
	p1 =	sgt.u32 @!p0 s13, $0x98;
	[sflag:s23] =	ssyncset.done $0x0  }
0x5e: {  	s13 =	sand.u32 @!p0 $0x7, s12;
	s12 =	sand.u32 @!p0 $0x3, s12;
	[sflag:s23] =	ssyncadd.s32 $0xFFFFE000  }
0x5f: {  	s17 =	sadd.s32 @!p0 $0x5, s13;
	s13 =	sshll.u32 @!p0 s13, $0x7;
	s18 =	sshll.u32 @!p0 s12, $0xD  }
0x60: {  	s12 =	sadd.s32 @!p0 $0x1, s12;
	s18 =	sor.u32 @!p0 $0x800, s18;
	_ =	swait.ge @!p0 [sflag:s17], $0x80  }
0x61: {  	s11 =	sadd.s32 $0x1, s11;
	s19 =	sand.u32 $0x3, s16;
	[sflag:s17] =	ssyncset.done @!p0 $0x0  }
0x62: {  	s20 =	simm.s32 @!p0 $0x40;
	p1 =	por p1, p0;
	[sflag:s17] =	ssyncadd.s32 @!p0 $0xFFFFFF80  }
0x63: {  	s25 =	sand.u32 @!p1 $0xFC00, s8;
	s21 =	sand.u32 @!p1 $0x380, s8;
	_ =	swait.ge @!p0 [sflag:s17], $0x80  }
0x64: {  	s22 =	sadd.s32 @!p1 s7, s25;
	s25 =	sadd.s32 @!p1 s9, s25;
	[sflag:s17] =	ssyncset.done @!p0 $0x0  }
0x65: {  	s15 =	sand.u32 @!p1 $0x7, s15;
	[sflag:s17] =	ssyncadd.s32 @!p0 $0xFFFFFF80;
	s17 =	sor.u32 @!p1 s21, s22  }
0x66: {  	[tilespmem:s18], [sflag:s12] =	stream.indirect.gather @!p0 [hbm4b:s5+s20], $0x80, s13, s20, $0xb8;
	[tilespmem:$0x1C800] =	vst v63  }
0x67: {  	s18 =	sadd.s32 @!p1 $0x5, s15;
	s13 =	sshll.u32 @!p1 s15, $0x7;
	s12 =	sshrl.u32 @!p1 s17, $0x3  }
0x68: {  	s17 =	sor.u32 @!p1 s21, s25;
	s15 =	sadd.s32 @!p1 s6, s12;
	s20 =	sor.u32 @!p1 $0x400, s13  }
0x69: {  	s21 =	simm.s32 @!p1 $0x0;
	s12 =	sshll.u32 s19, $0xD;
	s17 =	sshrl.u32 @!p1 s17, $0x3  }
0x6a: {  	s22 =	sadd.s32 $0x1, s31;
	p0 =	sne.s32 s11, $0xA3;
	s17 =	sadd.s32 @!p1 s6, s17  }
0x6b: {  	[tilespmem:s13], [sflag:s18] =	stream.linear.gather @!p1 [hbm4b:s15+s21], $0x80, $0x38;
	[tilespmem:$0x1C800] =	vst v63  }
.Ltmp0:
0x6c: {  	s15 =	sand.u32 $0xE00, s30;
	s13 =	smov.u32 s16;
	(pc) =	sbr.rel @p0 .LBB2_2-.Ltmp0, $4  }
0x6d: {  	[tilespmem:s20], [sflag:s18] =	stream.linear.gather @!p1 [hbm4b:s17+s21], $0x80, $0x38;
	[tilespmem:$0x1C800] =	vst v63  }
0x6e: {  	s14 =	sor.u32 $0x800, s14;
	s15 =	sshrl.u32 s15, $0x2;
	_ =	swait.ge [sflag:s22], $0x2000  }
0x6f: {  	s31 =	smov.u32 s19;
	s15 =	sor.u32 $0x400, s15;
	[sflag:s22] =	ssyncset.done $0x0  }
0x70: {  	s8 =	sadd.s32 $0x80, s8;
	s30 =	sadd.s32 $0x200, s30;
	[sflag:s22] =	ssyncadd.s32 $0xFFFFE000  }
0x71: {  	[spmem:s2] =	stream.indirect.scatter.add.f32 [tilespmem:s14], [sflag:$0xD], $0x80, s15, s26, $0xb8;
	[tilespmem:$0x1C800] =	vst v63  }
0x72: {  	p0 =	sgt.u32 s13, $0x9A  }
0x73: {  	_ =	swait.ge [sflag:s23], $0x2000;
	s11 =	sadd.s32 @!p0 $0xFFFFFFFE, s29  }
0x74: {  	[sflag:s23] =	ssyncset.done $0x0;
	s14 =	sand.u32 @!p0 $0x7, s11  }
0x75: {  	[sflag:s23] =	ssyncadd.s32 $0xFFFFE000;
	s15 =	sadd.s32 @!p0 $0x5, s14  }
0x76: {  	p1 =	sgt.u32 @!p0 s13, $0x98;
	s16 =	simm.s32 @!p0 $0x40;
	_ =	swait.ge @!p0 [sflag:s15], $0x80  }
0x77: {  	s11 =	sand.u32 @!p0 $0x3, s11;
	p1 =	por p1, p0;
	[sflag:s15] =	ssyncset.done @!p0 $0x0  }
0x78: {  	s13 =	sshll.u32 @!p0 s14, $0x7;
	s14 =	sshll.u32 @!p0 s11, $0xD;
	[sflag:s15] =	ssyncadd.s32 @!p0 $0xFFFFFF80  }
0x79: {  	s11 =	sadd.s32 @!p0 $0x1, s11;
	s17 =	sand.u32 @!p1 $0xFC00, s8;
	_ =	swait.ge @!p0 [sflag:s15], $0x80  }
0x7a: {  	s8 =	sand.u32 @!p1 $0x380, s8;
	s14 =	sor.u32 @!p0 $0x800, s14;
	[sflag:s15] =	ssyncset.done @!p0 $0x0  }
0x7b: {  	s18 =	sadd.s32 @!p1 s7, s17;
	[sflag:s15] =	ssyncadd.s32 @!p0 $0xFFFFFF80;
	s15 =	sand.u32 @!p1 $0x7, s29  }
0x7c: {  	[tilespmem:s14], [sflag:s11] =	stream.indirect.gather @!p0 [hbm4b:s5+s16], $0x80, s13, s16, $0xb8;
	[tilespmem:$0x1C800] =	vst v63  }
0x7d: {  	s11 =	sadd.s32 @!p1 s9, s17;
	s13 =	sor.u32 @!p1 s8, s18;
	s14 =	sadd.s32 @!p1 $0x5, s15  }
0x7e: {  	s15 =	sshll.u32 @!p1 s15, $0x7;
	s13 =	sshrl.u32 @!p1 s13, $0x3;
	s8 =	sor.u32 @!p1 s8, s11  }
0x7f: {  	s11 =	sadd.s32 @!p1 s6, s13;
	s13 =	simm.s32 @!p1 $0x0;
	s8 =	sshrl.u32 @!p1 s8, $0x3  }
0x80: {  	[tilespmem:s15], [sflag:s14] =	stream.linear.gather @!p1 [hbm4b:s11+s13], $0x80, $0x38;
	[tilespmem:$0x1C800] =	vst v63  }
0x81: {  	s22 =	sadd.s32 $0x1, s31;
	s11 =	sor.u32 @!p1 $0x400, s15;
	s8 =	sadd.s32 @!p1 s6, s8  }
0x82: {  	[tilespmem:s11], [sflag:s14] =	stream.linear.gather @!p1 [hbm4b:s8+s13], $0x80, $0x38;
	[tilespmem:$0x1C800] =	vst v63  }
0x83: {  	s25 =	sand.u32 $0xE00, s30;
	_ =	swait.ge [sflag:s22], $0x2000  }
0x84: {  	s8 =	sshrl.u32 s25, $0x2;
	[sflag:s22] =	ssyncset.done $0x0  }
0x85: {  	s29 =	sor.u32 $0x800, s12;
	s8 =	sor.u32 $0x400, s8;
	[sflag:s22] =	ssyncadd.s32 $0xFFFFE000  }
0x86: {  	[spmem:s2] =	stream.indirect.scatter.add.f32 [tilespmem:s29], [sflag:$0xD], $0x80, s8, s26, $0xb8;
	[tilespmem:$0x1C800] =	vst v63  }
0x87: {  	_ =	swait.ge [sflag:s23], $0x2000  }
0x88: {  	[sflag:s23] =	ssyncset.done $0x0  }
0x89: {  	[sflag:s23] =	ssyncadd.s32 $0xFFFFE000  }
0x8a: {  	[bflag:$0x0] =	sbarrier.arrive $0xFFFF  }
0x8b: {  	s30 =	rddreg [dreg:$0xf]  }
0x8c: {  	[hbm:s30], [sflag:s10] =	dma.local [spmem:s3], $0x2800  }
0x8d: {  	_ =	swait.ge [sflag:s23], $0x2800  }
0x8e: {  	s0 =	sadd.s32 $0x1, s0;
	s31 =	rddreg [dreg:$0x10]  }
0x8f: {  	p0 =	sne.s32 s0, s31  }
.Ltmp1:
0x90: {  	_ = 	snop;
	(pc) =	sbr.rel @p0 .LBB2_1-.Ltmp1, $3  }
0x91: {  	_ =	sdelay $0x1  }
0x92: {  	[sflag:s23] =	ssyncset.done $0x0  }
0x93: {  	[sflag:s23] =	ssyncadd.s32 $0xFFFFD800  }
0x94: {  	_ =	sfence.sel $0x180000  }
0x95: {  	[bflag:$0x0] =	sbarrier.arrive $0xFFFF  }
0x96: {  	_ =	strace $0x9000004D  }
0x97: {  	s0 =	stileid.u32;
	[bflag:$0x2] =	sbarrier.arrive $0xFFFF  }
0x98: {  	p0 =	sne.s32 s0, $0x0;
	s0 =	rddreg [dreg:$0x3]  }
0x99: {  	s0 =	sadd.s32 @!p0 $0x100000, s0  }
0x9a: {  	[sflag:s0] =	ssyncadd.tile.s32 @!p0 $0x1;
	_ =	shalt  }
.Lfunc_end2:
_tile_overlayer_lowered:
.L_overlay_start_2:
0x9b: {  	(tag) =	ssettag $0x2  }
0x9c: {  	s0 =	rddreg [dreg:$0x0];
	s2 =	stileid.u32  }
0x9d: {  	s1 =	rddreg [dreg:$0x1];
	p0 =	sne.s32 s2, $0x0  }
0x9e: {  	s3 =	rddreg [dreg:$0x2];
	[bflag:$0x3] =	sbarrier.arrive $0xFFFF;
	s2 =	simm.s32 @!p0 $0x1C0D  }
0x9f: {  	[timem:s3], [sflag:s2] =	dma.local @!p0 [hbm:s0], s1  }
0xa0: {  	s0 =	simm.s32 @!p0 $0xD  }
0xa1: {  	_ =	swait.ge @!p0 [sflag:s0], s1  }
0xa2: {  	s1 =	ssub.s32 @!p0 $0x0, s1;
	[sflag:s0] =	ssyncset.done @!p0 $0x0  }
0xa3: {  	[sflag:s0] =	ssyncadd.s32 @!p0 s1  }
0xa4: {  	[bflag:$0x3] =	sbarrier.arrive $0xFFFF  }
0xa5: {  	_ =	shalt  }

// kernel: kernel.8.cloned.1.call-start
scs
__scs_entry_jumppad:
0x0: {  	(pc) =	sbr.rel $0x88, $3  }
0x1: {  	(tag) =	ssettag $0x0;
	lr =	simm.s32 $0x1  }
0x2: {  	[smem:$0x3F95] =	sst lr;
	_ =	strace $0xD0000000  }
0x3: {  	_ = 	snop  }
0x4: {  	_ = 	snop  }
0x5: {  	_ = 	snop  }
0x6: {  	_ = 	snop  }
0x7: {  	_ = 	snop  }
__scs_overlays_trampoline_lowered:
0x8: {  	[smem:$0x3FA4] =	sst s0  }
0x9: {  	[smem:$0x3FA5] =	sst s1  }
0xa: {  	[smem:$0x3FA6] =	sst s2  }
0xb: {  	[smem:$0x3FA7] =	sst s3  }
0xc: {  	[smem:$0x3FA8] =	sst s4  }
0xd: {  	[smem:$0x3FA9] =	sst s5  }
0xe: {  	[smem:$0x3FAA] =	sst s6  }
0xf: {  	[smem:$0x3FAB] =	sst s7  }
0x10: {  	[smem:$0x3FAC] =	sst s8  }
0x11: {  	[smem:$0x3FAD] =	sst s9;
	s0 =	simm.s32 @!p0 $0x0  }
0x12: {  	s1 =	sld [smem:$0x3F93];
	s0 =	simm.s32 @p0 $0x1  }
0x13: {  	[smem:$0x3FAE] =	sst s0;
	s0 =	simm.s32 @!p1 $0x0  }
0x14: {  	s2 =	sld [smem:$0x3F92];
	s0 =	simm.s32 @p1 $0x1  }
0x15: {  	[smem:$0x3FAF] =	sst s0;
	s0 =	simm.s32 @!p2 $0x0  }
0x16: {  	s3 =	sld [smem:$0x3FDB];
	s0 =	simm.s32 @p2 $0x1  }
0x17: {  	s4 =	simm.s32 $0x1BF5;
	[smem:$0x3FB1] =	sst s0  }
0x18: {  	s0 =	sld [smem:$0x3F94];
	_ =	swait.ge [sflag:s4], $0x0  }
0x19: {  	s7 =	sld [smem:$0x3F95]  }
0x1a: {  	s8 =	sadd.s32 $0xFFFFE003, lr  }
0x1b: {  	s9 =	sadd.s32 $0xFFFFFEF7, lr;
	s5 =	simm.s32 $0xFFFFFFFF;
	p2 =	slt.u32 s8, $0xFFFFF086  }
0x1c: {  	p1 =	slt.u32 s9, $0xF7A;
	s5 =	simm.s32 @!p2 $0x0  }
0x1d: {  	s5 =	simm.s32 @p1 $0x1;
	p0 =	seq.s32 s7, s2  }
0x1e: {  	s7 =	smul.u32 @!p0 $0xF7A, s2;
	p2 =	seq.s32 @!p0 s5, $0x0  }
0x1f: {  	s9 =	smul.u32 $0xF7A, s1;
	s8 =	simm.s32 @!p0 $0x1BF5;
	p2 =	por !p2, p0  }
0x20: {  	[sflag:s8] =	ssyncset.s32 @!p0 $0xFFFFF086;
	s6 =	sadd.s32 @!p0 s3, s7;
	s7 =	simm.s32 @!p0 $0x108  }
0x21: {  	s3 =	sadd.s32 s3, s9;
	s6 =	sadd.s32 @!p0 $0x88, s6;
	s7 =	simm.s32 @p2 $0x1082  }
0x22: {  	[simem:s7], [sflag:s8] =	dma.local @!p0 [hbm:s6], $0xF7A  }
0x23: {  	s9 =	sor.u32 $0xD0000000, s2;
	s6 =	simm.s32 $0x108;
	_ =	swait.ge @!p0 [sflag:s8], $0x0  }
0x24: {  	s3 =	sadd.s32 $0x88, s3;
	s6 =	simm.s32 @!p1 $0x1082;
	[sflag:s4] =	ssyncset.s32 $0xFFFFF086  }
0x25: {  	[simem:s6], [sflag:s4] =	dma.local [hbm:s3], $0xF7A  }
0x26: {  	[smem:$0x3F95] =	sst s1;
	(tag) =	ssettag s2;
	_ =	strace s9  }
0x27: {  	s1 =	sld [smem:$0x3FA5]  }
0x28: {  	s2 =	sld [smem:$0x3FA6]  }
0x29: {  	s4 =	sld [smem:$0x3FA8]  }
0x2a: {  	p0 =	seq.s32 s5, $0x0;
	s5 =	sld [smem:$0x3FA9]  }
0x2b: {  	s6 =	sld [smem:$0x3FAA]  }
0x2c: {  	s7 =	sld [smem:$0x3FAB]  }
0x2d: {  	s3 =	simm.s32 $0x108;
	s8 =	sld [smem:$0x3FAC]  }
0x2e: {  	s3 =	simm.s32 @!p0 $0x1082;
	s9 =	sld [smem:$0x3FAD]  }
0x2f: {  	lr =	sadd.s32 s0, s3;
	s0 =	sld [smem:$0x3FA4]  }
0x30: {  	s3 =	sld [smem:$0x3FA7]  }
0x31: {  	[smem:$0x3FB0] =	sst s10  }
0x32: {  	s10 =	sld [smem:$0x3FAE];
	_ =	sdelay $0x3  }
0x33: {  	p0 =	seq.s32 s10, $0x1;
	s10 =	sld [smem:$0x3FB0];
	_ =	sdelay $0x3  }
0x34: {  	[smem:$0x3FB0] =	sst s10  }
0x35: {  	s10 =	sld [smem:$0x3FAF];
	_ =	sdelay $0x3  }
0x36: {  	p1 =	seq.s32 s10, $0x1;
	s10 =	sld [smem:$0x3FB0];
	_ =	sdelay $0x3  }
0x37: {  	[smem:$0x3FB0] =	sst s10  }
0x38: {  	s10 =	sld [smem:$0x3FB1]  }
0x39: {  	_ = 	snop;
	(pc) =	sbr.ind lr, $3  }
0x3a: {  	_ = 	snop  }
0x3b: {  	_ = 	snop  }
0x3c: {  	p2 =	seq.s32 s10, $0x1;
	s10 =	sld [smem:$0x3FB0]  }
0x3d: {  	_ =	shalt  }
0x3e: {  	_ =	shalt  }
0x3f: {  	_ =	shalt  }
0x40: {  	_ =	shalt  }
0x41: {  	_ =	shalt  }
0x42: {  	_ =	shalt  }
0x43: {  	_ =	shalt  }
0x44: {  	_ =	shalt  }
0x45: {  	_ =	shalt  }
0x46: {  	_ =	shalt  }
0x47: {  	_ =	shalt  }
0x48: {  	_ =	shalt  }
0x49: {  	_ =	shalt  }
0x4a: {  	_ =	shalt  }
0x4b: {  	_ =	shalt  }
0x4c: {  	_ =	shalt  }
0x4d: {  	_ =	shalt  }
0x4e: {  	_ =	shalt  }
0x4f: {  	_ =	shalt  }
0x50: {  	_ =	shalt  }
0x51: {  	_ =	shalt  }
0x52: {  	_ =	shalt  }
0x53: {  	_ =	shalt  }
0x54: {  	_ =	shalt  }
0x55: {  	_ =	shalt  }
0x56: {  	_ =	shalt  }
0x57: {  	_ =	shalt  }
0x58: {  	_ =	shalt  }
0x59: {  	_ =	shalt  }
0x5a: {  	_ =	shalt  }
0x5b: {  	_ =	shalt  }
0x5c: {  	_ =	shalt  }
0x5d: {  	_ =	shalt  }
0x5e: {  	_ =	shalt  }
0x5f: {  	_ =	shalt  }
0x60: {  	_ =	shalt  }
0x61: {  	_ =	shalt  }
0x62: {  	_ =	shalt  }
0x63: {  	_ =	shalt  }
0x64: {  	_ =	shalt  }
0x65: {  	_ =	shalt  }
0x66: {  	_ =	shalt  }
0x67: {  	_ =	shalt  }
0x68: {  	_ =	shalt  }
0x69: {  	_ =	shalt  }
0x6a: {  	_ =	shalt  }
0x6b: {  	_ =	shalt  }
0x6c: {  	_ =	shalt  }
0x6d: {  	_ =	shalt  }
0x6e: {  	_ =	shalt  }
0x6f: {  	_ =	shalt  }
0x70: {  	_ =	shalt  }
0x71: {  	_ =	shalt  }
0x72: {  	_ =	shalt  }
0x73: {  	_ =	shalt  }
0x74: {  	_ =	shalt  }
0x75: {  	_ =	shalt  }
0x76: {  	_ =	shalt  }
0x77: {  	_ =	shalt  }
0x78: {  	_ =	shalt  }
0x79: {  	_ =	shalt  }
0x7a: {  	_ =	shalt  }
0x7b: {  	_ =	shalt  }
0x7c: {  	_ =	shalt  }
0x7d: {  	_ =	shalt  }
0x7e: {  	_ =	shalt  }
0x7f: {  	_ =	shalt  }
0x80: {  	_ =	shalt  }
0x81: {  	_ =	shalt  }
0x82: {  	_ =	shalt  }
0x83: {  	_ =	shalt  }
0x84: {  	_ =	shalt  }
0x85: {  	_ =	shalt  }
0x86: {  	_ =	shalt  }
0x87: {  	_ =	shalt  }
.Lfunc_end0:
.L_simem_size_0:
called_computation_lowered:
.L_overlay_start_0:
0x88: {  	s2 =	sld [smem:$0x3FD9]  }
0x89: {  	s3 =	sld [smem:$0x3FFE];
	_ =	sdelay $0x1  }
0x8a: {  	s1 =	srdreg.scid  }
0x8b: {  	s0 =	sand.u32 $0x1, s1  }
0x8c: {  	s17 =	sshll.u32 s0, $0xA;
	s2 =	sadd.s32 s3, s2  }
0x8d: {  	s2 =	sadd.s32 s2, s17  }
0x8e: {  	[smem:$0x3FBC] =	sst s2  }
0x8f: {  	_ = 	snop  }
0x90: {  	s2 =	sld [smem:$0x3FD0];
	(tm) =	ssettm $0x1  }
0x91: {  	s18 =	sld [smem:$0x3FFB];
	_ =	sdelay $0x3  }
0x92: {  	_ =	strace s18  }
0x93: {  	s3 =	sld [smem:$0x3FFC];
	_ =	sdelay $0x3  }
0x94: {  	_ =	strace s3  }
0x95: {  	s3 =	sld [smem:$0x3FFD];
	_ =	sdelay $0x3  }
0x96: {  	_ =	strace s3  }
0x97: {  	_ =	strace $0x8FFFFFFF  }
0x98: {  	s19 =	sld [smem:$0x3FDB];
	_ =	sdelay $0x1  }
0x99: {  	s4 =	simm.s32 $_scs_section_size  }
0x9a: {  	s5 =	simm.s32 $_size__tile_overlayer_lowered;
	s6 =	simm.s32 $_tile_overlayer_lowered  }
0x9b: {  	s22 =	simm.s32 $0x1BFF;
	s21 =	sshll.u32 s6, $0x1;
	s3 =	sadd.s32 s4, s19  }
0x9c: {  	s7 =	simm.s32 $0x0;
	s20 =	sshll.u32 s5, $0x1;
	s5 =	sadd.s32 s21, s3  }
0x9d: {  	[timem:s7], [sflag:s22] =	dma.local [hbm:s5], s20  }
0x9e: {  	_ =	swait.ge [sflag:s22], s20  }
0x9f: {  	s4 =	ssub.s32 $0x0, s20;
	[sflag:s22] =	ssyncset.done $0x0  }
0xa0: {  	[sflag:s22] =	ssyncadd.s32 s4;
	_ =	sdelay $0x1  }
0xa1: {  	s23 =	simm.s32 $0x1B8B  }
0xa2: {  	_ =	swait.ge [sflag:s23], $0x1  }
0xa3: {  	[sflag:s23] =	ssyncset.done $0x0  }
0xa4: {  	s25 =	simm.s32 $0x1B8E;
	s24 =	sld [smem:$0x3FFE];
	[sflag:s23] =	ssyncadd.s32 $0xFFFFFFFF  }
0xa5: {  	s26 =	simm.s32 $execute0_lowered;
	[smem:$0x3FD2] =	sst s25  }
0xa6: {  	s5 =	sshll.u32 s26, $0x1;
	_ =	strace $0x80000046;
	[dreg:$0x1] =	wrdreg $0xFFFFFFFF  }
0xa7: {  	s28 =	simm.s32 $_size_execute0_lowered;
	s3 =	sadd.s32 s3, s5;
	[dreg:$0x0] =	wrdreg $0x0  }
0xa8: {  	s5 =	sshll.u32 s28, $0x1;
	[dreg:$0x2] =	wrdreg s3  }
0xa9: {  	[dreg:$0x3] =	wrdreg s5  }
0xaa: {  	[dreg:$0x4] =	wrdreg $0xC0  }
0xab: {  	_ =	task [dreg:s7], $0x5FFFF  }
0xac: {  	[dreg:$0x1] =	wrdreg $0xFFFFFFFF  }
0xad: {  	[dreg:$0x0] =	wrdreg $0x60  }
0xae: {  	[dreg:$0x2] =	wrdreg s24  }
0xaf: {  	[dreg:$0x3] =	wrdreg s2  }
0xb0: {  	[dreg:$0x4] =	wrdreg $0x53000  }
0xb1: {  	[dreg:$0x5] =	wrdreg $0x9  }
0xb2: {  	_ =	task.clear_ibuf [dreg:s7], $0x6FFFF;
	_ =	strace $0x90000046  }
0xb3: {  	s29 =	simm.s32 $0x9;
	_ =	strace $0x80000048  }
0xb4: {  	_ =	swait.ge [sflag:s29], $0x1  }
0xb5: {  	[sflag:s29] =	ssyncadd.s32 $0xFFFFFFFF  }
0xb6: {  	_ =	strace $0x90000048  }
0xb7: {  	_ =	sfence  }
0xb8: {  	s30 =	sld [smem:$0x0];
	_ =	sdelay $0x2  }
0xb9: {  	s31 =	sshll.u32 s1, $0xD;
	s1 =	sshrl.u32 s1, $0x2  }
0xba: {  	s3 =	sand.u32 $0x4000, s31;
	s1 =	sadd.s32 s1, s30  }
0xbb: {  	s0 =	sor.u32 s3, s0;
	s1 =	sshll.u32 s1, $0x11  }
0xbc: {  	s0 =	sor.u32 s1, s0  }
0xbd: {  	s0 =	sadd.s32 $0x8F2B, s0  }
0xbe: {  	[sflag:s0] =	ssyncadd.remote.s32 $0x1  }
0xbf: {  	_ =	sfence.sel $0xFFFF  }
0xc0: {  	[dreg:$0x0] =	wrdreg $0xFFFFFFFF;
	(pc) =	sbr.abs _section_cstart, $3  }
0xc1: {  	[dreg:$0x1] =	wrdreg $0xFFFFFFFF  }
0xc2: {  	_ =	task.clear_ibuf [dreg:s7], $0x2FFFF;
	_ =	strace $0x9FFFFFFF  }
0xc3: {  	(tm) =	ssettm $0x7FFFFFFF  }
tec
execute0_lowered:
.L_overlay_start_1:
0x0: {  	(tag) =	ssettag $0x1  }
0x1: {  	s4 =	rddreg [dreg:$0x0]  }
0x2: {  	s8 =	rddreg [dreg:$0x1]  }
0x3: {  	s2 =	rddreg [dreg:$0x2]  }
0x4: {  	s0 =	srdreg.scid;
	s1 =	rddreg [dreg:$0x3];
	s3 =	simm.s32 $0x0  }
0x5: {  	s12 =	simm.s32 $0x80;
	s13 =	simm.s32 $0x5000;
	s5 =	sand.u32 $0x1, s0  }
0x6: {  	s14 =	simm.s32 $0x5080;
	s0 =	stileid.u32;
	s6 =	smul.u32 $0x50000, s5  }
0x7: {  	s15 =	simm.s32 $0x100;
	[smem:$0x7FF] =	sst s3;
	s7 =	smul.u32 $0x5000, s0  }
0x8: {  	s16 =	simm.s32 $0x0;
	s25 =	smul.u32 $0x280, s0;
	_ =	strace $0x80000047  }
0x9: {  	s10 =	ssub.s32 $0x2, s5;
	s11 =	smul.u32 $0x500, s0;
	s29 =	sshll.u32 s5, $0x7  }
0xa: {  	s30 =	sshll.u32 s0, $0x6;
	s28 =	sshrl.u32 s10, $0x1;
	s6 =	sadd.s32 s7, s6  }
0xb: {  	s26 =	sshrl.u32 s25, $0x3;
	s10 =	ssub.s32 s10, s28;
	s11 =	sor.u32 s29, s11  }
0xc: {  	s6 =	sshrl.u32 s6, $0x3;
	s31 =	sshrl.u32 s11, $0x3;
	s11 =	simm.s32 $0x1  }
0xd: {  	s9 =	sadd.s32 s6, s4;
	s6 =	sadd.s32 s26, s4;
	s4 =	sadd.s32 s25, s2  }
0xe: {  	s8 =	sadd.s32 s8, s31;
	s5 =	sadd.s32 $0x17000, s6;
	s6 =	sor.u32 $0x1C01, s30  }
0xf: {  	v0 =	vimm.f32 $1.000000000e+00;
	s7 =	sadd.s32 $0x3000, s9;
	s9 =	smax.u32 s10, $0x1;
	s10 =	sshrl.u32 s4, $0x3  }
.LBB2_1:
0x10: {  	[spmem:s10], [sflag:s6] =	dma.local [hbm:s5], $0x50  }
0x11: {  	_ =	swait.ge [sflag:s11], $0x50  }
0x12: {  	[sflag:s11] =	ssyncset.done $0x0  }
0x13: {  	[sflag:s11] =	ssyncadd.s32 $0xFFFFFFB0  }
0x14: {  	[tilespmem:s3], [sflag:$0x1] =	stream.linear.gather [hbm4b:s7+s3], $0x4F00, $0x38;
	[tilespmem:$0x5580] =	vst v63  }
0x15: {  	_ =	swait.ge [sflag:s11], $0x4F00  }
0x16: {  	[sflag:s11] =	ssyncset.done $0x0  }
0x17: {  	[sflag:s11] =	ssyncadd.s32 $0xFFFFB100  }
0x18: {  	[tilespmem:$0x5000] =	vst v0  }
0x19: {  	[tilespmem:$0x5010] =	vst v0  }
0x1a: {  	[tilespmem:$0x5020] =	vst v0  }
0x1b: {  	[tilespmem:$0x5030] =	vst v0  }
0x1c: {  	[tilespmem:$0x5040] =	vst v0  }
0x1d: {  	[tilespmem:$0x5050] =	vst v0  }
0x1e: {  	[tilespmem:$0x5060] =	vst v0  }
0x1f: {  	[tilespmem:$0x5070] =	vst v0  }
0x20: {  	s17 =	simm.s32 $0x0;
	[bflag:$0x0] =	sbarrier.arrive $0xFFFF  }
0x21: {  	[spmem:s2] =	stream.indirect.scatter.add.f32 [tilespmem:s13], [sflag:$0x1], $0x1, s17, s12, $0xb8;
	[tilespmem:$0x5580] =	vst v63  }
0x22: {  	_ =	swait.ge [sflag:s11], $0x80  }
0x23: {  	s17 =	simm.s32 $0x200;
	[sflag:s11] =	ssyncset.done $0x0  }
.LBB2_2:
0x24: {  	s18 =	sshra.s32 s17, $0x2;
	[sflag:s11] =	ssyncadd.s32 $0xFFFFFF80;
	p0 =	sne.s32 s17, $0x13A00  }
0x25: {  	[spmem:s2] =	stream.indirect.scatter.add.f32 [tilespmem:s13], [sflag:$0x1], $0x1, s18, s12, $0xb8;
	[tilespmem:$0x5580] =	vst v63  }
.Ltmp0:
0x26: {  	_ = 	snop;
	(pc) =	sbr.rel @p0 .LBB2_2-.Ltmp0, $4  }
0x27: {  	_ = 	snop  }
0x28: {  	s17 =	sadd.s32 $0x200, s17  }
0x29: {  	_ =	swait.ge [sflag:s11], $0x80  }
0x2a: {  	[sflag:s11] =	ssyncset.done $0x0  }
0x2b: {  	[sflag:s11] =	ssyncadd.s32 $0xFFFFFF80  }
0x2c: {  	[bflag:$0x0] =	sbarrier.arrive $0xFFFF  }
0x2d: {  	[tilespmem:s14], [sflag:$0x1] =	stream.linear.gather [spmem:s4], $0x280, $0x38;
	[tilespmem:$0x5580] =	vst v63  }
0x2e: {  	s16 =	sadd.s32 $0x1, s16;
	_ =	swait.ge [sflag:s11], $0x280  }
0x2f: {  	p0 =	sne.s32 s16, s9;
	[sflag:s11] =	ssyncset.done $0x0  }
.Ltmp1:
0x30: {  	[sflag:s11] =	ssyncadd.s32 $0xFFFFFD80;
	(pc) =	sbr.rel @p0 .LBB2_1-.Ltmp1, $4  }
0x31: {  	[hbm4b:s8+s12] =	stream.strided.scatter [tilespmem:s14], [sflag:$0x1], $0x280, s15, s12, $0x38;
	[tilespmem:$0x5580] =	vst v63  }
0x32: {  	_ =	swait.ge [sflag:s11], $0x280  }
0x33: {  	[sflag:s11] =	ssyncset.done $0x0  }
0x34: {  	[sflag:s11] =	ssyncadd.s32 $0xFFFFFD80  }
0x35: {  	_ =	sfence.sel $0x180000  }
0x36: {  	[bflag:$0x0] =	sbarrier.arrive $0xFFFF  }
0x37: {  	p0 =	sne.s32 s0, $0x0;
	_ =	strace $0x90000047  }
0x38: {  	s0 =	sadd.s32 @!p0 $0x100000, s1;
	[bflag:$0x2] =	sbarrier.arrive $0xFFFF  }
0x39: {  	[sflag:s0] =	ssyncadd.tile.s32 @!p0 $0x1;
	_ =	shalt  }
.Lfunc_end2:
_tile_overlayer_lowered:
.L_overlay_start_2:
0x3a: {  	(tag) =	ssettag $0x2  }
0x3b: {  	s0 =	rddreg [dreg:$0x0];
	s2 =	stileid.u32  }
0x3c: {  	s1 =	rddreg [dreg:$0x1];
	p0 =	sne.s32 s2, $0x0  }
0x3d: {  	s3 =	rddreg [dreg:$0x2];
	[bflag:$0x3] =	sbarrier.arrive $0xFFFF;
	s2 =	simm.s32 @!p0 $0x1C01  }
0x3e: {  	[timem:s3], [sflag:s2] =	dma.local @!p0 [hbm:s0], s1  }
0x3f: {  	s0 =	simm.s32 @!p0 $0x1  }
0x40: {  	_ =	swait.ge @!p0 [sflag:s0], s1  }
0x41: {  	s1 =	ssub.s32 @!p0 $0x0, s1;
	[sflag:s0] =	ssyncset.done @!p0 $0x0  }
0x42: {  	[sflag:s0] =	ssyncadd.s32 @!p0 s1  }
0x43: {  	[bflag:$0x3] =	sbarrier.arrive $0xFFFF  }
0x44: {  	_ =	shalt  }

</sc_bundles>
